<compile_context>
chip_gen: v7x
topology: tpu7x:2x2x1
jax: 0.10.2.dev20260603
libtpu: 0.0.44.dev20260713+nightly
codegen_flags: <defaults>
</compile_context>

<pallas_src>
import jax
import jax.numpy as jnp
from jax import lax
from jax.experimental import pallas as pl
from jax.experimental.pallas import tpu as pltpu
from jax.experimental.pallas import tpu_sc as plsc

N = 10000
E = 320000
D = 128
H = 256
H2 = 512
L = 3
G = 64
BN_EPS = 1e-5

HHALF = 128
NS = 16
EPT = E // NS
CH = 80
NCHUNK = EPT // CH
NROWCH = N // CH

RB = 1000
NBLK = N // RB



def _sc_agg_body(h_lo, h_hi, src_hbm, dst_hbm, agg_lo, agg_hi,
                 idx_v, rows_v, sem, acc):
    c = lax.axis_index("c")
    s = lax.axis_index("s")

    if True:
        def zrow(i, carry):
            for k in range(HHALF // 16):
                rows_v[i, pl.ds(k * 16, 16)] = jnp.zeros((16,), jnp.float32)
            return carry
        lax.fori_loop(0, CH, zrow, 0)

        def zchunk(k, carry):
            idx = s + k * NS

            @pl.when(idx < NROWCH)
            def _():
                pltpu.sync_copy(rows_v, acc.at[pl.ds(idx * CH, CH)])
            return carry
        lax.fori_loop(0, (NROWCH + NS - 1) // NS, zchunk, 0)
        plsc.subcore_barrier()

        def edges(h_ref):
            base = s * EPT

            def chunk(j, carry):
                b = base + j * CH
                pltpu.sync_copy(src_hbm.at[pl.ds(b, CH)], idx_v.at[0])
                pltpu.sync_copy(dst_hbm.at[pl.ds(b, CH)], idx_v.at[1])
                pltpu.async_copy(h_ref.at[idx_v.at[0]], rows_v, sem).wait()
                pltpu.sync_copy(rows_v, acc.at[idx_v.at[1]], add=True)
                return carry
            lax.fori_loop(0, NCHUNK, chunk, 0)

        @pl.when(c == 0)
        def _():
            edges(h_lo)

        @pl.when(c == 1)
        def _():
            edges(h_hi)

        plsc.subcore_barrier()

        def writeback(out_ref):
            def wchunk(k, carry):
                idx = s + k * NS

                @pl.when(idx < NROWCH)
                def _():
                    pltpu.sync_copy(acc.at[pl.ds(idx * CH, CH)],
                                    out_ref.at[pl.ds(idx * CH, CH)])
                return carry
            lax.fori_loop(0, (NROWCH + NS - 1) // NS, wchunk, 0)

        @pl.when(c == 0)
        def _():
            writeback(agg_lo)

        @pl.when(c == 1)
        def _():
            writeback(agg_hi)


def _sc_agg(h_lo, h_hi, src2d, dst2d):
    mesh = plsc.VectorSubcoreMesh(core_axis_name="c", subcore_axis_name="s")
    return pl.kernel(
        _sc_agg_body,
        out_type=(jax.ShapeDtypeStruct((N, HHALF), jnp.float32),
                  jax.ShapeDtypeStruct((N, HHALF), jnp.float32)),
        mesh=mesh,
        scratch_types=(pltpu.VMEM((2, CH), jnp.int32),
                       pltpu.VMEM((CH, HHALF), jnp.float32),
                       pltpu.SemaphoreType.DMA,
                       pltpu.VMEM_SHARED((N, HHALF), jnp.float32)),
    )(h_lo, h_hi, src2d, dst2d)



def _stats_update(z, s_ref, q_ref, width):
    i = pl.program_id(0)
    mu_b = jnp.mean(z, axis=0, keepdims=True)
    zc = z - mu_b
    m2_b = jnp.sum(zc * zc, axis=0, keepdims=True)

    @pl.when(i == 0)
    def _():
        s_ref[...] = jnp.broadcast_to(mu_b, (8, width))
        q_ref[...] = jnp.broadcast_to(m2_b, (8, width))

    @pl.when(i > 0)
    def _():
        nprev = (i * RB).astype(jnp.float32)
        nnew = nprev + RB
        mu_run = s_ref[0:1, :]
        delta = mu_b - mu_run
        s_ref[...] = jnp.broadcast_to(
            mu_run + delta * (RB / nnew), (8, width))
        q_ref[...] = jnp.broadcast_to(
            q_ref[0:1, :] + m2_b + delta * delta * (nprev * RB / nnew),
            (8, width))


def _bn_apply(z, s_ref, q_ref, g_ref, be_ref):
    mean = s_ref[0:1, :]
    var = q_ref[0:1, :] * (1.0 / N)
    return g_ref[...] * (z - mean) / jnp.sqrt(var + BN_EPS) + be_ref[...]

def _mlp_in(x, w, b):
    def body(x_ref, w_ref, b_ref, lo_ref, hi_ref):
        z = jnp.dot(x_ref[...], w_ref[...], preferred_element_type=jnp.float32)
        z = jnp.maximum(z + b_ref[...], 0.0)
        lo_ref[...] = z[:, :HHALF]
        hi_ref[...] = z[:, HHALF:]

    return pl.pallas_call(
        body,
        grid=(NBLK,),
        in_specs=[pl.BlockSpec((RB, D), lambda i: (i, 0)),
                  pl.BlockSpec((D, H), lambda i: (0, 0)),
                  pl.BlockSpec((1, H), lambda i: (0, 0))],
        out_specs=[pl.BlockSpec((RB, HHALF), lambda i: (i, 0)),
                   pl.BlockSpec((RB, HHALF), lambda i: (i, 0))],
        out_shape=[jax.ShapeDtypeStruct((N, HHALF), jnp.float32)] * 2,
    )(x, w, b)


def _k1(h_lo, h_hi, agg_lo, agg_hi, w1, b1, scale):
    def body(hlo_ref, hhi_ref, alo_ref, ahi_ref, w1_ref, b1_ref, sc_ref,
             z_ref, s_ref, q_ref):
        sc = sc_ref[0, 0]
        u = jnp.concatenate(
            [sc * hlo_ref[...] + alo_ref[...],
             sc * hhi_ref[...] + ahi_ref[...]], axis=1)
        z = jnp.dot(u, w1_ref[...], preferred_element_type=jnp.float32)
        z = z + b1_ref[...]
        z_ref[...] = z
        _stats_update(z, s_ref, q_ref, H2)

    return pl.pallas_call(
        body,
        grid=(NBLK,),
        in_specs=[pl.BlockSpec((RB, HHALF), lambda i: (i, 0)),
                  pl.BlockSpec((RB, HHALF), lambda i: (i, 0)),
                  pl.BlockSpec((RB, HHALF), lambda i: (i, 0)),
                  pl.BlockSpec((RB, HHALF), lambda i: (i, 0)),
                  pl.BlockSpec((H, H2), lambda i: (0, 0)),
                  pl.BlockSpec((1, H2), lambda i: (0, 0)),
                  pl.BlockSpec(memory_space=pltpu.SMEM)],
        out_specs=[pl.BlockSpec((RB, H2), lambda i: (i, 0)),
                   pl.BlockSpec((8, H2), lambda i: (0, 0)),
                   pl.BlockSpec((8, H2), lambda i: (0, 0))],
        out_shape=[jax.ShapeDtypeStruct((N, H2), jnp.float32),
                   jax.ShapeDtypeStruct((8, H2), jnp.float32),
                   jax.ShapeDtypeStruct((8, H2), jnp.float32)],
    )(h_lo, h_hi, agg_lo, agg_hi, w1, b1, scale)


def _k2(z1, s1, q1, g1, be1, w2, b2):
    def body(z_ref, s1_ref, q1_ref, g_ref, be_ref, w2_ref, b2_ref,
             z2_ref, s_ref, q_ref):
        a = jnp.maximum(_bn_apply(z_ref[...], s1_ref, q1_ref, g_ref, be_ref),
                        0.0)
        z2 = jnp.dot(a, w2_ref[...], preferred_element_type=jnp.float32)
        z2 = z2 + b2_ref[...]
        z2_ref[...] = z2
        _stats_update(z2, s_ref, q_ref, H)

    return pl.pallas_call(
        body,
        grid=(NBLK,),
        in_specs=[pl.BlockSpec((RB, H2), lambda i: (i, 0)),
                  pl.BlockSpec((8, H2), lambda i: (0, 0)),
                  pl.BlockSpec((8, H2), lambda i: (0, 0)),
                  pl.BlockSpec((1, H2), lambda i: (0, 0)),
                  pl.BlockSpec((1, H2), lambda i: (0, 0)),
                  pl.BlockSpec((H2, H), lambda i: (0, 0)),
                  pl.BlockSpec((1, H), lambda i: (0, 0))],
        out_specs=[pl.BlockSpec((RB, H), lambda i: (i, 0)),
                   pl.BlockSpec((8, H), lambda i: (0, 0)),
                   pl.BlockSpec((8, H), lambda i: (0, 0))],
        out_shape=[jax.ShapeDtypeStruct((N, H), jnp.float32),
                   jax.ShapeDtypeStruct((8, H), jnp.float32),
                   jax.ShapeDtypeStruct((8, H), jnp.float32)],
    )(z1, s1, q1, g1, be1, w2, b2)


def _k3(z2, s2, q2, g, b):
    def body(z_ref, s_ref, q_ref, g_ref, be_ref, lo_ref, hi_ref):
        hcur = jnp.maximum(_bn_apply(z_ref[...], s_ref, q_ref, g_ref, be_ref),
                           0.0)
        lo_ref[...] = hcur[:, :HHALF]
        hi_ref[...] = hcur[:, HHALF:]

    return pl.pallas_call(
        body,
        grid=(NBLK,),
        in_specs=[pl.BlockSpec((RB, H), lambda i: (i, 0)),
                  pl.BlockSpec((8, H), lambda i: (0, 0)),
                  pl.BlockSpec((8, H), lambda i: (0, 0)),
                  pl.BlockSpec((1, H), lambda i: (0, 0)),
                  pl.BlockSpec((1, H), lambda i: (0, 0))],
        out_specs=[pl.BlockSpec((RB, HHALF), lambda i: (i, 0)),
                   pl.BlockSpec((RB, HHALF), lambda i: (i, 0))],
        out_shape=[jax.ShapeDtypeStruct((N, HHALF), jnp.float32)] * 2,
    )(z2, s2, q2, g, b)


def _k3_last(z2, s2, q2, g, b, bt, wl1, bl1, wl2p, bl2p):
    def body(z_ref, s_ref, q_ref, g_ref, be_ref, bt_ref,
             wl1_ref, bl1_ref, wl2_ref, bl2_ref, out_ref, pool_ref):
        hcur = jnp.maximum(_bn_apply(z_ref[...], s_ref, q_ref, g_ref, be_ref),
                           0.0)
        bcol = bt_ref[...][:, 0:1]
        oh = (bcol == lax.broadcasted_iota(jnp.int32, (1, G), 1)
              ).astype(jnp.float32)
        part = lax.dot_general(oh, hcur, (((0,), (0,)), ((), ())),
                               preferred_element_type=jnp.float32)
        i = pl.program_id(0)

        @pl.when(i == 0)
        def _():
            pool_ref[...] = jnp.zeros_like(pool_ref)
        pool_ref[...] += part

        @pl.when(i == NBLK - 1)
        def _():
            o = jnp.dot(pool_ref[...], wl1_ref[...],
                        preferred_element_type=jnp.float32) + bl1_ref[...]
            o = jnp.maximum(o, 0.0)
            out_ref[...] = jnp.dot(o, wl2_ref[...],
                                   preferred_element_type=jnp.float32) \
                + bl2_ref[...]

    return pl.pallas_call(
        body,
        grid=(NBLK,),
        in_specs=[pl.BlockSpec((RB, H), lambda i: (i, 0)),
                  pl.BlockSpec((8, H), lambda i: (0, 0)),
                  pl.BlockSpec((8, H), lambda i: (0, 0)),
                  pl.BlockSpec((1, H), lambda i: (0, 0)),
                  pl.BlockSpec((1, H), lambda i: (0, 0)),
                  pl.BlockSpec((RB, 8), lambda i: (i, 0)),
                  pl.BlockSpec((H, H), lambda i: (0, 0)),
                  pl.BlockSpec((1, H), lambda i: (0, 0)),
                  pl.BlockSpec((H, HHALF), lambda i: (0, 0)),
                  pl.BlockSpec((1, HHALF), lambda i: (0, 0))],
        out_specs=pl.BlockSpec((G, HHALF), lambda i: (0, 0)),
        out_shape=jax.ShapeDtypeStruct((G, HHALF), jnp.float32),
        scratch_shapes=[pltpu.VMEM((G, H), jnp.float32)],
    )(z2, s2, q2, g, b, bt, wl1, bl1, wl2p, bl2p)


def kernel(x, edge_index, batch, params):
    p = params
    src = edge_index[0]
    dst = edge_index[1]
    bt = jnp.broadcast_to(batch[:, None], (N, 8))
    wl2p = jnp.pad(p['W_l2'], ((0, 0), (0, HHALF - 1)))
    bl2p = jnp.pad(p['b_l2'].reshape(1, 1), ((0, 0), (0, HHALF - 1)))

    h_lo, h_hi = _mlp_in(x, p['W_in'], p['b_in'].reshape(1, H))
    out = None
    for l in range(L):
        agg_lo, agg_hi = _sc_agg(h_lo, h_hi, src, dst)
        scale = (1.0 + p['eps'][l]).reshape(1, 1)
        z1, s1, q1 = _k1(h_lo, h_hi, agg_lo, agg_hi,
                         p[f'c{l}_W1'], p[f'c{l}_b1'].reshape(1, H2), scale)
        z2, s2, q2 = _k2(z1, s1, q1, p[f'c{l}_g1'].reshape(1, H2),
                         p[f'c{l}_be1'].reshape(1, H2),
                         p[f'c{l}_W2'], p[f'c{l}_b2'].reshape(1, H))
        if l < L - 1:
            h_lo, h_hi = _k3(z2, s2, q2, p[f'bn{l}_g'].reshape(1, H),
                             p[f'bn{l}_b'].reshape(1, H))
        else:
            out = _k3_last(z2, s2, q2, p[f'bn{l}_g'].reshape(1, H),
                           p[f'bn{l}_b'].reshape(1, H), bt,
                           p['W_l1'], p['b_l1'].reshape(1, H),
                           wl2p, bl2p)
    return out[:, 0:1]

# --- scband reference (transcript-rebuilt; emitter-appended) ---
"""Pipeline reference for scband-gnnmodel-28509992911379 (READ-ONLY COPY).

The authoritative reference and input builder live on the scoring server;
editing this copy changes nothing except your own understanding.
"""

import jax, jax.numpy as jnp
import numpy as np

N = 10000
E = 320000
D = 128
H = 256
L = 3
G = 64
BN_EPS = 1e-5


def _bn(x, gamma, beta):
    m = jnp.mean(x, axis=0)
    v = jnp.var(x, axis=0)
    return gamma * (x - m) / jnp.sqrt(v + BN_EPS) + beta


def setup_inputs(seed: int = 0):
    key = jax.random.key(seed)
    ks = jax.random.split(key, 64)
    x = jax.random.normal(ks[0], (N, D), dtype=jnp.float32)
    edge_index = jax.random.randint(ks[1], (2, E), 0, N, dtype=jnp.int32)
    batch = jnp.sort(jax.random.randint(ks[2], (N,), 0, G, dtype=jnp.int32))
    p = {}
    p['W_in'] = jax.random.normal(ks[3], (D, H), dtype=jnp.float32) * 0.05
    p['b_in'] = jnp.zeros((H,), dtype=jnp.float32)
    p['eps'] = jnp.zeros((L,), dtype=jnp.float32)
    ki = 4
    for l in range(L):
        p[f'c{l}_W1'] = jax.random.normal(ks[ki], (H, 2 * H), dtype=jnp.float32) * 0.05; ki += 1
        p[f'c{l}_b1'] = jnp.zeros((2 * H,), dtype=jnp.float32)
        p[f'c{l}_g1'] = jnp.ones((2 * H,), dtype=jnp.float32)
        p[f'c{l}_be1'] = jnp.zeros((2 * H,), dtype=jnp.float32)
        p[f'c{l}_W2'] = jax.random.normal(ks[ki], (2 * H, H), dtype=jnp.float32) * 0.05; ki += 1
        p[f'c{l}_b2'] = jnp.zeros((H,), dtype=jnp.float32)
        p[f'bn{l}_g'] = jnp.ones((H,), dtype=jnp.float32)
        p[f'bn{l}_b'] = jnp.zeros((H,), dtype=jnp.float32)
    p['W_l1'] = jax.random.normal(ks[ki], (H, H), dtype=jnp.float32) * 0.05; ki += 1
    p['b_l1'] = jnp.zeros((H,), dtype=jnp.float32)
    p['W_l2'] = jax.random.normal(ks[ki], (H, 1), dtype=jnp.float32) * 0.05; ki += 1
    p['b_l2'] = jnp.zeros((1,), dtype=jnp.float32)
    return {'x': x, 'edge_index': edge_index, 'batch': batch, 'params': p}


def reference(x, edge_index, batch, params):
    h = jax.nn.relu(x @ params['W_in'] + params['b_in'])
    src = edge_index[0]
    dst = edge_index[1]
    for l in range(L):
        agg = jax.ops.segment_sum(h[src], dst, num_segments=N)
        z = (1.0 + params['eps'][l]) * h + agg
        z = z @ params[f'c{l}_W1'] + params[f'c{l}_b1']
        z = jax.nn.relu(_bn(z, params[f'c{l}_g1'], params[f'c{l}_be1']))
        z = z @ params[f'c{l}_W2'] + params[f'c{l}_b2']
        h = jax.nn.relu(_bn(z, params[f'bn{l}_g'], params[f'bn{l}_b']))
    pooled = jax.ops.segment_sum(h, batch, num_segments=G)
    out = jax.nn.relu(pooled @ params['W_l1'] + params['b_l1'])
    out = out @ params['W_l2'] + params['b_l2']
    return out

if __name__ == "__main__":
    import jax
    _d = setup_inputs()
    print(jax.jit(kernel)(*tuple(_d.values())))

</pallas_src>

<mosaic_0001>
#map = affine_map<(d0, d1) -> (0, 0)>
#map1 = affine_map<(d0, d1) -> (0)>
module attributes {stable_mosaic.version = 14 : i64} {
  func.func @_sc_agg_body(%arg0: i32, %arg1: i32, %arg2: memref<10000x128xf32, #tpu.memory_space<hbm>>, %arg3: memref<10000x128xf32, #tpu.memory_space<hbm>>, %arg4: memref<320000xi32, #tpu.memory_space<hbm>>, %arg5: memref<320000xi32, #tpu.memory_space<hbm>>, %arg6: memref<10000x128xf32, #tpu.memory_space<hbm>>, %arg7: memref<10000x128xf32, #tpu.memory_space<hbm>>, %arg8: memref<2x80xi32, #tpu.memory_space<vmem>>, %arg9: memref<80x128xf32, #tpu.memory_space<vmem>>, %arg10: memref<!tpu.dma_semaphore, #tpu.memory_space<semaphore_mem>>, %arg11: memref<10000x128xf32, #tpu.memory_space<vmem_shared>>) attributes {dimension_semantics = [#tpu.dimension_semantics<core_parallel>, #tpu.dimension_semantics<subcore_parallel>], iteration_bounds = array<i64: 2, 16>, scalar_prefetch = 0 : i64, scratch_operands = 4 : i64, tpu.core_type = #tpu.core_type<sc_vector_subcore>, window_params = [{transform_indices = #map}, {transform_indices = #map}, {transform_indices = #map1}, {transform_indices = #map1}, {transform_indices = #map}, {transform_indices = #map}]} {
    %scan3A = arith.constant 0 : i32
    %scan3A_0 = arith.constant 0 : i32
    %scan3A_1 = arith.constant 80 : i32
    %scan3A_2 = arith.addi %scan3A_0, %scan3A_1 : i32
    %scan3A_3 = arith.constant 1 : i32
    scf.for %scan3A_29 = %scan3A_0 to %scan3A_2 step %scan3A_3  : i32 {
      %broadcast_in_dim3A = arith.constant 0.000000e+00 : f32
      %broadcast_in_dim3A_30 = vector.broadcast %broadcast_in_dim3A : f32 to vector<16xf32>
      %swap3A = arith.index_cast %scan3A_29 : i32 to index
      %swap3A_31 = arith.constant 0 : index
      %swap3A_32 = tpu.vector_load %arg9[%swap3A, %swap3A_31] {strides = array<i32>} : memref<80x128xf32, #tpu.memory_space<vmem>>, vector<1x16xf32>,
      %swap3A_33 = vector.shape_cast %swap3A_32 : vector<1x16xf32> to vector<16xf32>
      %swap3A_34 = vector.shape_cast %broadcast_in_dim3A_30 : vector<16xf32> to vector<1x16xf32>
      tpu.vector_store %arg9[%swap3A, %swap3A_31], %swap3A_34 {strides = array<i32>} : memref<80x128xf32, #tpu.memory_space<vmem>>, vector<1x16xf32>,
      %broadcast_in_dim3A_35 = arith.constant 0.000000e+00 : f32
      %broadcast_in_dim3A_36 = vector.broadcast %broadcast_in_dim3A_35 : f32 to vector<16xf32>
      %swap3A_37 = arith.index_cast %scan3A_29 : i32 to index
      %swap3A_38 = arith.constant 16 : index
      %swap3A_39 = tpu.vector_load %arg9[%swap3A_37, %swap3A_38] {strides = array<i32>} : memref<80x128xf32, #tpu.memory_space<vmem>>, vector<1x16xf32>,
      %swap3A_40 = vector.shape_cast %swap3A_39 : vector<1x16xf32> to vector<16xf32>
      %swap3A_41 = vector.shape_cast %broadcast_in_dim3A_36 : vector<16xf32> to vector<1x16xf32>
      tpu.vector_store %arg9[%swap3A_37, %swap3A_38], %swap3A_41 {strides = array<i32>} : memref<80x128xf32, #tpu.memory_space<vmem>>, vector<1x16xf32>,
      %broadcast_in_dim3A_42 = arith.constant 0.000000e+00 : f32
      %broadcast_in_dim3A_43 = vector.broadcast %broadcast_in_dim3A_42 : f32 to vector<16xf32>
      %swap3A_44 = arith.index_cast %scan3A_29 : i32 to index
      %swap3A_45 = arith.constant 32 : index
      %swap3A_46 = tpu.vector_load %arg9[%swap3A_44, %swap3A_45] {strides = array<i32>} : memref<80x128xf32, #tpu.memory_space<vmem>>, vector<1x16xf32>,
      %swap3A_47 = vector.shape_cast %swap3A_46 : vector<1x16xf32> to vector<16xf32>
      %swap3A_48 = vector.shape_cast %broadcast_in_dim3A_43 : vector<16xf32> to vector<1x16xf32>
      tpu.vector_store %arg9[%swap3A_44, %swap3A_45], %swap3A_48 {strides = array<i32>} : memref<80x128xf32, #tpu.memory_space<vmem>>, vector<1x16xf32>,
      %broadcast_in_dim3A_49 = arith.constant 0.000000e+00 : f32
      %broadcast_in_dim3A_50 = vector.broadcast %broadcast_in_dim3A_49 : f32 to vector<16xf32>
      %swap3A_51 = arith.index_cast %scan3A_29 : i32 to index
      %swap3A_52 = arith.constant 48 : index
      %swap3A_53 = tpu.vector_load %arg9[%swap3A_51, %swap3A_52] {strides = array<i32>} : memref<80x128xf32, #tpu.memory_space<vmem>>, vector<1x16xf32>,
      %swap3A_54 = vector.shape_cast %swap3A_53 : vector<1x16xf32> to vector<16xf32>
      %swap3A_55 = vector.shape_cast %broadcast_in_dim3A_50 : vector<16xf32> to vector<1x16xf32>
      tpu.vector_store %arg9[%swap3A_51, %swap3A_52], %swap3A_55 {strides = array<i32>} : memref<80x128xf32, #tpu.memory_space<vmem>>, vector<1x16xf32>,
      %broadcast_in_dim3A_56 = arith.constant 0.000000e+00 : f32
      %broadcast_in_dim3A_57 = vector.broadcast %broadcast_in_dim3A_56 : f32 to vector<16xf32>
      %swap3A_58 = arith.index_cast %scan3A_29 : i32 to index
      %swap3A_59 = arith.constant 64 : index
      %swap3A_60 = tpu.vector_load %arg9[%swap3A_58, %swap3A_59] {strides = array<i32>} : memref<80x128xf32, #tpu.memory_space<vmem>>, vector<1x16xf32>,
      %swap3A_61 = vector.shape_cast %swap3A_60 : vector<1x16xf32> to vector<16xf32>
      %swap3A_62 = vector.shape_cast %broadcast_in_dim3A_57 : vector<16xf32> to vector<1x16xf32>
      tpu.vector_store %arg9[%swap3A_58, %swap3A_59], %swap3A_62 {strides = array<i32>} : memref<80x128xf32, #tpu.memory_space<vmem>>, vector<1x16xf32>,
      %broadcast_in_dim3A_63 = arith.constant 0.000000e+00 : f32
      %broadcast_in_dim3A_64 = vector.broadcast %broadcast_in_dim3A_63 : f32 to vector<16xf32>
      %swap3A_65 = arith.index_cast %scan3A_29 : i32 to index
      %swap3A_66 = arith.constant 80 : index
      %swap3A_67 = tpu.vector_load %arg9[%swap3A_65, %swap3A_66] {strides = array<i32>} : memref<80x128xf32, #tpu.memory_space<vmem>>, vector<1x16xf32>,
      %swap3A_68 = vector.shape_cast %swap3A_67 : vector<1x16xf32> to vector<16xf32>
      %swap3A_69 = vector.shape_cast %broadcast_in_dim3A_64 : vector<16xf32> to vector<1x16xf32>
      tpu.vector_store %arg9[%swap3A_65, %swap3A_66], %swap3A_69 {strides = array<i32>} : memref<80x128xf32, #tpu.memory_space<vmem>>, vector<1x16xf32>,
      %broadcast_in_dim3A_70 = arith.constant 0.000000e+00 : f32
      %broadcast_in_dim3A_71 = vector.broadcast %broadcast_in_dim3A_70 : f32 to vector<16xf32>
      %swap3A_72 = arith.index_cast %scan3A_29 : i32 to index
      %swap3A_73 = arith.constant 96 : index
      %swap3A_74 = tpu.vector_load %arg9[%swap3A_72, %swap3A_73] {strides = array<i32>} : memref<80x128xf32, #tpu.memory_space<vmem>>, vector<1x16xf32>,
      %swap3A_75 = vector.shape_cast %swap3A_74 : vector<1x16xf32> to vector<16xf32>
      %swap3A_76 = vector.shape_cast %broadcast_in_dim3A_71 : vector<16xf32> to vector<1x16xf32>
      tpu.vector_store %arg9[%swap3A_72, %swap3A_73], %swap3A_76 {strides = array<i32>} : memref<80x128xf32, #tpu.memory_space<vmem>>, vector<1x16xf32>,
      %broadcast_in_dim3A_77 = arith.constant 0.000000e+00 : f32
      %broadcast_in_dim3A_78 = vector.broadcast %broadcast_in_dim3A_77 : f32 to vector<16xf32>
      %swap3A_79 = arith.index_cast %scan3A_29 : i32 to index
      %swap3A_80 = arith.constant 112 : index
      %swap3A_81 = tpu.vector_load %arg9[%swap3A_79, %swap3A_80] {strides = array<i32>} : memref<80x128xf32, #tpu.memory_space<vmem>>, vector<1x16xf32>,
      %swap3A_82 = vector.shape_cast %swap3A_81 : vector<1x16xf32> to vector<16xf32>
      %swap3A_83 = vector.shape_cast %broadcast_in_dim3A_78 : vector<16xf32> to vector<1x16xf32>
      tpu.vector_store %arg9[%swap3A_79, %swap3A_80], %swap3A_83 {strides = array<i32>} : memref<80x128xf32, #tpu.memory_space<vmem>>, vector<1x16xf32>,
    }
    %scan3A_4 = arith.constant 80 : i32
    %scan3A_5 = arith.constant 0 : i32
    %scan3A_6 = arith.constant 0 : i32
    %scan3A_7 = arith.constant 8 : i32
    %scan3A_8 = arith.addi %scan3A_6, %scan3A_7 : i32
    %scan3A_9 = arith.constant 1 : i32
    scf.for %scan3A_29 = %scan3A_6 to %scan3A_8 step %scan3A_9  : i32 {
      %mul3A = arith.constant 16 : i32
      %mul3A_30 = arith.muli %scan3A_29, %mul3A : i32
      %add3A = arith.addi %arg1, %mul3A_30 : i32
      %lt3A = arith.constant 125 : i32
      %lt3A_31 = arith.cmpi slt, %add3A, %lt3A : i32
      %convert_element_type3A_32 = arith.extui %lt3A_31 : i1 to i32
      %cond3A_33 = arith.constant 0 : i32
      %cond3A_34 = arith.cmpi ne, %convert_element_type3A_32, %cond3A_33 : i32
      scf.if %cond3A_34 {
        %mul3A_35 = arith.constant 80 : i32
        %mul3A_36 = arith.muli %add3A, %mul3A_35 : i32
        "tpu.region"() ({
          %run_scoped3A = tpu.sem_alloc : memref<!tpu.dma_semaphore, #tpu.memory_space<semaphore_mem>>
          %dma_start3A = arith.constant 0 : i32
          %dma_start3A_37 = tpu.memref_slice %arg11[%mul3A_36, %dma_start3A] : memref<10000x128xf32, #tpu.memory_space<vmem_shared>> -> memref<80x128xf32, #tpu.memory_space<vmem_shared>>
          %dma_start3A_38 = arith.constant 0 : i32
          %dma_start3A_39 = tpu.memref_slice %arg11[%mul3A_36, %dma_start3A_38] : memref<10000x128xf32, #tpu.memory_space<vmem_shared>> -> memref<80x128xf32, #tpu.memory_space<vmem_shared>>
          tpu.enqueue_dma source(%arg9 : memref<80x128xf32, #tpu.memory_space<vmem>>) target(%dma_start3A_39 : memref<80x128xf32, #tpu.memory_space<vmem_shared>>) target_semaphore(%run_scoped3A : memref<!tpu.dma_semaphore, #tpu.memory_space<semaphore_mem>>)
          %dma_wait3A = arith.constant 0 : i32
          %dma_wait3A_40 = tpu.memref_slice %arg11[%mul3A_36, %dma_wait3A] : memref<10000x128xf32, #tpu.memory_space<vmem_shared>> -> memref<80x128xf32, #tpu.memory_space<vmem_shared>>
          %dma_wait3A_41 = arith.constant 0 : i32
          %dma_wait3A_42 = tpu.memref_slice %arg11[%mul3A_36, %dma_wait3A_41] : memref<10000x128xf32, #tpu.memory_space<vmem_shared>> -> memref<80x128xf32, #tpu.memory_space<vmem_shared>>
          tpu.wait_dma2 semaphore(%run_scoped3A : memref<!tpu.dma_semaphore, #tpu.memory_space<semaphore_mem>>) src(%arg9 : memref<80x128xf32, #tpu.memory_space<vmem>>) dst(%dma_wait3A_42 : memref<80x128xf32, #tpu.memory_space<vmem_shared>>)
          tpu.yield
        }) : () -> ()
      } else {
      }
    }
    %scan3A_10 = arith.constant 8 : i32
    %barrier3A = arith.constant 0 : index
    tpu.barrier barrier_id(%barrier3A)
    %eq3A = arith.constant 0 : i32
    %eq3A_11 = arith.cmpi eq, %arg0, %eq3A : i32
    %convert_element_type3A = arith.extui %eq3A_11 : i1 to i32
    %cond3A = arith.constant 0 : i32
    %cond3A_12 = arith.cmpi ne, %convert_element_type3A, %cond3A : i32
    scf.if %cond3A_12 {
      %mul3A = arith.constant 20000 : i32
      %mul3A_29 = arith.muli %arg1, %mul3A : i32
      %scan3A_30 = arith.constant 0 : i32
      %scan3A_31 = arith.constant 0 : i32
      %scan3A_32 = arith.constant 250 : i32
      %scan3A_33 = arith.addi %scan3A_31, %scan3A_32 : i32
      %scan3A_34 = arith.constant 1 : i32
      scf.for %scan3A_36 = %scan3A_31 to %scan3A_33 step %scan3A_34  : i32 {
        %mul3A_37 = arith.constant 80 : i32
        %mul3A_38 = arith.muli %scan3A_36, %mul3A_37 : i32
        %add3A = arith.addi %mul3A_29, %mul3A_38 : i32
        %run_scoped3A = arith.constant 0 : i32
        "tpu.region"() ({
          %run_scoped3A_53 = tpu.sem_alloc : memref<!tpu.dma_semaphore, #tpu.memory_space<semaphore_mem>>
          %dma_start3A_54 = arith.constant 0 : i32
          %dma_start3A_55 = tpu.memref_slice %arg8[%run_scoped3A, %dma_start3A_54] : memref<2x80xi32, #tpu.memory_space<vmem>> -> memref<1x80xi32, #tpu.memory_space<vmem>>
          %dma_start3A_56 = tpu.memref_squeeze %dma_start3A_55 : memref<1x80xi32, #tpu.memory_space<vmem>> -> memref<80xi32, #tpu.memory_space<vmem>>
          %dma_start3A_57 = tpu.memref_slice %arg4[%add3A] : memref<320000xi32, #tpu.memory_space<hbm>> -> memref<80xi32, #tpu.memory_space<hbm>>
          %dma_start3A_58 = arith.constant 0 : i32
          %dma_start3A_59 = tpu.memref_slice %arg8[%run_scoped3A, %dma_start3A_58] : memref<2x80xi32, #tpu.memory_space<vmem>> -> memref<1x80xi32, #tpu.memory_space<vmem>>
          %dma_start3A_60 = tpu.memref_squeeze %dma_start3A_59 : memref<1x80xi32, #tpu.memory_space<vmem>> -> memref<80xi32, #tpu.memory_space<vmem>>
          %dma_start3A_61 = tpu.memref_slice %arg4[%add3A] : memref<320000xi32, #tpu.memory_space<hbm>> -> memref<80xi32, #tpu.memory_space<hbm>>
          tpu.enqueue_dma source(%dma_start3A_61 : memref<80xi32, #tpu.memory_space<hbm>>) target(%dma_start3A_60 : memref<80xi32, #tpu.memory_space<vmem>>) target_semaphore(%run_scoped3A_53 : memref<!tpu.dma_semaphore, #tpu.memory_space<semaphore_mem>>)
          %dma_wait3A_62 = arith.constant 0 : i32
          %dma_wait3A_63 = tpu.memref_slice %arg8[%run_scoped3A, %dma_wait3A_62] : memref<2x80xi32, #tpu.memory_space<vmem>> -> memref<1x80xi32, #tpu.memory_space<vmem>>
          %dma_wait3A_64 = tpu.memref_squeeze %dma_wait3A_63 : memref<1x80xi32, #tpu.memory_space<vmem>> -> memref<80xi32, #tpu.memory_space<vmem>>
          %dma_wait3A_65 = tpu.memref_slice %arg4[%add3A] : memref<320000xi32, #tpu.memory_space<hbm>> -> memref<80xi32, #tpu.memory_space<hbm>>
          %dma_wait3A_66 = arith.constant 0 : i32
          %dma_wait3A_67 = tpu.memref_slice %arg8[%run_scoped3A, %dma_wait3A_66] : memref<2x80xi32, #tpu.memory_space<vmem>> -> memref<1x80xi32, #tpu.memory_space<vmem>>
          %dma_wait3A_68 = tpu.memref_squeeze %dma_wait3A_67 : memref<1x80xi32, #tpu.memory_space<vmem>> -> memref<80xi32, #tpu.memory_space<vmem>>
          %dma_wait3A_69 = tpu.memref_slice %arg4[%add3A] : memref<320000xi32, #tpu.memory_space<hbm>> -> memref<80xi32, #tpu.memory_space<hbm>>
          tpu.wait_dma2 semaphore(%run_scoped3A_53 : memref<!tpu.dma_semaphore, #tpu.memory_space<semaphore_mem>>) src(%dma_wait3A_69 : memref<80xi32, #tpu.memory_space<hbm>>) dst(%dma_wait3A_68 : memref<80xi32, #tpu.memory_space<vmem>>)
          tpu.yield
        }) : () -> ()
        %run_scoped3A_39 = arith.constant 1 : i32
        "tpu.region"() ({
          %run_scoped3A_53 = tpu.sem_alloc : memref<!tpu.dma_semaphore, #tpu.memory_space<semaphore_mem>>
          %dma_start3A_54 = arith.constant 0 : i32
          %dma_start3A_55 = tpu.memref_slice %arg8[%run_scoped3A_39, %dma_start3A_54] : memref<2x80xi32, #tpu.memory_space<vmem>> -> memref<1x80xi32, #tpu.memory_space<vmem>>
          %dma_start3A_56 = tpu.memref_squeeze %dma_start3A_55 : memref<1x80xi32, #tpu.memory_space<vmem>> -> memref<80xi32, #tpu.memory_space<vmem>>
          %dma_start3A_57 = tpu.memref_slice %arg5[%add3A] : memref<320000xi32, #tpu.memory_space<hbm>> -> memref<80xi32, #tpu.memory_space<hbm>>
          %dma_start3A_58 = arith.constant 0 : i32
          %dma_start3A_59 = tpu.memref_slice %arg8[%run_scoped3A_39, %dma_start3A_58] : memref<2x80xi32, #tpu.memory_space<vmem>> -> memref<1x80xi32, #tpu.memory_space<vmem>>
          %dma_start3A_60 = tpu.memref_squeeze %dma_start3A_59 : memref<1x80xi32, #tpu.memory_space<vmem>> -> memref<80xi32, #tpu.memory_space<vmem>>
          %dma_start3A_61 = tpu.memref_slice %arg5[%add3A] : memref<320000xi32, #tpu.memory_space<hbm>> -> memref<80xi32, #tpu.memory_space<hbm>>
          tpu.enqueue_dma source(%dma_start3A_61 : memref<80xi32, #tpu.memory_space<hbm>>) target(%dma_start3A_60 : memref<80xi32, #tpu.memory_space<vmem>>) target_semaphore(%run_scoped3A_53 : memref<!tpu.dma_semaphore, #tpu.memory_space<semaphore_mem>>)
          %dma_wait3A_62 = arith.constant 0 : i32
          %dma_wait3A_63 = tpu.memref_slice %arg8[%run_scoped3A_39, %dma_wait3A_62] : memref<2x80xi32, #tpu.memory_space<vmem>> -> memref<1x80xi32, #tpu.memory_space<vmem>>
          %dma_wait3A_64 = tpu.memref_squeeze %dma_wait3A_63 : memref<1x80xi32, #tpu.memory_space<vmem>> -> memref<80xi32, #tpu.memory_space<vmem>>
          %dma_wait3A_65 = tpu.memref_slice %arg5[%add3A] : memref<320000xi32, #tpu.memory_space<hbm>> -> memref<80xi32, #tpu.memory_space<hbm>>
          %dma_wait3A_66 = arith.constant 0 : i32
          %dma_wait3A_67 = tpu.memref_slice %arg8[%run_scoped3A_39, %dma_wait3A_66] : memref<2x80xi32, #tpu.memory_space<vmem>> -> memref<1x80xi32, #tpu.memory_space<vmem>>
          %dma_wait3A_68 = tpu.memref_squeeze %dma_wait3A_67 : memref<1x80xi32, #tpu.memory_space<vmem>> -> memref<80xi32, #tpu.memory_space<vmem>>
          %dma_wait3A_69 = tpu.memref_slice %arg5[%add3A] : memref<320000xi32, #tpu.memory_space<hbm>> -> memref<80xi32, #tpu.memory_space<hbm>>
          tpu.wait_dma2 semaphore(%run_scoped3A_53 : memref<!tpu.dma_semaphore, #tpu.memory_space<semaphore_mem>>) src(%dma_wait3A_69 : memref<80xi32, #tpu.memory_space<hbm>>) dst(%dma_wait3A_68 : memref<80xi32, #tpu.memory_space<vmem>>)
          tpu.yield
        }) : () -> ()
        %dma_start3A = arith.constant 0 : i32
        %dma_start3A_40 = arith.constant 0 : i32
        %dma_start3A_41 = tpu.memref_slice %arg8[%dma_start3A, %dma_start3A_40] : memref<2x80xi32, #tpu.memory_space<vmem>> -> memref<1x80xi32, #tpu.memory_space<vmem>>
        %dma_start3A_42 = tpu.memref_squeeze %dma_start3A_41 : memref<1x80xi32, #tpu.memory_space<vmem>> -> memref<80xi32, #tpu.memory_space<vmem>>
        %dma_start3A_43 = arith.constant 0 : i32
        %dma_start3A_44 = arith.constant 0 : i32
        %dma_start3A_45 = tpu.memref_slice %arg2[%dma_start3A_43, %dma_start3A_44] : memref<10000x128xf32, #tpu.memory_space<hbm>> -> memref<10000x128xf32, #tpu.memory_space<hbm>>
        tpu.enqueue_indirect_dma source(%dma_start3A_45 : memref<10000x128xf32, #tpu.memory_space<hbm>>) target(%arg9 : memref<80x128xf32, #tpu.memory_space<vmem>>) offsets(%dma_start3A_42 : memref<80xi32, #tpu.memory_space<vmem>>) semaphore(%arg10 : memref<!tpu.dma_semaphore, #tpu.memory_space<semaphore_mem>>)
        %dma_wait3A = arith.constant 0 : i32
        %dma_wait3A_46 = arith.constant 0 : i32
        %dma_wait3A_47 = tpu.memref_slice %arg8[%dma_wait3A, %dma_wait3A_46] : memref<2x80xi32, #tpu.memory_space<vmem>> -> memref<1x80xi32, #tpu.memory_space<vmem>>
        %dma_wait3A_48 = tpu.memref_squeeze %dma_wait3A_47 : memref<1x80xi32, #tpu.memory_space<vmem>> -> memref<80xi32, #tpu.memory_space<vmem>>
        %dma_wait3A_49 = arith.constant 0 : i32
        %dma_wait3A_50 = arith.constant 0 : i32
        %dma_wait3A_51 = tpu.memref_slice %arg2[%dma_wait3A_49, %dma_wait3A_50] : memref<10000x128xf32, #tpu.memory_space<hbm>> -> memref<10000x128xf32, #tpu.memory_space<hbm>>
        tpu.wait_indirect_dma semaphore(%arg10 : memref<!tpu.dma_semaphore, #tpu.memory_space<semaphore_mem>>) src(%dma_wait3A_51 : memref<10000x128xf32, #tpu.memory_space<hbm>>) dst(%arg9 : memref<80x128xf32, #tpu.memory_space<vmem>>)
        %run_scoped3A_52 = arith.constant 1 : i32
        "tpu.region"() ({
          %run_scoped3A_53 = tpu.sem_alloc : memref<!tpu.dma_semaphore, #tpu.memory_space<semaphore_mem>>
          %dma_start3A_54 = arith.constant 0 : i32
          %dma_start3A_55 = tpu.memref_slice %arg8[%run_scoped3A_52, %dma_start3A_54] : memref<2x80xi32, #tpu.memory_space<vmem>> -> memref<1x80xi32, #tpu.memory_space<vmem>>
          %dma_start3A_56 = tpu.memref_squeeze %dma_start3A_55 : memref<1x80xi32, #tpu.memory_space<vmem>> -> memref<80xi32, #tpu.memory_space<vmem>>
          %dma_start3A_57 = arith.constant 0 : i32
          %dma_start3A_58 = arith.constant 0 : i32
          %dma_start3A_59 = tpu.memref_slice %arg11[%dma_start3A_57, %dma_start3A_58] : memref<10000x128xf32, #tpu.memory_space<vmem_shared>> -> memref<10000x128xf32, #tpu.memory_space<vmem_shared>>
          tpu.enqueue_indirect_dma source(%arg9 : memref<80x128xf32, #tpu.memory_space<vmem>>) target(%dma_start3A_59 : memref<10000x128xf32, #tpu.memory_space<vmem_shared>>) offsets(%dma_start3A_56 : memref<80xi32, #tpu.memory_space<vmem>>) semaphore(%run_scoped3A_53 : memref<!tpu.dma_semaphore, #tpu.memory_space<semaphore_mem>>) {add = true}
          %dma_wait3A_60 = arith.constant 0 : i32
          %dma_wait3A_61 = tpu.memref_slice %arg8[%run_scoped3A_52, %dma_wait3A_60] : memref<2x80xi32, #tpu.memory_space<vmem>> -> memref<1x80xi32, #tpu.memory_space<vmem>>
          %dma_wait3A_62 = tpu.memref_squeeze %dma_wait3A_61 : memref<1x80xi32, #tpu.memory_space<vmem>> -> memref<80xi32, #tpu.memory_space<vmem>>
          %dma_wait3A_63 = arith.constant 0 : i32
          %dma_wait3A_64 = arith.constant 0 : i32
          %dma_wait3A_65 = tpu.memref_slice %arg11[%dma_wait3A_63, %dma_wait3A_64] : memref<10000x128xf32, #tpu.memory_space<vmem_shared>> -> memref<10000x128xf32, #tpu.memory_space<vmem_shared>>
          tpu.wait_indirect_dma semaphore(%run_scoped3A_53 : memref<!tpu.dma_semaphore, #tpu.memory_space<semaphore_mem>>) src(%arg9 : memref<80x128xf32, #tpu.memory_space<vmem>>) dst(%dma_wait3A_65 : memref<10000x128xf32, #tpu.memory_space<vmem_shared>>)
          tpu.yield
        }) : () -> ()
      }
      %scan3A_35 = arith.constant 250 : i32
    } else {
    }
    %eq3A_13 = arith.constant 1 : i32
    %eq3A_14 = arith.cmpi eq, %arg0, %eq3A_13 : i32
    %convert_element_type3A_15 = arith.extui %eq3A_14 : i1 to i32
    %cond3A_16 = arith.constant 0 : i32
    %cond3A_17 = arith.cmpi ne, %convert_element_type3A_15, %cond3A_16 : i32
    scf.if %cond3A_17 {
      %mul3A = arith.constant 20000 : i32
      %mul3A_29 = arith.muli %arg1, %mul3A : i32
      %scan3A_30 = arith.constant 0 : i32
      %scan3A_31 = arith.constant 0 : i32
      %scan3A_32 = arith.constant 250 : i32
      %scan3A_33 = arith.addi %scan3A_31, %scan3A_32 : i32
      %scan3A_34 = arith.constant 1 : i32
      scf.for %scan3A_36 = %scan3A_31 to %scan3A_33 step %scan3A_34  : i32 {
        %mul3A_37 = arith.constant 80 : i32
        %mul3A_38 = arith.muli %scan3A_36, %mul3A_37 : i32
        %add3A = arith.addi %mul3A_29, %mul3A_38 : i32
        %run_scoped3A = arith.constant 0 : i32
        "tpu.region"() ({
          %run_scoped3A_53 = tpu.sem_alloc : memref<!tpu.dma_semaphore, #tpu.memory_space<semaphore_mem>>
          %dma_start3A_54 = arith.constant 0 : i32
          %dma_start3A_55 = tpu.memref_slice %arg8[%run_scoped3A, %dma_start3A_54] : memref<2x80xi32, #tpu.memory_space<vmem>> -> memref<1x80xi32, #tpu.memory_space<vmem>>
          %dma_start3A_56 = tpu.memref_squeeze %dma_start3A_55 : memref<1x80xi32, #tpu.memory_space<vmem>> -> memref<80xi32, #tpu.memory_space<vmem>>
          %dma_start3A_57 = tpu.memref_slice %arg4[%add3A] : memref<320000xi32, #tpu.memory_space<hbm>> -> memref<80xi32, #tpu.memory_space<hbm>>
          %dma_start3A_58 = arith.constant 0 : i32
          %dma_start3A_59 = tpu.memref_slice %arg8[%run_scoped3A, %dma_start3A_58] : memref<2x80xi32, #tpu.memory_space<vmem>> -> memref<1x80xi32, #tpu.memory_space<vmem>>
          %dma_start3A_60 = tpu.memref_squeeze %dma_start3A_59 : memref<1x80xi32, #tpu.memory_space<vmem>> -> memref<80xi32, #tpu.memory_space<vmem>>
          %dma_start3A_61 = tpu.memref_slice %arg4[%add3A] : memref<320000xi32, #tpu.memory_space<hbm>> -> memref<80xi32, #tpu.memory_space<hbm>>
          tpu.enqueue_dma source(%dma_start3A_61 : memref<80xi32, #tpu.memory_space<hbm>>) target(%dma_start3A_60 : memref<80xi32, #tpu.memory_space<vmem>>) target_semaphore(%run_scoped3A_53 : memref<!tpu.dma_semaphore, #tpu.memory_space<semaphore_mem>>)
          %dma_wait3A_62 = arith.constant 0 : i32
          %dma_wait3A_63 = tpu.memref_slice %arg8[%run_scoped3A, %dma_wait3A_62] : memref<2x80xi32, #tpu.memory_space<vmem>> -> memref<1x80xi32, #tpu.memory_space<vmem>>
          %dma_wait3A_64 = tpu.memref_squeeze %dma_wait3A_63 : memref<1x80xi32, #tpu.memory_space<vmem>> -> memref<80xi32, #tpu.memory_space<vmem>>
          %dma_wait3A_65 = tpu.memref_slice %arg4[%add3A] : memref<320000xi32, #tpu.memory_space<hbm>> -> memref<80xi32, #tpu.memory_space<hbm>>
          %dma_wait3A_66 = arith.constant 0 : i32
          %dma_wait3A_67 = tpu.memref_slice %arg8[%run_scoped3A, %dma_wait3A_66] : memref<2x80xi32, #tpu.memory_space<vmem>> -> memref<1x80xi32, #tpu.memory_space<vmem>>
          %dma_wait3A_68 = tpu.memref_squeeze %dma_wait3A_67 : memref<1x80xi32, #tpu.memory_space<vmem>> -> memref<80xi32, #tpu.memory_space<vmem>>
          %dma_wait3A_69 = tpu.memref_slice %arg4[%add3A] : memref<320000xi32, #tpu.memory_space<hbm>> -> memref<80xi32, #tpu.memory_space<hbm>>
          tpu.wait_dma2 semaphore(%run_scoped3A_53 : memref<!tpu.dma_semaphore, #tpu.memory_space<semaphore_mem>>) src(%dma_wait3A_69 : memref<80xi32, #tpu.memory_space<hbm>>) dst(%dma_wait3A_68 : memref<80xi32, #tpu.memory_space<vmem>>)
          tpu.yield
        }) : () -> ()
        %run_scoped3A_39 = arith.constant 1 : i32
        "tpu.region"() ({
          %run_scoped3A_53 = tpu.sem_alloc : memref<!tpu.dma_semaphore, #tpu.memory_space<semaphore_mem>>
          %dma_start3A_54 = arith.constant 0 : i32
          %dma_start3A_55 = tpu.memref_slice %arg8[%run_scoped3A_39, %dma_start3A_54] : memref<2x80xi32, #tpu.memory_space<vmem>> -> memref<1x80xi32, #tpu.memory_space<vmem>>
          %dma_start3A_56 = tpu.memref_squeeze %dma_start3A_55 : memref<1x80xi32, #tpu.memory_space<vmem>> -> memref<80xi32, #tpu.memory_space<vmem>>
          %dma_start3A_57 = tpu.memref_slice %arg5[%add3A] : memref<320000xi32, #tpu.memory_space<hbm>> -> memref<80xi32, #tpu.memory_space<hbm>>
          %dma_start3A_58 = arith.constant 0 : i32
          %dma_start3A_59 = tpu.memref_slice %arg8[%run_scoped3A_39, %dma_start3A_58] : memref<2x80xi32, #tpu.memory_space<vmem>> -> memref<1x80xi32, #tpu.memory_space<vmem>>
          %dma_start3A_60 = tpu.memref_squeeze %dma_start3A_59 : memref<1x80xi32, #tpu.memory_space<vmem>> -> memref<80xi32, #tpu.memory_space<vmem>>
          %dma_start3A_61 = tpu.memref_slice %arg5[%add3A] : memref<320000xi32, #tpu.memory_space<hbm>> -> memref<80xi32, #tpu.memory_space<hbm>>
          tpu.enqueue_dma source(%dma_start3A_61 : memref<80xi32, #tpu.memory_space<hbm>>) target(%dma_start3A_60 : memref<80xi32, #tpu.memory_space<vmem>>) target_semaphore(%run_scoped3A_53 : memref<!tpu.dma_semaphore, #tpu.memory_space<semaphore_mem>>)
          %dma_wait3A_62 = arith.constant 0 : i32
          %dma_wait3A_63 = tpu.memref_slice %arg8[%run_scoped3A_39, %dma_wait3A_62] : memref<2x80xi32, #tpu.memory_space<vmem>> -> memref<1x80xi32, #tpu.memory_space<vmem>>
          %dma_wait3A_64 = tpu.memref_squeeze %dma_wait3A_63 : memref<1x80xi32, #tpu.memory_space<vmem>> -> memref<80xi32, #tpu.memory_space<vmem>>
          %dma_wait3A_65 = tpu.memref_slice %arg5[%add3A] : memref<320000xi32, #tpu.memory_space<hbm>> -> memref<80xi32, #tpu.memory_space<hbm>>
          %dma_wait3A_66 = arith.constant 0 : i32
          %dma_wait3A_67 = tpu.memref_slice %arg8[%run_scoped3A_39, %dma_wait3A_66] : memref<2x80xi32, #tpu.memory_space<vmem>> -> memref<1x80xi32, #tpu.memory_space<vmem>>
          %dma_wait3A_68 = tpu.memref_squeeze %dma_wait3A_67 : memref<1x80xi32, #tpu.memory_space<vmem>> -> memref<80xi32, #tpu.memory_space<vmem>>
          %dma_wait3A_69 = tpu.memref_slice %arg5[%add3A] : memref<320000xi32, #tpu.memory_space<hbm>> -> memref<80xi32, #tpu.memory_space<hbm>>
          tpu.wait_dma2 semaphore(%run_scoped3A_53 : memref<!tpu.dma_semaphore, #tpu.memory_space<semaphore_mem>>) src(%dma_wait3A_69 : memref<80xi32, #tpu.memory_space<hbm>>) dst(%dma_wait3A_68 : memref<80xi32, #tpu.memory_space<vmem>>)
          tpu.yield
        }) : () -> ()
        %dma_start3A = arith.constant 0 : i32
        %dma_start3A_40 = arith.constant 0 : i32
        %dma_start3A_41 = tpu.memref_slice %arg8[%dma_start3A, %dma_start3A_40] : memref<2x80xi32, #tpu.memory_space<vmem>> -> memref<1x80xi32, #tpu.memory_space<vmem>>
        %dma_start3A_42 = tpu.memref_squeeze %dma_start3A_41 : memref<1x80xi32, #tpu.memory_space<vmem>> -> memref<80xi32, #tpu.memory_space<vmem>>
        %dma_start3A_43 = arith.constant 0 : i32
        %dma_start3A_44 = arith.constant 0 : i32
        %dma_start3A_45 = tpu.memref_slice %arg3[%dma_start3A_43, %dma_start3A_44] : memref<10000x128xf32, #tpu.memory_space<hbm>> -> memref<10000x128xf32, #tpu.memory_space<hbm>>
        tpu.enqueue_indirect_dma source(%dma_start3A_45 : memref<10000x128xf32, #tpu.memory_space<hbm>>) target(%arg9 : memref<80x128xf32, #tpu.memory_space<vmem>>) offsets(%dma_start3A_42 : memref<80xi32, #tpu.memory_space<vmem>>) semaphore(%arg10 : memref<!tpu.dma_semaphore, #tpu.memory_space<semaphore_mem>>)
        %dma_wait3A = arith.constant 0 : i32
        %dma_wait3A_46 = arith.constant 0 : i32
        %dma_wait3A_47 = tpu.memref_slice %arg8[%dma_wait3A, %dma_wait3A_46] : memref<2x80xi32, #tpu.memory_space<vmem>> -> memref<1x80xi32, #tpu.memory_space<vmem>>
        %dma_wait3A_48 = tpu.memref_squeeze %dma_wait3A_47 : memref<1x80xi32, #tpu.memory_space<vmem>> -> memref<80xi32, #tpu.memory_space<vmem>>
        %dma_wait3A_49 = arith.constant 0 : i32
        %dma_wait3A_50 = arith.constant 0 : i32
        %dma_wait3A_51 = tpu.memref_slice %arg3[%dma_wait3A_49, %dma_wait3A_50] : memref<10000x128xf32, #tpu.memory_space<hbm>> -> memref<10000x128xf32, #tpu.memory_space<hbm>>
        tpu.wait_indirect_dma semaphore(%arg10 : memref<!tpu.dma_semaphore, #tpu.memory_space<semaphore_mem>>) src(%dma_wait3A_51 : memref<10000x128xf32, #tpu.memory_space<hbm>>) dst(%arg9 : memref<80x128xf32, #tpu.memory_space<vmem>>)
        %run_scoped3A_52 = arith.constant 1 : i32
        "tpu.region"() ({
          %run_scoped3A_53 = tpu.sem_alloc : memref<!tpu.dma_semaphore, #tpu.memory_space<semaphore_mem>>
          %dma_start3A_54 = arith.constant 0 : i32
          %dma_start3A_55 = tpu.memref_slice %arg8[%run_scoped3A_52, %dma_start3A_54] : memref<2x80xi32, #tpu.memory_space<vmem>> -> memref<1x80xi32, #tpu.memory_space<vmem>>
          %dma_start3A_56 = tpu.memref_squeeze %dma_start3A_55 : memref<1x80xi32, #tpu.memory_space<vmem>> -> memref<80xi32, #tpu.memory_space<vmem>>
          %dma_start3A_57 = arith.constant 0 : i32
          %dma_start3A_58 = arith.constant 0 : i32
          %dma_start3A_59 = tpu.memref_slice %arg11[%dma_start3A_57, %dma_start3A_58] : memref<10000x128xf32, #tpu.memory_space<vmem_shared>> -> memref<10000x128xf32, #tpu.memory_space<vmem_shared>>
          tpu.enqueue_indirect_dma source(%arg9 : memref<80x128xf32, #tpu.memory_space<vmem>>) target(%dma_start3A_59 : memref<10000x128xf32, #tpu.memory_space<vmem_shared>>) offsets(%dma_start3A_56 : memref<80xi32, #tpu.memory_space<vmem>>) semaphore(%run_scoped3A_53 : memref<!tpu.dma_semaphore, #tpu.memory_space<semaphore_mem>>) {add = true}
          %dma_wait3A_60 = arith.constant 0 : i32
          %dma_wait3A_61 = tpu.memref_slice %arg8[%run_scoped3A_52, %dma_wait3A_60] : memref<2x80xi32, #tpu.memory_space<vmem>> -> memref<1x80xi32, #tpu.memory_space<vmem>>
          %dma_wait3A_62 = tpu.memref_squeeze %dma_wait3A_61 : memref<1x80xi32, #tpu.memory_space<vmem>> -> memref<80xi32, #tpu.memory_space<vmem>>
          %dma_wait3A_63 = arith.constant 0 : i32
          %dma_wait3A_64 = arith.constant 0 : i32
          %dma_wait3A_65 = tpu.memref_slice %arg11[%dma_wait3A_63, %dma_wait3A_64] : memref<10000x128xf32, #tpu.memory_space<vmem_shared>> -> memref<10000x128xf32, #tpu.memory_space<vmem_shared>>
          tpu.wait_indirect_dma semaphore(%run_scoped3A_53 : memref<!tpu.dma_semaphore, #tpu.memory_space<semaphore_mem>>) src(%arg9 : memref<80x128xf32, #tpu.memory_space<vmem>>) dst(%dma_wait3A_65 : memref<10000x128xf32, #tpu.memory_space<vmem_shared>>)
          tpu.yield
        }) : () -> ()
      }
      %scan3A_35 = arith.constant 250 : i32
    } else {
    }
    %barrier3A_18 = arith.constant 0 : index
    tpu.barrier barrier_id(%barrier3A_18)
    %eq3A_19 = arith.constant 0 : i32
    %eq3A_20 = arith.cmpi eq, %arg0, %eq3A_19 : i32
    %convert_element_type3A_21 = arith.extui %eq3A_20 : i1 to i32
    %cond3A_22 = arith.constant 0 : i32
    %cond3A_23 = arith.cmpi ne, %convert_element_type3A_21, %cond3A_22 : i32
    scf.if %cond3A_23 {
      %scan3A_29 = arith.constant 0 : i32
      %scan3A_30 = arith.constant 0 : i32
      %scan3A_31 = arith.constant 8 : i32
      %scan3A_32 = arith.addi %scan3A_30, %scan3A_31 : i32
      %scan3A_33 = arith.constant 1 : i32
      scf.for %scan3A_35 = %scan3A_30 to %scan3A_32 step %scan3A_33  : i32 {
        %mul3A = arith.constant 16 : i32
        %mul3A_36 = arith.muli %scan3A_35, %mul3A : i32
        %add3A = arith.addi %arg1, %mul3A_36 : i32
        %lt3A = arith.constant 125 : i32
        %lt3A_37 = arith.cmpi slt, %add3A, %lt3A : i32
        %convert_element_type3A_38 = arith.extui %lt3A_37 : i1 to i32
        %cond3A_39 = arith.constant 0 : i32
        %cond3A_40 = arith.cmpi ne, %convert_element_type3A_38, %cond3A_39 : i32
        scf.if %cond3A_40 {
          %mul3A_41 = arith.constant 80 : i32
          %mul3A_42 = arith.muli %add3A, %mul3A_41 : i32
          %mul3A_43 = arith.constant 80 : i32
          %mul3A_44 = arith.muli %add3A, %mul3A_43 : i32
          "tpu.region"() ({
            %run_scoped3A = tpu.sem_alloc : memref<!tpu.dma_semaphore, #tpu.memory_space<semaphore_mem>>
            %dma_start3A = arith.constant 0 : i32
            %dma_start3A_45 = tpu.memref_slice %arg6[%mul3A_44, %dma_start3A] : memref<10000x128xf32, #tpu.memory_space<hbm>> -> memref<80x128xf32, #tpu.memory_space<hbm>>
            %dma_start3A_46 = arith.constant 0 : i32
            %dma_start3A_47 = tpu.memref_slice %arg11[%mul3A_42, %dma_start3A_46] : memref<10000x128xf32, #tpu.memory_space<vmem_shared>> -> memref<80x128xf32, #tpu.memory_space<vmem_shared>>
            tpu.enqueue_dma source(%dma_start3A_47 : memref<80x128xf32, #tpu.memory_space<vmem_shared>>) target(%dma_start3A_45 : memref<80x128xf32, #tpu.memory_space<hbm>>) target_semaphore(%run_scoped3A : memref<!tpu.dma_semaphore, #tpu.memory_space<semaphore_mem>>)
            %dma_wait3A = arith.constant 0 : i32
            %dma_wait3A_48 = tpu.memref_slice %arg6[%mul3A_44, %dma_wait3A] : memref<10000x128xf32, #tpu.memory_space<hbm>> -> memref<80x128xf32, #tpu.memory_space<hbm>>
            %dma_wait3A_49 = arith.constant 0 : i32
            %dma_wait3A_50 = tpu.memref_slice %arg11[%mul3A_42, %dma_wait3A_49] : memref<10000x128xf32, #tpu.memory_space<vmem_shared>> -> memref<80x128xf32, #tpu.memory_space<vmem_shared>>
            tpu.wait_dma2 semaphore(%run_scoped3A : memref<!tpu.dma_semaphore, #tpu.memory_space<semaphore_mem>>) src(%dma_wait3A_50 : memref<80x128xf32, #tpu.memory_space<vmem_shared>>) dst(%dma_wait3A_48 : memref<80x128xf32, #tpu.memory_space<hbm>>)
            tpu.yield
          }) : () -> ()
        } else {
        }
      }
      %scan3A_34 = arith.constant 8 : i32
    } else {
    }
    %eq3A_24 = arith.constant 1 : i32
    %eq3A_25 = arith.cmpi eq, %arg0, %eq3A_24 : i32
    %convert_element_type3A_26 = arith.extui %eq3A_25 : i1 to i32
    %cond3A_27 = arith.constant 0 : i32
    %cond3A_28 = arith.cmpi ne, %convert_element_type3A_26, %cond3A_27 : i32
    scf.if %cond3A_28 {
      %scan3A_29 = arith.constant 0 : i32
      %scan3A_30 = arith.constant 0 : i32
      %scan3A_31 = arith.constant 8 : i32
      %scan3A_32 = arith.addi %scan3A_30, %scan3A_31 : i32
      %scan3A_33 = arith.constant 1 : i32
      scf.for %scan3A_35 = %scan3A_30 to %scan3A_32 step %scan3A_33  : i32 {
        %mul3A = arith.constant 16 : i32
        %mul3A_36 = arith.muli %scan3A_35, %mul3A : i32
        %add3A = arith.addi %arg1, %mul3A_36 : i32
        %lt3A = arith.constant 125 : i32
        %lt3A_37 = arith.cmpi slt, %add3A, %lt3A : i32
        %convert_element_type3A_38 = arith.extui %lt3A_37 : i1 to i32
        %cond3A_39 = arith.constant 0 : i32
        %cond3A_40 = arith.cmpi ne, %convert_element_type3A_38, %cond3A_39 : i32
        scf.if %cond3A_40 {
          %mul3A_41 = arith.constant 80 : i32
          %mul3A_42 = arith.muli %add3A, %mul3A_41 : i32
          %mul3A_43 = arith.constant 80 : i32
          %mul3A_44 = arith.muli %add3A, %mul3A_43 : i32
          "tpu.region"() ({
            %run_scoped3A = tpu.sem_alloc : memref<!tpu.dma_semaphore, #tpu.memory_space<semaphore_mem>>
            %dma_start3A = arith.constant 0 : i32
            %dma_start3A_45 = tpu.memref_slice %arg7[%mul3A_44, %dma_start3A] : memref<10000x128xf32, #tpu.memory_space<hbm>> -> memref<80x128xf32, #tpu.memory_space<hbm>>
            %dma_start3A_46 = arith.constant 0 : i32
            %dma_start3A_47 = tpu.memref_slice %arg11[%mul3A_42, %dma_start3A_46] : memref<10000x128xf32, #tpu.memory_space<vmem_shared>> -> memref<80x128xf32, #tpu.memory_space<vmem_shared>>
            tpu.enqueue_dma source(%dma_start3A_47 : memref<80x128xf32, #tpu.memory_space<vmem_shared>>) target(%dma_start3A_45 : memref<80x128xf32, #tpu.memory_space<hbm>>) target_semaphore(%run_scoped3A : memref<!tpu.dma_semaphore, #tpu.memory_space<semaphore_mem>>)
            %dma_wait3A = arith.constant 0 : i32
            %dma_wait3A_48 = tpu.memref_slice %arg7[%mul3A_44, %dma_wait3A] : memref<10000x128xf32, #tpu.memory_space<hbm>> -> memref<80x128xf32, #tpu.memory_space<hbm>>
            %dma_wait3A_49 = arith.constant 0 : i32
            %dma_wait3A_50 = tpu.memref_slice %arg11[%mul3A_42, %dma_wait3A_49] : memref<10000x128xf32, #tpu.memory_space<vmem_shared>> -> memref<80x128xf32, #tpu.memory_space<vmem_shared>>
            tpu.wait_dma2 semaphore(%run_scoped3A : memref<!tpu.dma_semaphore, #tpu.memory_space<semaphore_mem>>) src(%dma_wait3A_50 : memref<80x128xf32, #tpu.memory_space<vmem_shared>>) dst(%dma_wait3A_48 : memref<80x128xf32, #tpu.memory_space<hbm>>)
            tpu.yield
          }) : () -> ()
        } else {
        }
      }
      %scan3A_34 = arith.constant 8 : i32
    } else {
    }
    return
  }
}

#map = affine_map<(d0, d1) -> (0, 0)>
#map1 = affine_map<(d0, d1) -> (0)>
module attributes {stable_mosaic.version = 14 : i64} {
  func.func @_sc_agg_body(%arg0: i32, %arg1: i32, %arg2: memref<10000x128xf32, #tpu.memory_space<hbm>>, %arg3: memref<10000x128xf32, #tpu.memory_space<hbm>>, %arg4: memref<320000xi32, #tpu.memory_space<hbm>>, %arg5: memref<320000xi32, #tpu.memory_space<hbm>>, %arg6: memref<10000x128xf32, #tpu.memory_space<hbm>>, %arg7: memref<10000x128xf32, #tpu.memory_space<hbm>>, %arg8: memref<2x80xi32, #tpu.memory_space<vmem>>, %arg9: memref<80x128xf32, #tpu.memory_space<vmem>>, %arg10: memref<!tpu.dma_semaphore, #tpu.memory_space<semaphore_mem>>, %arg11: memref<10000x128xf32, #tpu.memory_space<vmem_shared>>) attributes {dimension_semantics = [#tpu.dimension_semantics<core_parallel>, #tpu.dimension_semantics<subcore_parallel>], iteration_bounds = array<i64: 2, 16>, scalar_prefetch = 0 : i64, scratch_operands = 4 : i64, tpu.core_type = #tpu.core_type<sc_vector_subcore>, window_params = [{transform_indices = #map}, {transform_indices = #map}, {transform_indices = #map1}, {transform_indices = #map1}, {transform_indices = #map}, {transform_indices = #map}]} {
    %scan3A = arith.constant 0 : i32
    %scan3A_0 = arith.constant 0 : i32
    %scan3A_1 = arith.constant 80 : i32
    %scan3A_2 = arith.addi %scan3A_0, %scan3A_1 : i32
    %scan3A_3 = arith.constant 1 : i32
    scf.for %scan3A_29 = %scan3A_0 to %scan3A_2 step %scan3A_3  : i32 {
      %broadcast_in_dim3A = arith.constant 0.000000e+00 : f32
      %broadcast_in_dim3A_30 = vector.broadcast %broadcast_in_dim3A : f32 to vector<16xf32>
      %swap3A = arith.index_cast %scan3A_29 : i32 to index
      %swap3A_31 = arith.constant 0 : index
      %swap3A_32 = tpu.vector_load %arg9[%swap3A, %swap3A_31] {strides = array<i32>} : memref<80x128xf32, #tpu.memory_space<vmem>>, vector<1x16xf32>,
      %swap3A_33 = vector.shape_cast %swap3A_32 : vector<1x16xf32> to vector<16xf32>
      %swap3A_34 = vector.shape_cast %broadcast_in_dim3A_30 : vector<16xf32> to vector<1x16xf32>
      tpu.vector_store %arg9[%swap3A, %swap3A_31], %swap3A_34 {strides = array<i32>} : memref<80x128xf32, #tpu.memory_space<vmem>>, vector<1x16xf32>,
      %broadcast_in_dim3A_35 = arith.constant 0.000000e+00 : f32
      %broadcast_in_dim3A_36 = vector.broadcast %broadcast_in_dim3A_35 : f32 to vector<16xf32>
      %swap3A_37 = arith.index_cast %scan3A_29 : i32 to index
      %swap3A_38 = arith.constant 16 : index
      %swap3A_39 = tpu.vector_load %arg9[%swap3A_37, %swap3A_38] {strides = array<i32>} : memref<80x128xf32, #tpu.memory_space<vmem>>, vector<1x16xf32>,
      %swap3A_40 = vector.shape_cast %swap3A_39 : vector<1x16xf32> to vector<16xf32>
      %swap3A_41 = vector.shape_cast %broadcast_in_dim3A_36 : vector<16xf32> to vector<1x16xf32>
      tpu.vector_store %arg9[%swap3A_37, %swap3A_38], %swap3A_41 {strides = array<i32>} : memref<80x128xf32, #tpu.memory_space<vmem>>, vector<1x16xf32>,
      %broadcast_in_dim3A_42 = arith.constant 0.000000e+00 : f32
      %broadcast_in_dim3A_43 = vector.broadcast %broadcast_in_dim3A_42 : f32 to vector<16xf32>
      %swap3A_44 = arith.index_cast %scan3A_29 : i32 to index
      %swap3A_45 = arith.constant 32 : index
      %swap3A_46 = tpu.vector_load %arg9[%swap3A_44, %swap3A_45] {strides = array<i32>} : memref<80x128xf32, #tpu.memory_space<vmem>>, vector<1x16xf32>,
      %swap3A_47 = vector.shape_cast %swap3A_46 : vector<1x16xf32> to vector<16xf32>
      %swap3A_48 = vector.shape_cast %broadcast_in_dim3A_43 : vector<16xf32> to vector<1x16xf32>
      tpu.vector_store %arg9[%swap3A_44, %swap3A_45], %swap3A_48 {strides = array<i32>} : memref<80x128xf32, #tpu.memory_space<vmem>>, vector<1x16xf32>,
      %broadcast_in_dim3A_49 = arith.constant 0.000000e+00 : f32
      %broadcast_in_dim3A_50 = vector.broadcast %broadcast_in_dim3A_49 : f32 to vector<16xf32>
      %swap3A_51 = arith.index_cast %scan3A_29 : i32 to index
      %swap3A_52 = arith.constant 48 : index
      %swap3A_53 = tpu.vector_load %arg9[%swap3A_51, %swap3A_52] {strides = array<i32>} : memref<80x128xf32, #tpu.memory_space<vmem>>, vector<1x16xf32>,
      %swap3A_54 = vector.shape_cast %swap3A_53 : vector<1x16xf32> to vector<16xf32>
      %swap3A_55 = vector.shape_cast %broadcast_in_dim3A_50 : vector<16xf32> to vector<1x16xf32>
      tpu.vector_store %arg9[%swap3A_51, %swap3A_52], %swap3A_55 {strides = array<i32>} : memref<80x128xf32, #tpu.memory_space<vmem>>, vector<1x16xf32>,
      %broadcast_in_dim3A_56 = arith.constant 0.000000e+00 : f32
      %broadcast_in_dim3A_57 = vector.broadcast %broadcast_in_dim3A_56 : f32 to vector<16xf32>
      %swap3A_58 = arith.index_cast %scan3A_29 : i32 to index
      %swap3A_59 = arith.constant 64 : index
      %swap3A_60 = tpu.vector_load %arg9[%swap3A_58, %swap3A_59] {strides = array<i32>} : memref<80x128xf32, #tpu.memory_space<vmem>>, vector<1x16xf32>,
      %swap3A_61 = vector.shape_cast %swap3A_60 : vector<1x16xf32> to vector<16xf32>
      %swap3A_62 = vector.shape_cast %broadcast_in_dim3A_57 : vector<16xf32> to vector<1x16xf32>
      tpu.vector_store %arg9[%swap3A_58, %swap3A_59], %swap3A_62 {strides = array<i32>} : memref<80x128xf32, #tpu.memory_space<vmem>>, vector<1x16xf32>,
      %broadcast_in_dim3A_63 = arith.constant 0.000000e+00 : f32
      %broadcast_in_dim3A_64 = vector.broadcast %broadcast_in_dim3A_63 : f32 to vector<16xf32>
      %swap3A_65 = arith.index_cast %scan3A_29 : i32 to index
      %swap3A_66 = arith.constant 80 : index
      %swap3A_67 = tpu.vector_load %arg9[%swap3A_65, %swap3A_66] {strides = array<i32>} : memref<80x128xf32, #tpu.memory_space<vmem>>, vector<1x16xf32>,
      %swap3A_68 = vector.shape_cast %swap3A_67 : vector<1x16xf32> to vector<16xf32>
      %swap3A_69 = vector.shape_cast %broadcast_in_dim3A_64 : vector<16xf32> to vector<1x16xf32>
      tpu.vector_store %arg9[%swap3A_65, %swap3A_66], %swap3A_69 {strides = array<i32>} : memref<80x128xf32, #tpu.memory_space<vmem>>, vector<1x16xf32>,
      %broadcast_in_dim3A_70 = arith.constant 0.000000e+00 : f32
      %broadcast_in_dim3A_71 = vector.broadcast %broadcast_in_dim3A_70 : f32 to vector<16xf32>
      %swap3A_72 = arith.index_cast %scan3A_29 : i32 to index
      %swap3A_73 = arith.constant 96 : index
      %swap3A_74 = tpu.vector_load %arg9[%swap3A_72, %swap3A_73] {strides = array<i32>} : memref<80x128xf32, #tpu.memory_space<vmem>>, vector<1x16xf32>,
      %swap3A_75 = vector.shape_cast %swap3A_74 : vector<1x16xf32> to vector<16xf32>
      %swap3A_76 = vector.shape_cast %broadcast_in_dim3A_71 : vector<16xf32> to vector<1x16xf32>
      tpu.vector_store %arg9[%swap3A_72, %swap3A_73], %swap3A_76 {strides = array<i32>} : memref<80x128xf32, #tpu.memory_space<vmem>>, vector<1x16xf32>,
      %broadcast_in_dim3A_77 = arith.constant 0.000000e+00 : f32
      %broadcast_in_dim3A_78 = vector.broadcast %broadcast_in_dim3A_77 : f32 to vector<16xf32>
      %swap3A_79 = arith.index_cast %scan3A_29 : i32 to index
      %swap3A_80 = arith.constant 112 : index
      %swap3A_81 = tpu.vector_load %arg9[%swap3A_79, %swap3A_80] {strides = array<i32>} : memref<80x128xf32, #tpu.memory_space<vmem>>, vector<1x16xf32>,
      %swap3A_82 = vector.shape_cast %swap3A_81 : vector<1x16xf32> to vector<16xf32>
      %swap3A_83 = vector.shape_cast %broadcast_in_dim3A_78 : vector<16xf32> to vector<1x16xf32>
      tpu.vector_store %arg9[%swap3A_79, %swap3A_80], %swap3A_83 {strides = array<i32>} : memref<80x128xf32, #tpu.memory_space<vmem>>, vector<1x16xf32>,
    }
    %scan3A_4 = arith.constant 80 : i32
    %scan3A_5 = arith.constant 0 : i32
    %scan3A_6 = arith.constant 0 : i32
    %scan3A_7 = arith.constant 8 : i32
    %scan3A_8 = arith.addi %scan3A_6, %scan3A_7 : i32
    %scan3A_9 = arith.constant 1 : i32
    scf.for %scan3A_29 = %scan3A_6 to %scan3A_8 step %scan3A_9  : i32 {
      %mul3A = arith.constant 16 : i32
      %mul3A_30 = arith.muli %scan3A_29, %mul3A : i32
      %add3A = arith.addi %arg1, %mul3A_30 : i32
      %lt3A = arith.constant 125 : i32
      %lt3A_31 = arith.cmpi slt, %add3A, %lt3A : i32
      %convert_element_type3A_32 = arith.extui %lt3A_31 : i1 to i32
      %cond3A_33 = arith.constant 0 : i32
      %cond3A_34 = arith.cmpi ne, %convert_element_type3A_32, %cond3A_33 : i32
      scf.if %cond3A_34 {
        %mul3A_35 = arith.constant 80 : i32
        %mul3A_36 = arith.muli %add3A, %mul3A_35 : i32
        "tpu.region"() ({
          %run_scoped3A = tpu.sem_alloc : memref<!tpu.dma_semaphore, #tpu.memory_space<semaphore_mem>>
          %dma_start3A = arith.constant 0 : i32
          %dma_start3A_37 = tpu.memref_slice %arg11[%mul3A_36, %dma_start3A] : memref<10000x128xf32, #tpu.memory_space<vmem_shared>> -> memref<80x128xf32, #tpu.memory_space<vmem_shared>>
          %dma_start3A_38 = arith.constant 0 : i32
          %dma_start3A_39 = tpu.memref_slice %arg11[%mul3A_36, %dma_start3A_38] : memref<10000x128xf32, #tpu.memory_space<vmem_shared>> -> memref<80x128xf32, #tpu.memory_space<vmem_shared>>
          tpu.enqueue_dma source(%arg9 : memref<80x128xf32, #tpu.memory_space<vmem>>) target(%dma_start3A_39 : memref<80x128xf32, #tpu.memory_space<vmem_shared>>) target_semaphore(%run_scoped3A : memref<!tpu.dma_semaphore, #tpu.memory_space<semaphore_mem>>)
          %dma_wait3A = arith.constant 0 : i32
          %dma_wait3A_40 = tpu.memref_slice %arg11[%mul3A_36, %dma_wait3A] : memref<10000x128xf32, #tpu.memory_space<vmem_shared>> -> memref<80x128xf32, #tpu.memory_space<vmem_shared>>
          %dma_wait3A_41 = arith.constant 0 : i32
          %dma_wait3A_42 = tpu.memref_slice %arg11[%mul3A_36, %dma_wait3A_41] : memref<10000x128xf32, #tpu.memory_space<vmem_shared>> -> memref<80x128xf32, #tpu.memory_space<vmem_shared>>
          tpu.wait_dma2 semaphore(%run_scoped3A : memref<!tpu.dma_semaphore, #tpu.memory_space<semaphore_mem>>) src(%arg9 : memref<80x128xf32, #tpu.memory_space<vmem>>) dst(%dma_wait3A_42 : memref<80x128xf32, #tpu.memory_space<vmem_shared>>)
          tpu.yield
        }) : () -> ()
      } else {
      }
    }
    %scan3A_10 = arith.constant 8 : i32
    %barrier3A = arith.constant 0 : index
    tpu.barrier barrier_id(%barrier3A)
    %eq3A = arith.constant 0 : i32
    %eq3A_11 = arith.cmpi eq, %arg0, %eq3A : i32
    %convert_element_type3A = arith.extui %eq3A_11 : i1 to i32
    %cond3A = arith.constant 0 : i32
    %cond3A_12 = arith.cmpi ne, %convert_element_type3A, %cond3A : i32
    scf.if %cond3A_12 {
      %mul3A = arith.constant 20000 : i32
      %mul3A_29 = arith.muli %arg1, %mul3A : i32
      %scan3A_30 = arith.constant 0 : i32
      %scan3A_31 = arith.constant 0 : i32
      %scan3A_32 = arith.constant 250 : i32
      %scan3A_33 = arith.addi %scan3A_31, %scan3A_32 : i32
      %scan3A_34 = arith.constant 1 : i32
      scf.for %scan3A_36 = %scan3A_31 to %scan3A_33 step %scan3A_34  : i32 {
        %mul3A_37 = arith.constant 80 : i32
        %mul3A_38 = arith.muli %scan3A_36, %mul3A_37 : i32
        %add3A = arith.addi %mul3A_29, %mul3A_38 : i32
        %run_scoped3A = arith.constant 0 : i32
        "tpu.region"() ({
          %run_scoped3A_53 = tpu.sem_alloc : memref<!tpu.dma_semaphore, #tpu.memory_space<semaphore_mem>>
          %dma_start3A_54 = arith.constant 0 : i32
          %dma_start3A_55 = tpu.memref_slice %arg8[%run_scoped3A, %dma_start3A_54] : memref<2x80xi32, #tpu.memory_space<vmem>> -> memref<1x80xi32, #tpu.memory_space<vmem>>
          %dma_start3A_56 = tpu.memref_squeeze %dma_start3A_55 : memref<1x80xi32, #tpu.memory_space<vmem>> -> memref<80xi32, #tpu.memory_space<vmem>>
          %dma_start3A_57 = tpu.memref_slice %arg4[%add3A] : memref<320000xi32, #tpu.memory_space<hbm>> -> memref<80xi32, #tpu.memory_space<hbm>>
          %dma_start3A_58 = arith.constant 0 : i32
          %dma_start3A_59 = tpu.memref_slice %arg8[%run_scoped3A, %dma_start3A_58] : memref<2x80xi32, #tpu.memory_space<vmem>> -> memref<1x80xi32, #tpu.memory_space<vmem>>
          %dma_start3A_60 = tpu.memref_squeeze %dma_start3A_59 : memref<1x80xi32, #tpu.memory_space<vmem>> -> memref<80xi32, #tpu.memory_space<vmem>>
          %dma_start3A_61 = tpu.memref_slice %arg4[%add3A] : memref<320000xi32, #tpu.memory_space<hbm>> -> memref<80xi32, #tpu.memory_space<hbm>>
          tpu.enqueue_dma source(%dma_start3A_61 : memref<80xi32, #tpu.memory_space<hbm>>) target(%dma_start3A_60 : memref<80xi32, #tpu.memory_space<vmem>>) target_semaphore(%run_scoped3A_53 : memref<!tpu.dma_semaphore, #tpu.memory_space<semaphore_mem>>)
          %dma_wait3A_62 = arith.constant 0 : i32
          %dma_wait3A_63 = tpu.memref_slice %arg8[%run_scoped3A, %dma_wait3A_62] : memref<2x80xi32, #tpu.memory_space<vmem>> -> memref<1x80xi32, #tpu.memory_space<vmem>>
          %dma_wait3A_64 = tpu.memref_squeeze %dma_wait3A_63 : memref<1x80xi32, #tpu.memory_space<vmem>> -> memref<80xi32, #tpu.memory_space<vmem>>
          %dma_wait3A_65 = tpu.memref_slice %arg4[%add3A] : memref<320000xi32, #tpu.memory_space<hbm>> -> memref<80xi32, #tpu.memory_space<hbm>>
          %dma_wait3A_66 = arith.constant 0 : i32
          %dma_wait3A_67 = tpu.memref_slice %arg8[%run_scoped3A, %dma_wait3A_66] : memref<2x80xi32, #tpu.memory_space<vmem>> -> memref<1x80xi32, #tpu.memory_space<vmem>>
          %dma_wait3A_68 = tpu.memref_squeeze %dma_wait3A_67 : memref<1x80xi32, #tpu.memory_space<vmem>> -> memref<80xi32, #tpu.memory_space<vmem>>
          %dma_wait3A_69 = tpu.memref_slice %arg4[%add3A] : memref<320000xi32, #tpu.memory_space<hbm>> -> memref<80xi32, #tpu.memory_space<hbm>>
          tpu.wait_dma2 semaphore(%run_scoped3A_53 : memref<!tpu.dma_semaphore, #tpu.memory_space<semaphore_mem>>) src(%dma_wait3A_69 : memref<80xi32, #tpu.memory_space<hbm>>) dst(%dma_wait3A_68 : memref<80xi32, #tpu.memory_space<vmem>>)
          tpu.yield
        }) : () -> ()
        %run_scoped3A_39 = arith.constant 1 : i32
        "tpu.region"() ({
          %run_scoped3A_53 = tpu.sem_alloc : memref<!tpu.dma_semaphore, #tpu.memory_space<semaphore_mem>>
          %dma_start3A_54 = arith.constant 0 : i32
          %dma_start3A_55 = tpu.memref_slice %arg8[%run_scoped3A_39, %dma_start3A_54] : memref<2x80xi32, #tpu.memory_space<vmem>> -> memref<1x80xi32, #tpu.memory_space<vmem>>
          %dma_start3A_56 = tpu.memref_squeeze %dma_start3A_55 : memref<1x80xi32, #tpu.memory_space<vmem>> -> memref<80xi32, #tpu.memory_space<vmem>>
          %dma_start3A_57 = tpu.memref_slice %arg5[%add3A] : memref<320000xi32, #tpu.memory_space<hbm>> -> memref<80xi32, #tpu.memory_space<hbm>>
          %dma_start3A_58 = arith.constant 0 : i32
          %dma_start3A_59 = tpu.memref_slice %arg8[%run_scoped3A_39, %dma_start3A_58] : memref<2x80xi32, #tpu.memory_space<vmem>> -> memref<1x80xi32, #tpu.memory_space<vmem>>
          %dma_start3A_60 = tpu.memref_squeeze %dma_start3A_59 : memref<1x80xi32, #tpu.memory_space<vmem>> -> memref<80xi32, #tpu.memory_space<vmem>>
          %dma_start3A_61 = tpu.memref_slice %arg5[%add3A] : memref<320000xi32, #tpu.memory_space<hbm>> -> memref<80xi32, #tpu.memory_space<hbm>>
          tpu.enqueue_dma source(%dma_start3A_61 : memref<80xi32, #tpu.memory_space<hbm>>) target(%dma_start3A_60 : memref<80xi32, #tpu.memory_space<vmem>>) target_semaphore(%run_scoped3A_53 : memref<!tpu.dma_semaphore, #tpu.memory_space<semaphore_mem>>)
          %dma_wait3A_62 = arith.constant 0 : i32
          %dma_wait3A_63 = tpu.memref_slice %arg8[%run_scoped3A_39, %dma_wait3A_62] : memref<2x80xi32, #tpu.memory_space<vmem>> -> memref<1x80xi32, #tpu.memory_space<vmem>>
          %dma_wait3A_64 = tpu.memref_squeeze %dma_wait3A_63 : memref<1x80xi32, #tpu.memory_space<vmem>> -> memref<80xi32, #tpu.memory_space<vmem>>
          %dma_wait3A_65 = tpu.memref_slice %arg5[%add3A] : memref<320000xi32, #tpu.memory_space<hbm>> -> memref<80xi32, #tpu.memory_space<hbm>>
          %dma_wait3A_66 = arith.constant 0 : i32
          %dma_wait3A_67 = tpu.memref_slice %arg8[%run_scoped3A_39, %dma_wait3A_66] : memref<2x80xi32, #tpu.memory_space<vmem>> -> memref<1x80xi32, #tpu.memory_space<vmem>>
          %dma_wait3A_68 = tpu.memref_squeeze %dma_wait3A_67 : memref<1x80xi32, #tpu.memory_space<vmem>> -> memref<80xi32, #tpu.memory_space<vmem>>
          %dma_wait3A_69 = tpu.memref_slice %arg5[%add3A] : memref<320000xi32, #tpu.memory_space<hbm>> -> memref<80xi32, #tpu.memory_space<hbm>>
          tpu.wait_dma2 semaphore(%run_scoped3A_53 : memref<!tpu.dma_semaphore, #tpu.memory_space<semaphore_mem>>) src(%dma_wait3A_69 : memref<80xi32, #tpu.memory_space<hbm>>) dst(%dma_wait3A_68 : memref<80xi32, #tpu.memory_space<vmem>>)
          tpu.yield
        }) : () -> ()
        %dma_start3A = arith.constant 0 : i32
        %dma_start3A_40 = arith.constant 0 : i32
        %dma_start3A_41 = tpu.memref_slice %arg8[%dma_start3A, %dma_start3A_40] : memref<2x80xi32, #tpu.memory_space<vmem>> -> memref<1x80xi32, #tpu.memory_space<vmem>>
        %dma_start3A_42 = tpu.memref_squeeze %dma_start3A_41 : memref<1x80xi32, #tpu.memory_space<vmem>> -> memref<80xi32, #tpu.memory_space<vmem>>
        %dma_start3A_43 = arith.constant 0 : i32
        %dma_start3A_44 = arith.constant 0 : i32
        %dma_start3A_45 = tpu.memref_slice %arg2[%dma_start3A_43, %dma_start3A_44] : memref<10000x128xf32, #tpu.memory_space<hbm>> -> memref<10000x128xf32, #tpu.memory_space<hbm>>
        tpu.enqueue_indirect_dma source(%dma_start3A_45 : memref<10000x128xf32, #tpu.memory_space<hbm>>) target(%arg9 : memref<80x128xf32, #tpu.memory_space<vmem>>) offsets(%dma_start3A_42 : memref<80xi32, #tpu.memory_space<vmem>>) semaphore(%arg10 : memref<!tpu.dma_semaphore, #tpu.memory_space<semaphore_mem>>)
        %dma_wait3A = arith.constant 0 : i32
        %dma_wait3A_46 = arith.constant 0 : i32
        %dma_wait3A_47 = tpu.memref_slice %arg8[%dma_wait3A, %dma_wait3A_46] : memref<2x80xi32, #tpu.memory_space<vmem>> -> memref<1x80xi32, #tpu.memory_space<vmem>>
        %dma_wait3A_48 = tpu.memref_squeeze %dma_wait3A_47 : memref<1x80xi32, #tpu.memory_space<vmem>> -> memref<80xi32, #tpu.memory_space<vmem>>
        %dma_wait3A_49 = arith.constant 0 : i32
        %dma_wait3A_50 = arith.constant 0 : i32
        %dma_wait3A_51 = tpu.memref_slice %arg2[%dma_wait3A_49, %dma_wait3A_50] : memref<10000x128xf32, #tpu.memory_space<hbm>> -> memref<10000x128xf32, #tpu.memory_space<hbm>>
        tpu.wait_indirect_dma semaphore(%arg10 : memref<!tpu.dma_semaphore, #tpu.memory_space<semaphore_mem>>) src(%dma_wait3A_51 : memref<10000x128xf32, #tpu.memory_space<hbm>>) dst(%arg9 : memref<80x128xf32, #tpu.memory_space<vmem>>)
        %run_scoped3A_52 = arith.constant 1 : i32
        "tpu.region"() ({
          %run_scoped3A_53 = tpu.sem_alloc : memref<!tpu.dma_semaphore, #tpu.memory_space<semaphore_mem>>
          %dma_start3A_54 = arith.constant 0 : i32
          %dma_start3A_55 = tpu.memref_slice %arg8[%run_scoped3A_52, %dma_start3A_54] : memref<2x80xi32, #tpu.memory_space<vmem>> -> memref<1x80xi32, #tpu.memory_space<vmem>>
          %dma_start3A_56 = tpu.memref_squeeze %dma_start3A_55 : memref<1x80xi32, #tpu.memory_space<vmem>> -> memref<80xi32, #tpu.memory_space<vmem>>
          %dma_start3A_57 = arith.constant 0 : i32
          %dma_start3A_58 = arith.constant 0 : i32
          %dma_start3A_59 = tpu.memref_slice %arg11[%dma_start3A_57, %dma_start3A_58] : memref<10000x128xf32, #tpu.memory_space<vmem_shared>> -> memref<10000x128xf32, #tpu.memory_space<vmem_shared>>
          tpu.enqueue_indirect_dma source(%arg9 : memref<80x128xf32, #tpu.memory_space<vmem>>) target(%dma_start3A_59 : memref<10000x128xf32, #tpu.memory_space<vmem_shared>>) offsets(%dma_start3A_56 : memref<80xi32, #tpu.memory_space<vmem>>) semaphore(%run_scoped3A_53 : memref<!tpu.dma_semaphore, #tpu.memory_space<semaphore_mem>>) {add = true}
          %dma_wait3A_60 = arith.constant 0 : i32
          %dma_wait3A_61 = tpu.memref_slice %arg8[%run_scoped3A_52, %dma_wait3A_60] : memref<2x80xi32, #tpu.memory_space<vmem>> -> memref<1x80xi32, #tpu.memory_space<vmem>>
          %dma_wait3A_62 = tpu.memref_squeeze %dma_wait3A_61 : memref<1x80xi32, #tpu.memory_space<vmem>> -> memref<80xi32, #tpu.memory_space<vmem>>
          %dma_wait3A_63 = arith.constant 0 : i32
          %dma_wait3A_64 = arith.constant 0 : i32
          %dma_wait3A_65 = tpu.memref_slice %arg11[%dma_wait3A_63, %dma_wait3A_64] : memref<10000x128xf32, #tpu.memory_space<vmem_shared>> -> memref<10000x128xf32, #tpu.memory_space<vmem_shared>>
          tpu.wait_indirect_dma semaphore(%run_scoped3A_53 : memref<!tpu.dma_semaphore, #tpu.memory_space<semaphore_mem>>) src(%arg9 : memref<80x128xf32, #tpu.memory_space<vmem>>) dst(%dma_wait3A_65 : memref<10000x128xf32, #tpu.memory_space<vmem_shared>>)
          tpu.yield
        }) : () -> ()
      }
      %scan3A_35 = arith.constant 250 : i32
    } else {
    }
    %eq3A_13 = arith.constant 1 : i32
    %eq3A_14 = arith.cmpi eq, %arg0, %eq3A_13 : i32
    %convert_element_type3A_15 = arith.extui %eq3A_14 : i1 to i32
    %cond3A_16 = arith.constant 0 : i32
    %cond3A_17 = arith.cmpi ne, %convert_element_type3A_15, %cond3A_16 : i32
    scf.if %cond3A_17 {
      %mul3A = arith.constant 20000 : i32
      %mul3A_29 = arith.muli %arg1, %mul3A : i32
      %scan3A_30 = arith.constant 0 : i32
      %scan3A_31 = arith.constant 0 : i32
      %scan3A_32 = arith.constant 250 : i32
      %scan3A_33 = arith.addi %scan3A_31, %scan3A_32 : i32
      %scan3A_34 = arith.constant 1 : i32
      scf.for %scan3A_36 = %scan3A_31 to %scan3A_33 step %scan3A_34  : i32 {
        %mul3A_37 = arith.constant 80 : i32
        %mul3A_38 = arith.muli %scan3A_36, %mul3A_37 : i32
        %add3A = arith.addi %mul3A_29, %mul3A_38 : i32
        %run_scoped3A = arith.constant 0 : i32
        "tpu.region"() ({
          %run_scoped3A_53 = tpu.sem_alloc : memref<!tpu.dma_semaphore, #tpu.memory_space<semaphore_mem>>
          %dma_start3A_54 = arith.constant 0 : i32
          %dma_start3A_55 = tpu.memref_slice %arg8[%run_scoped3A, %dma_start3A_54] : memref<2x80xi32, #tpu.memory_space<vmem>> -> memref<1x80xi32, #tpu.memory_space<vmem>>
          %dma_start3A_56 = tpu.memref_squeeze %dma_start3A_55 : memref<1x80xi32, #tpu.memory_space<vmem>> -> memref<80xi32, #tpu.memory_space<vmem>>
          %dma_start3A_57 = tpu.memref_slice %arg4[%add3A] : memref<320000xi32, #tpu.memory_space<hbm>> -> memref<80xi32, #tpu.memory_space<hbm>>
          %dma_start3A_58 = arith.constant 0 : i32
          %dma_start3A_59 = tpu.memref_slice %arg8[%run_scoped3A, %dma_start3A_58] : memref<2x80xi32, #tpu.memory_space<vmem>> -> memref<1x80xi32, #tpu.memory_space<vmem>>
          %dma_start3A_60 = tpu.memref_squeeze %dma_start3A_59 : memref<1x80xi32, #tpu.memory_space<vmem>> -> memref<80xi32, #tpu.memory_space<vmem>>
          %dma_start3A_61 = tpu.memref_slice %arg4[%add3A] : memref<320000xi32, #tpu.memory_space<hbm>> -> memref<80xi32, #tpu.memory_space<hbm>>
          tpu.enqueue_dma source(%dma_start3A_61 : memref<80xi32, #tpu.memory_space<hbm>>) target(%dma_start3A_60 : memref<80xi32, #tpu.memory_space<vmem>>) target_semaphore(%run_scoped3A_53 : memref<!tpu.dma_semaphore, #tpu.memory_space<semaphore_mem>>)
          %dma_wait3A_62 = arith.constant 0 : i32
          %dma_wait3A_63 = tpu.memref_slice %arg8[%run_scoped3A, %dma_wait3A_62] : memref<2x80xi32, #tpu.memory_space<vmem>> -> memref<1x80xi32, #tpu.memory_space<vmem>>
          %dma_wait3A_64 = tpu.memref_squeeze %dma_wait3A_63 : memref<1x80xi32, #tpu.memory_space<vmem>> -> memref<80xi32, #tpu.memory_space<vmem>>
          %dma_wait3A_65 = tpu.memref_slice %arg4[%add3A] : memref<320000xi32, #tpu.memory_space<hbm>> -> memref<80xi32, #tpu.memory_space<hbm>>
          %dma_wait3A_66 = arith.constant 0 : i32
          %dma_wait3A_67 = tpu.memref_slice %arg8[%run_scoped3A, %dma_wait3A_66] : memref<2x80xi32, #tpu.memory_space<vmem>> -> memref<1x80xi32, #tpu.memory_space<vmem>>
          %dma_wait3A_68 = tpu.memref_squeeze %dma_wait3A_67 : memref<1x80xi32, #tpu.memory_space<vmem>> -> memref<80xi32, #tpu.memory_space<vmem>>
          %dma_wait3A_69 = tpu.memref_slice %arg4[%add3A] : memref<320000xi32, #tpu.memory_space<hbm>> -> memref<80xi32, #tpu.memory_space<hbm>>
          tpu.wait_dma2 semaphore(%run_scoped3A_53 : memref<!tpu.dma_semaphore, #tpu.memory_space<semaphore_mem>>) src(%dma_wait3A_69 : memref<80xi32, #tpu.memory_space<hbm>>) dst(%dma_wait3A_68 : memref<80xi32, #tpu.memory_space<vmem>>)
          tpu.yield
        }) : () -> ()
        %run_scoped3A_39 = arith.constant 1 : i32
        "tpu.region"() ({
          %run_scoped3A_53 = tpu.sem_alloc : memref<!tpu.dma_semaphore, #tpu.memory_space<semaphore_mem>>
          %dma_start3A_54 = arith.constant 0 : i32
          %dma_start3A_55 = tpu.memref_slice %arg8[%run_scoped3A_39, %dma_start3A_54] : memref<2x80xi32, #tpu.memory_space<vmem>> -> memref<1x80xi32, #tpu.memory_space<vmem>>
          %dma_start3A_56 = tpu.memref_squeeze %dma_start3A_55 : memref<1x80xi32, #tpu.memory_space<vmem>> -> memref<80xi32, #tpu.memory_space<vmem>>
          %dma_start3A_57 = tpu.memref_slice %arg5[%add3A] : memref<320000xi32, #tpu.memory_space<hbm>> -> memref<80xi32, #tpu.memory_space<hbm>>
          %dma_start3A_58 = arith.constant 0 : i32
          %dma_start3A_59 = tpu.memref_slice %arg8[%run_scoped3A_39, %dma_start3A_58] : memref<2x80xi32, #tpu.memory_space<vmem>> -> memref<1x80xi32, #tpu.memory_space<vmem>>
          %dma_start3A_60 = tpu.memref_squeeze %dma_start3A_59 : memref<1x80xi32, #tpu.memory_space<vmem>> -> memref<80xi32, #tpu.memory_space<vmem>>
          %dma_start3A_61 = tpu.memref_slice %arg5[%add3A] : memref<320000xi32, #tpu.memory_space<hbm>> -> memref<80xi32, #tpu.memory_space<hbm>>
          tpu.enqueue_dma source(%dma_start3A_61 : memref<80xi32, #tpu.memory_space<hbm>>) target(%dma_start3A_60 : memref<80xi32, #tpu.memory_space<vmem>>) target_semaphore(%run_scoped3A_53 : memref<!tpu.dma_semaphore, #tpu.memory_space<semaphore_mem>>)
          %dma_wait3A_62 = arith.constant 0 : i32
          %dma_wait3A_63 = tpu.memref_slice %arg8[%run_scoped3A_39, %dma_wait3A_62] : memref<2x80xi32, #tpu.memory_space<vmem>> -> memref<1x80xi32, #tpu.memory_space<vmem>>
          %dma_wait3A_64 = tpu.memref_squeeze %dma_wait3A_63 : memref<1x80xi32, #tpu.memory_space<vmem>> -> memref<80xi32, #tpu.memory_space<vmem>>
          %dma_wait3A_65 = tpu.memref_slice %arg5[%add3A] : memref<320000xi32, #tpu.memory_space<hbm>> -> memref<80xi32, #tpu.memory_space<hbm>>
          %dma_wait3A_66 = arith.constant 0 : i32
          %dma_wait3A_67 = tpu.memref_slice %arg8[%run_scoped3A_39, %dma_wait3A_66] : memref<2x80xi32, #tpu.memory_space<vmem>> -> memref<1x80xi32, #tpu.memory_space<vmem>>
          %dma_wait3A_68 = tpu.memref_squeeze %dma_wait3A_67 : memref<1x80xi32, #tpu.memory_space<vmem>> -> memref<80xi32, #tpu.memory_space<vmem>>
          %dma_wait3A_69 = tpu.memref_slice %arg5[%add3A] : memref<320000xi32, #tpu.memory_space<hbm>> -> memref<80xi32, #tpu.memory_space<hbm>>
          tpu.wait_dma2 semaphore(%run_scoped3A_53 : memref<!tpu.dma_semaphore, #tpu.memory_space<semaphore_mem>>) src(%dma_wait3A_69 : memref<80xi32, #tpu.memory_space<hbm>>) dst(%dma_wait3A_68 : memref<80xi32, #tpu.memory_space<vmem>>)
          tpu.yield
        }) : () -> ()
        %dma_start3A = arith.constant 0 : i32
        %dma_start3A_40 = arith.constant 0 : i32
        %dma_start3A_41 = tpu.memref_slice %arg8[%dma_start3A, %dma_start3A_40] : memref<2x80xi32, #tpu.memory_space<vmem>> -> memref<1x80xi32, #tpu.memory_space<vmem>>
        %dma_start3A_42 = tpu.memref_squeeze %dma_start3A_41 : memref<1x80xi32, #tpu.memory_space<vmem>> -> memref<80xi32, #tpu.memory_space<vmem>>
        %dma_start3A_43 = arith.constant 0 : i32
        %dma_start3A_44 = arith.constant 0 : i32
        %dma_start3A_45 = tpu.memref_slice %arg3[%dma_start3A_43, %dma_start3A_44] : memref<10000x128xf32, #tpu.memory_space<hbm>> -> memref<10000x128xf32, #tpu.memory_space<hbm>>
        tpu.enqueue_indirect_dma source(%dma_start3A_45 : memref<10000x128xf32, #tpu.memory_space<hbm>>) target(%arg9 : memref<80x128xf32, #tpu.memory_space<vmem>>) offsets(%dma_start3A_42 : memref<80xi32, #tpu.memory_space<vmem>>) semaphore(%arg10 : memref<!tpu.dma_semaphore, #tpu.memory_space<semaphore_mem>>)
        %dma_wait3A = arith.constant 0 : i32
        %dma_wait3A_46 = arith.constant 0 : i32
        %dma_wait3A_47 = tpu.memref_slice %arg8[%dma_wait3A, %dma_wait3A_46] : memref<2x80xi32, #tpu.memory_space<vmem>> -> memref<1x80xi32, #tpu.memory_space<vmem>>
        %dma_wait3A_48 = tpu.memref_squeeze %dma_wait3A_47 : memref<1x80xi32, #tpu.memory_space<vmem>> -> memref<80xi32, #tpu.memory_space<vmem>>
        %dma_wait3A_49 = arith.constant 0 : i32
        %dma_wait3A_50 = arith.constant 0 : i32
        %dma_wait3A_51 = tpu.memref_slice %arg3[%dma_wait3A_49, %dma_wait3A_50] : memref<10000x128xf32, #tpu.memory_space<hbm>> -> memref<10000x128xf32, #tpu.memory_space<hbm>>
        tpu.wait_indirect_dma semaphore(%arg10 : memref<!tpu.dma_semaphore, #tpu.memory_space<semaphore_mem>>) src(%dma_wait3A_51 : memref<10000x128xf32, #tpu.memory_space<hbm>>) dst(%arg9 : memref<80x128xf32, #tpu.memory_space<vmem>>)
        %run_scoped3A_52 = arith.constant 1 : i32
        "tpu.region"() ({
          %run_scoped3A_53 = tpu.sem_alloc : memref<!tpu.dma_semaphore, #tpu.memory_space<semaphore_mem>>
          %dma_start3A_54 = arith.constant 0 : i32
          %dma_start3A_55 = tpu.memref_slice %arg8[%run_scoped3A_52, %dma_start3A_54] : memref<2x80xi32, #tpu.memory_space<vmem>> -> memref<1x80xi32, #tpu.memory_space<vmem>>
          %dma_start3A_56 = tpu.memref_squeeze %dma_start3A_55 : memref<1x80xi32, #tpu.memory_space<vmem>> -> memref<80xi32, #tpu.memory_space<vmem>>
          %dma_start3A_57 = arith.constant 0 : i32
          %dma_start3A_58 = arith.constant 0 : i32
          %dma_start3A_59 = tpu.memref_slice %arg11[%dma_start3A_57, %dma_start3A_58] : memref<10000x128xf32, #tpu.memory_space<vmem_shared>> -> memref<10000x128xf32, #tpu.memory_space<vmem_shared>>
          tpu.enqueue_indirect_dma source(%arg9 : memref<80x128xf32, #tpu.memory_space<vmem>>) target(%dma_start3A_59 : memref<10000x128xf32, #tpu.memory_space<vmem_shared>>) offsets(%dma_start3A_56 : memref<80xi32, #tpu.memory_space<vmem>>) semaphore(%run_scoped3A_53 : memref<!tpu.dma_semaphore, #tpu.memory_space<semaphore_mem>>) {add = true}
          %dma_wait3A_60 = arith.constant 0 : i32
          %dma_wait3A_61 = tpu.memref_slice %arg8[%run_scoped3A_52, %dma_wait3A_60] : memref<2x80xi32, #tpu.memory_space<vmem>> -> memref<1x80xi32, #tpu.memory_space<vmem>>
          %dma_wait3A_62 = tpu.memref_squeeze %dma_wait3A_61 : memref<1x80xi32, #tpu.memory_space<vmem>> -> memref<80xi32, #tpu.memory_space<vmem>>
          %dma_wait3A_63 = arith.constant 0 : i32
          %dma_wait3A_64 = arith.constant 0 : i32
          %dma_wait3A_65 = tpu.memref_slice %arg11[%dma_wait3A_63, %dma_wait3A_64] : memref<10000x128xf32, #tpu.memory_space<vmem_shared>> -> memref<10000x128xf32, #tpu.memory_space<vmem_shared>>
          tpu.wait_indirect_dma semaphore(%run_scoped3A_53 : memref<!tpu.dma_semaphore, #tpu.memory_space<semaphore_mem>>) src(%arg9 : memref<80x128xf32, #tpu.memory_space<vmem>>) dst(%dma_wait3A_65 : memref<10000x128xf32, #tpu.memory_space<vmem_shared>>)
          tpu.yield
        }) : () -> ()
      }
      %scan3A_35 = arith.constant 250 : i32
    } else {
    }
    %barrier3A_18 = arith.constant 0 : index
    tpu.barrier barrier_id(%barrier3A_18)
    %eq3A_19 = arith.constant 0 : i32
    %eq3A_20 = arith.cmpi eq, %arg0, %eq3A_19 : i32
    %convert_element_type3A_21 = arith.extui %eq3A_20 : i1 to i32
    %cond3A_22 = arith.constant 0 : i32
    %cond3A_23 = arith.cmpi ne, %convert_element_type3A_21, %cond3A_22 : i32
    scf.if %cond3A_23 {
      %scan3A_29 = arith.constant 0 : i32
      %scan3A_30 = arith.constant 0 : i32
      %scan3A_31 = arith.constant 8 : i32
      %scan3A_32 = arith.addi %scan3A_30, %scan3A_31 : i32
      %scan3A_33 = arith.constant 1 : i32
      scf.for %scan3A_35 = %scan3A_30 to %scan3A_32 step %scan3A_33  : i32 {
        %mul3A = arith.constant 16 : i32
        %mul3A_36 = arith.muli %scan3A_35, %mul3A : i32
        %add3A = arith.addi %arg1, %mul3A_36 : i32
        %lt3A = arith.constant 125 : i32
        %lt3A_37 = arith.cmpi slt, %add3A, %lt3A : i32
        %convert_element_type3A_38 = arith.extui %lt3A_37 : i1 to i32
        %cond3A_39 = arith.constant 0 : i32
        %cond3A_40 = arith.cmpi ne, %convert_element_type3A_38, %cond3A_39 : i32
        scf.if %cond3A_40 {
          %mul3A_41 = arith.constant 80 : i32
          %mul3A_42 = arith.muli %add3A, %mul3A_41 : i32
          %mul3A_43 = arith.constant 80 : i32
          %mul3A_44 = arith.muli %add3A, %mul3A_43 : i32
          "tpu.region"() ({
            %run_scoped3A = tpu.sem_alloc : memref<!tpu.dma_semaphore, #tpu.memory_space<semaphore_mem>>
            %dma_start3A = arith.constant 0 : i32
            %dma_start3A_45 = tpu.memref_slice %arg6[%mul3A_44, %dma_start3A] : memref<10000x128xf32, #tpu.memory_space<hbm>> -> memref<80x128xf32, #tpu.memory_space<hbm>>
            %dma_start3A_46 = arith.constant 0 : i32
            %dma_start3A_47 = tpu.memref_slice %arg11[%mul3A_42, %dma_start3A_46] : memref<10000x128xf32, #tpu.memory_space<vmem_shared>> -> memref<80x128xf32, #tpu.memory_space<vmem_shared>>
            tpu.enqueue_dma source(%dma_start3A_47 : memref<80x128xf32, #tpu.memory_space<vmem_shared>>) target(%dma_start3A_45 : memref<80x128xf32, #tpu.memory_space<hbm>>) target_semaphore(%run_scoped3A : memref<!tpu.dma_semaphore, #tpu.memory_space<semaphore_mem>>)
            %dma_wait3A = arith.constant 0 : i32
            %dma_wait3A_48 = tpu.memref_slice %arg6[%mul3A_44, %dma_wait3A] : memref<10000x128xf32, #tpu.memory_space<hbm>> -> memref<80x128xf32, #tpu.memory_space<hbm>>
            %dma_wait3A_49 = arith.constant 0 : i32
            %dma_wait3A_50 = tpu.memref_slice %arg11[%mul3A_42, %dma_wait3A_49] : memref<10000x128xf32, #tpu.memory_space<vmem_shared>> -> memref<80x128xf32, #tpu.memory_space<vmem_shared>>
            tpu.wait_dma2 semaphore(%run_scoped3A : memref<!tpu.dma_semaphore, #tpu.memory_space<semaphore_mem>>) src(%dma_wait3A_50 : memref<80x128xf32, #tpu.memory_space<vmem_shared>>) dst(%dma_wait3A_48 : memref<80x128xf32, #tpu.memory_space<hbm>>)
            tpu.yield
          }) : () -> ()
        } else {
        }
      }
      %scan3A_34 = arith.constant 8 : i32
    } else {
    }
    %eq3A_24 = arith.constant 1 : i32
    %eq3A_25 = arith.cmpi eq, %arg0, %eq3A_24 : i32
    %convert_element_type3A_26 = arith.extui %eq3A_25 : i1 to i32
    %cond3A_27 = arith.constant 0 : i32
    %cond3A_28 = arith.cmpi ne, %convert_element_type3A_26, %cond3A_27 : i32
    scf.if %cond3A_28 {
      %scan3A_29 = arith.constant 0 : i32
      %scan3A_30 = arith.constant 0 : i32
      %scan3A_31 = arith.constant 8 : i32
      %scan3A_32 = arith.addi %scan3A_30, %scan3A_31 : i32
      %scan3A_33 = arith.constant 1 : i32
      scf.for %scan3A_35 = %scan3A_30 to %scan3A_32 step %scan3A_33  : i32 {
        %mul3A = arith.constant 16 : i32
        %mul3A_36 = arith.muli %scan3A_35, %mul3A : i32
        %add3A = arith.addi %arg1, %mul3A_36 : i32
        %lt3A = arith.constant 125 : i32
        %lt3A_37 = arith.cmpi slt, %add3A, %lt3A : i32
        %convert_element_type3A_38 = arith.extui %lt3A_37 : i1 to i32
        %cond3A_39 = arith.constant 0 : i32
        %cond3A_40 = arith.cmpi ne, %convert_element_type3A_38, %cond3A_39 : i32
        scf.if %cond3A_40 {
          %mul3A_41 = arith.constant 80 : i32
          %mul3A_42 = arith.muli %add3A, %mul3A_41 : i32
          %mul3A_43 = arith.constant 80 : i32
          %mul3A_44 = arith.muli %add3A, %mul3A_43 : i32
          "tpu.region"() ({
            %run_scoped3A = tpu.sem_alloc : memref<!tpu.dma_semaphore, #tpu.memory_space<semaphore_mem>>
            %dma_start3A = arith.constant 0 : i32
            %dma_start3A_45 = tpu.memref_slice %arg7[%mul3A_44, %dma_start3A] : memref<10000x128xf32, #tpu.memory_space<hbm>> -> memref<80x128xf32, #tpu.memory_space<hbm>>
            %dma_start3A_46 = arith.constant 0 : i32
            %dma_start3A_47 = tpu.memref_slice %arg11[%mul3A_42, %dma_start3A_46] : memref<10000x128xf32, #tpu.memory_space<vmem_shared>> -> memref<80x128xf32, #tpu.memory_space<vmem_shared>>
            tpu.enqueue_dma source(%dma_start3A_47 : memref<80x128xf32, #tpu.memory_space<vmem_shared>>) target(%dma_start3A_45 : memref<80x128xf32, #tpu.memory_space<hbm>>) target_semaphore(%run_scoped3A : memref<!tpu.dma_semaphore, #tpu.memory_space<semaphore_mem>>)
            %dma_wait3A = arith.constant 0 : i32
            %dma_wait3A_48 = tpu.memref_slice %arg7[%mul3A_44, %dma_wait3A] : memref<10000x128xf32, #tpu.memory_space<hbm>> -> memref<80x128xf32, #tpu.memory_space<hbm>>
            %dma_wait3A_49 = arith.constant 0 : i32
            %dma_wait3A_50 = tpu.memref_slice %arg11[%mul3A_42, %dma_wait3A_49] : memref<10000x128xf32, #tpu.memory_space<vmem_shared>> -> memref<80x128xf32, #tpu.memory_space<vmem_shared>>
            tpu.wait_dma2 semaphore(%run_scoped3A : memref<!tpu.dma_semaphore, #tpu.memory_space<semaphore_mem>>) src(%dma_wait3A_50 : memref<80x128xf32, #tpu.memory_space<vmem_shared>>) dst(%dma_wait3A_48 : memref<80x128xf32, #tpu.memory_space<hbm>>)
            tpu.yield
          }) : () -> ()
        } else {
        }
      }
      %scan3A_34 = arith.constant 8 : i32
    } else {
    }
    return
  }
}

#map = affine_map<(d0, d1) -> (0, 0)>
#map1 = affine_map<(d0, d1) -> (0)>
module attributes {stable_mosaic.version = 14 : i64} {
  func.func @_sc_agg_body(%arg0: i32, %arg1: i32, %arg2: memref<10000x128xf32, #tpu.memory_space<hbm>>, %arg3: memref<10000x128xf32, #tpu.memory_space<hbm>>, %arg4: memref<320000xi32, #tpu.memory_space<hbm>>, %arg5: memref<320000xi32, #tpu.memory_space<hbm>>, %arg6: memref<10000x128xf32, #tpu.memory_space<hbm>>, %arg7: memref<10000x128xf32, #tpu.memory_space<hbm>>, %arg8: memref<2x80xi32, #tpu.memory_space<vmem>>, %arg9: memref<80x128xf32, #tpu.memory_space<vmem>>, %arg10: memref<!tpu.dma_semaphore, #tpu.memory_space<semaphore_mem>>, %arg11: memref<10000x128xf32, #tpu.memory_space<vmem_shared>>) attributes {dimension_semantics = [#tpu.dimension_semantics<core_parallel>, #tpu.dimension_semantics<subcore_parallel>], iteration_bounds = array<i64: 2, 16>, scalar_prefetch = 0 : i64, scratch_operands = 4 : i64, tpu.core_type = #tpu.core_type<sc_vector_subcore>, window_params = [{transform_indices = #map}, {transform_indices = #map}, {transform_indices = #map1}, {transform_indices = #map1}, {transform_indices = #map}, {transform_indices = #map}]} {
    %scan3A = arith.constant 0 : i32
    %scan3A_0 = arith.constant 0 : i32
    %scan3A_1 = arith.constant 80 : i32
    %scan3A_2 = arith.addi %scan3A_0, %scan3A_1 : i32
    %scan3A_3 = arith.constant 1 : i32
    scf.for %scan3A_29 = %scan3A_0 to %scan3A_2 step %scan3A_3  : i32 {
      %broadcast_in_dim3A = arith.constant 0.000000e+00 : f32
      %broadcast_in_dim3A_30 = vector.broadcast %broadcast_in_dim3A : f32 to vector<16xf32>
      %swap3A = arith.index_cast %scan3A_29 : i32 to index
      %swap3A_31 = arith.constant 0 : index
      %swap3A_32 = tpu.vector_load %arg9[%swap3A, %swap3A_31] {strides = array<i32>} : memref<80x128xf32, #tpu.memory_space<vmem>>, vector<1x16xf32>,
      %swap3A_33 = vector.shape_cast %swap3A_32 : vector<1x16xf32> to vector<16xf32>
      %swap3A_34 = vector.shape_cast %broadcast_in_dim3A_30 : vector<16xf32> to vector<1x16xf32>
      tpu.vector_store %arg9[%swap3A, %swap3A_31], %swap3A_34 {strides = array<i32>} : memref<80x128xf32, #tpu.memory_space<vmem>>, vector<1x16xf32>,
      %broadcast_in_dim3A_35 = arith.constant 0.000000e+00 : f32
      %broadcast_in_dim3A_36 = vector.broadcast %broadcast_in_dim3A_35 : f32 to vector<16xf32>
      %swap3A_37 = arith.index_cast %scan3A_29 : i32 to index
      %swap3A_38 = arith.constant 16 : index
      %swap3A_39 = tpu.vector_load %arg9[%swap3A_37, %swap3A_38] {strides = array<i32>} : memref<80x128xf32, #tpu.memory_space<vmem>>, vector<1x16xf32>,
      %swap3A_40 = vector.shape_cast %swap3A_39 : vector<1x16xf32> to vector<16xf32>
      %swap3A_41 = vector.shape_cast %broadcast_in_dim3A_36 : vector<16xf32> to vector<1x16xf32>
      tpu.vector_store %arg9[%swap3A_37, %swap3A_38], %swap3A_41 {strides = array<i32>} : memref<80x128xf32, #tpu.memory_space<vmem>>, vector<1x16xf32>,
      %broadcast_in_dim3A_42 = arith.constant 0.000000e+00 : f32
      %broadcast_in_dim3A_43 = vector.broadcast %broadcast_in_dim3A_42 : f32 to vector<16xf32>
      %swap3A_44 = arith.index_cast %scan3A_29 : i32 to index
      %swap3A_45 = arith.constant 32 : index
      %swap3A_46 = tpu.vector_load %arg9[%swap3A_44, %swap3A_45] {strides = array<i32>} : memref<80x128xf32, #tpu.memory_space<vmem>>, vector<1x16xf32>,
      %swap3A_47 = vector.shape_cast %swap3A_46 : vector<1x16xf32> to vector<16xf32>
      %swap3A_48 = vector.shape_cast %broadcast_in_dim3A_43 : vector<16xf32> to vector<1x16xf32>
      tpu.vector_store %arg9[%swap3A_44, %swap3A_45], %swap3A_48 {strides = array<i32>} : memref<80x128xf32, #tpu.memory_space<vmem>>, vector<1x16xf32>,
      %broadcast_in_dim3A_49 = arith.constant 0.000000e+00 : f32
      %broadcast_in_dim3A_50 = vector.broadcast %broadcast_in_dim3A_49 : f32 to vector<16xf32>
      %swap3A_51 = arith.index_cast %scan3A_29 : i32 to index
      %swap3A_52 = arith.constant 48 : index
      %swap3A_53 = tpu.vector_load %arg9[%swap3A_51, %swap3A_52] {strides = array<i32>} : memref<80x128xf32, #tpu.memory_space<vmem>>, vector<1x16xf32>,
      %swap3A_54 = vector.shape_cast %swap3A_53 : vector<1x16xf32> to vector<16xf32>
      %swap3A_55 = vector.shape_cast %broadcast_in_dim3A_50 : vector<16xf32> to vector<1x16xf32>
      tpu.vector_store %arg9[%swap3A_51, %swap3A_52], %swap3A_55 {strides = array<i32>} : memref<80x128xf32, #tpu.memory_space<vmem>>, vector<1x16xf32>,
      %broadcast_in_dim3A_56 = arith.constant 0.000000e+00 : f32
      %broadcast_in_dim3A_57 = vector.broadcast %broadcast_in_dim3A_56 : f32 to vector<16xf32>
      %swap3A_58 = arith.index_cast %scan3A_29 : i32 to index
      %swap3A_59 = arith.constant 64 : index
      %swap3A_60 = tpu.vector_load %arg9[%swap3A_58, %swap3A_59] {strides = array<i32>} : memref<80x128xf32, #tpu.memory_space<vmem>>, vector<1x16xf32>,
      %swap3A_61 = vector.shape_cast %swap3A_60 : vector<1x16xf32> to vector<16xf32>
      %swap3A_62 = vector.shape_cast %broadcast_in_dim3A_57 : vector<16xf32> to vector<1x16xf32>
      tpu.vector_store %arg9[%swap3A_58, %swap3A_59], %swap3A_62 {strides = array<i32>} : memref<80x128xf32, #tpu.memory_space<vmem>>, vector<1x16xf32>,
      %broadcast_in_dim3A_63 = arith.constant 0.000000e+00 : f32
      %broadcast_in_dim3A_64 = vector.broadcast %broadcast_in_dim3A_63 : f32 to vector<16xf32>
      %swap3A_65 = arith.index_cast %scan3A_29 : i32 to index
      %swap3A_66 = arith.constant 80 : index
      %swap3A_67 = tpu.vector_load %arg9[%swap3A_65, %swap3A_66] {strides = array<i32>} : memref<80x128xf32, #tpu.memory_space<vmem>>, vector<1x16xf32>,
      %swap3A_68 = vector.shape_cast %swap3A_67 : vector<1x16xf32> to vector<16xf32>
      %swap3A_69 = vector.shape_cast %broadcast_in_dim3A_64 : vector<16xf32> to vector<1x16xf32>
      tpu.vector_store %arg9[%swap3A_65, %swap3A_66], %swap3A_69 {strides = array<i32>} : memref<80x128xf32, #tpu.memory_space<vmem>>, vector<1x16xf32>,
      %broadcast_in_dim3A_70 = arith.constant 0.000000e+00 : f32
      %broadcast_in_dim3A_71 = vector.broadcast %broadcast_in_dim3A_70 : f32 to vector<16xf32>
      %swap3A_72 = arith.index_cast %scan3A_29 : i32 to index
      %swap3A_73 = arith.constant 96 : index
      %swap3A_74 = tpu.vector_load %arg9[%swap3A_72, %swap3A_73] {strides = array<i32>} : memref<80x128xf32, #tpu.memory_space<vmem>>, vector<1x16xf32>,
      %swap3A_75 = vector.shape_cast %swap3A_74 : vector<1x16xf32> to vector<16xf32>
      %swap3A_76 = vector.shape_cast %broadcast_in_dim3A_71 : vector<16xf32> to vector<1x16xf32>
      tpu.vector_store %arg9[%swap3A_72, %swap3A_73], %swap3A_76 {strides = array<i32>} : memref<80x128xf32, #tpu.memory_space<vmem>>, vector<1x16xf32>,
      %broadcast_in_dim3A_77 = arith.constant 0.000000e+00 : f32
      %broadcast_in_dim3A_78 = vector.broadcast %broadcast_in_dim3A_77 : f32 to vector<16xf32>
      %swap3A_79 = arith.index_cast %scan3A_29 : i32 to index
      %swap3A_80 = arith.constant 112 : index
      %swap3A_81 = tpu.vector_load %arg9[%swap3A_79, %swap3A_80] {strides = array<i32>} : memref<80x128xf32, #tpu.memory_space<vmem>>, vector<1x16xf32>,
      %swap3A_82 = vector.shape_cast %swap3A_81 : vector<1x16xf32> to vector<16xf32>
      %swap3A_83 = vector.shape_cast %broadcast_in_dim3A_78 : vector<16xf32> to vector<1x16xf32>
      tpu.vector_store %arg9[%swap3A_79, %swap3A_80], %swap3A_83 {strides = array<i32>} : memref<80x128xf32, #tpu.memory_space<vmem>>, vector<1x16xf32>,
    }
    %scan3A_4 = arith.constant 80 : i32
    %scan3A_5 = arith.constant 0 : i32
    %scan3A_6 = arith.constant 0 : i32
    %scan3A_7 = arith.constant 8 : i32
    %scan3A_8 = arith.addi %scan3A_6, %scan3A_7 : i32
    %scan3A_9 = arith.constant 1 : i32
    scf.for %scan3A_29 = %scan3A_6 to %scan3A_8 step %scan3A_9  : i32 {
      %mul3A = arith.constant 16 : i32
      %mul3A_30 = arith.muli %scan3A_29, %mul3A : i32
      %add3A = arith.addi %arg1, %mul3A_30 : i32
      %lt3A = arith.constant 125 : i32
      %lt3A_31 = arith.cmpi slt, %add3A, %lt3A : i32
      %convert_element_type3A_32 = arith.extui %lt3A_31 : i1 to i32
      %cond3A_33 = arith.constant 0 : i32
      %cond3A_34 = arith.cmpi ne, %convert_element_type3A_32, %cond3A_33 : i32
      scf.if %cond3A_34 {
        %mul3A_35 = arith.constant 80 : i32
        %mul3A_36 = arith.muli %add3A, %mul3A_35 : i32
        "tpu.region"() ({
          %run_scoped3A = tpu.sem_alloc : memref<!tpu.dma_semaphore, #tpu.memory_space<semaphore_mem>>
          %dma_start3A = arith.constant 0 : i32
          %dma_start3A_37 = tpu.memref_slice %arg11[%mul3A_36, %dma_start3A] : memref<10000x128xf32, #tpu.memory_space<vmem_shared>> -> memref<80x128xf32, #tpu.memory_space<vmem_shared>>
          %dma_start3A_38 = arith.constant 0 : i32
          %dma_start3A_39 = tpu.memref_slice %arg11[%mul3A_36, %dma_start3A_38] : memref<10000x128xf32, #tpu.memory_space<vmem_shared>> -> memref<80x128xf32, #tpu.memory_space<vmem_shared>>
          tpu.enqueue_dma source(%arg9 : memref<80x128xf32, #tpu.memory_space<vmem>>) target(%dma_start3A_39 : memref<80x128xf32, #tpu.memory_space<vmem_shared>>) target_semaphore(%run_scoped3A : memref<!tpu.dma_semaphore, #tpu.memory_space<semaphore_mem>>)
          %dma_wait3A = arith.constant 0 : i32
          %dma_wait3A_40 = tpu.memref_slice %arg11[%mul3A_36, %dma_wait3A] : memref<10000x128xf32, #tpu.memory_space<vmem_shared>> -> memref<80x128xf32, #tpu.memory_space<vmem_shared>>
          %dma_wait3A_41 = arith.constant 0 : i32
          %dma_wait3A_42 = tpu.memref_slice %arg11[%mul3A_36, %dma_wait3A_41] : memref<10000x128xf32, #tpu.memory_space<vmem_shared>> -> memref<80x128xf32, #tpu.memory_space<vmem_shared>>
          tpu.wait_dma2 semaphore(%run_scoped3A : memref<!tpu.dma_semaphore, #tpu.memory_space<semaphore_mem>>) src(%arg9 : memref<80x128xf32, #tpu.memory_space<vmem>>) dst(%dma_wait3A_42 : memref<80x128xf32, #tpu.memory_space<vmem_shared>>)
          tpu.yield
        }) : () -> ()
      } else {
      }
    }
    %scan3A_10 = arith.constant 8 : i32
    %barrier3A = arith.constant 0 : index
    tpu.barrier barrier_id(%barrier3A)
    %eq3A = arith.constant 0 : i32
    %eq3A_11 = arith.cmpi eq, %arg0, %eq3A : i32
    %convert_element_type3A = arith.extui %eq3A_11 : i1 to i32
    %cond3A = arith.constant 0 : i32
    %cond3A_12 = arith.cmpi ne, %convert_element_type3A, %cond3A : i32
    scf.if %cond3A_12 {
      %mul3A = arith.constant 20000 : i32
      %mul3A_29 = arith.muli %arg1, %mul3A : i32
      %scan3A_30 = arith.constant 0 : i32
      %scan3A_31 = arith.constant 0 : i32
      %scan3A_32 = arith.constant 250 : i32
      %scan3A_33 = arith.addi %scan3A_31, %scan3A_32 : i32
      %scan3A_34 = arith.constant 1 : i32
      scf.for %scan3A_36 = %scan3A_31 to %scan3A_33 step %scan3A_34  : i32 {
        %mul3A_37 = arith.constant 80 : i32
        %mul3A_38 = arith.muli %scan3A_36, %mul3A_37 : i32
        %add3A = arith.addi %mul3A_29, %mul3A_38 : i32
        %run_scoped3A = arith.constant 0 : i32
        "tpu.region"() ({
          %run_scoped3A_53 = tpu.sem_alloc : memref<!tpu.dma_semaphore, #tpu.memory_space<semaphore_mem>>
          %dma_start3A_54 = arith.constant 0 : i32
          %dma_start3A_55 = tpu.memref_slice %arg8[%run_scoped3A, %dma_start3A_54] : memref<2x80xi32, #tpu.memory_space<vmem>> -> memref<1x80xi32, #tpu.memory_space<vmem>>
          %dma_start3A_56 = tpu.memref_squeeze %dma_start3A_55 : memref<1x80xi32, #tpu.memory_space<vmem>> -> memref<80xi32, #tpu.memory_space<vmem>>
          %dma_start3A_57 = tpu.memref_slice %arg4[%add3A] : memref<320000xi32, #tpu.memory_space<hbm>> -> memref<80xi32, #tpu.memory_space<hbm>>
          %dma_start3A_58 = arith.constant 0 : i32
          %dma_start3A_59 = tpu.memref_slice %arg8[%run_scoped3A, %dma_start3A_58] : memref<2x80xi32, #tpu.memory_space<vmem>> -> memref<1x80xi32, #tpu.memory_space<vmem>>
          %dma_start3A_60 = tpu.memref_squeeze %dma_start3A_59 : memref<1x80xi32, #tpu.memory_space<vmem>> -> memref<80xi32, #tpu.memory_space<vmem>>
          %dma_start3A_61 = tpu.memref_slice %arg4[%add3A] : memref<320000xi32, #tpu.memory_space<hbm>> -> memref<80xi32, #tpu.memory_space<hbm>>
          tpu.enqueue_dma source(%dma_start3A_61 : memref<80xi32, #tpu.memory_space<hbm>>) target(%dma_start3A_60 : memref<80xi32, #tpu.memory_space<vmem>>) target_semaphore(%run_scoped3A_53 : memref<!tpu.dma_semaphore, #tpu.memory_space<semaphore_mem>>)
          %dma_wait3A_62 = arith.constant 0 : i32
          %dma_wait3A_63 = tpu.memref_slice %arg8[%run_scoped3A, %dma_wait3A_62] : memref<2x80xi32, #tpu.memory_space<vmem>> -> memref<1x80xi32, #tpu.memory_space<vmem>>
          %dma_wait3A_64 = tpu.memref_squeeze %dma_wait3A_63 : memref<1x80xi32, #tpu.memory_space<vmem>> -> memref<80xi32, #tpu.memory_space<vmem>>
          %dma_wait3A_65 = tpu.memref_slice %arg4[%add3A] : memref<320000xi32, #tpu.memory_space<hbm>> -> memref<80xi32, #tpu.memory_space<hbm>>
          %dma_wait3A_66 = arith.constant 0 : i32
          %dma_wait3A_67 = tpu.memref_slice %arg8[%run_scoped3A, %dma_wait3A_66] : memref<2x80xi32, #tpu.memory_space<vmem>> -> memref<1x80xi32, #tpu.memory_space<vmem>>
          %dma_wait3A_68 = tpu.memref_squeeze %dma_wait3A_67 : memref<1x80xi32, #tpu.memory_space<vmem>> -> memref<80xi32, #tpu.memory_space<vmem>>
          %dma_wait3A_69 = tpu.memref_slice %arg4[%add3A] : memref<320000xi32, #tpu.memory_space<hbm>> -> memref<80xi32, #tpu.memory_space<hbm>>
          tpu.wait_dma2 semaphore(%run_scoped3A_53 : memref<!tpu.dma_semaphore, #tpu.memory_space<semaphore_mem>>) src(%dma_wait3A_69 : memref<80xi32, #tpu.memory_space<hbm>>) dst(%dma_wait3A_68 : memref<80xi32, #tpu.memory_space<vmem>>)
          tpu.yield
        }) : () -> ()
        %run_scoped3A_39 = arith.constant 1 : i32
        "tpu.region"() ({
          %run_scoped3A_53 = tpu.sem_alloc : memref<!tpu.dma_semaphore, #tpu.memory_space<semaphore_mem>>
          %dma_start3A_54 = arith.constant 0 : i32
          %dma_start3A_55 = tpu.memref_slice %arg8[%run_scoped3A_39, %dma_start3A_54] : memref<2x80xi32, #tpu.memory_space<vmem>> -> memref<1x80xi32, #tpu.memory_space<vmem>>
          %dma_start3A_56 = tpu.memref_squeeze %dma_start3A_55 : memref<1x80xi32, #tpu.memory_space<vmem>> -> memref<80xi32, #tpu.memory_space<vmem>>
          %dma_start3A_57 = tpu.memref_slice %arg5[%add3A] : memref<320000xi32, #tpu.memory_space<hbm>> -> memref<80xi32, #tpu.memory_space<hbm>>
          %dma_start3A_58 = arith.constant 0 : i32
          %dma_start3A_59 = tpu.memref_slice %arg8[%run_scoped3A_39, %dma_start3A_58] : memref<2x80xi32, #tpu.memory_space<vmem>> -> memref<1x80xi32, #tpu.memory_space<vmem>>
          %dma_start3A_60 = tpu.memref_squeeze %dma_start3A_59 : memref<1x80xi32, #tpu.memory_space<vmem>> -> memref<80xi32, #tpu.memory_space<vmem>>
          %dma_start3A_61 = tpu.memref_slice %arg5[%add3A] : memref<320000xi32, #tpu.memory_space<hbm>> -> memref<80xi32, #tpu.memory_space<hbm>>
          tpu.enqueue_dma source(%dma_start3A_61 : memref<80xi32, #tpu.memory_space<hbm>>) target(%dma_start3A_60 : memref<80xi32, #tpu.memory_space<vmem>>) target_semaphore(%run_scoped3A_53 : memref<!tpu.dma_semaphore, #tpu.memory_space<semaphore_mem>>)
          %dma_wait3A_62 = arith.constant 0 : i32
          %dma_wait3A_63 = tpu.memref_slice %arg8[%run_scoped3A_39, %dma_wait3A_62] : memref<2x80xi32, #tpu.memory_space<vmem>> -> memref<1x80xi32, #tpu.memory_space<vmem>>
          %dma_wait3A_64 = tpu.memref_squeeze %dma_wait3A_63 : memref<1x80xi32, #tpu.memory_space<vmem>> -> memref<80xi32, #tpu.memory_space<vmem>>
          %dma_wait3A_65 = tpu.memref_slice %arg5[%add3A] : memref<320000xi32, #tpu.memory_space<hbm>> -> memref<80xi32, #tpu.memory_space<hbm>>
          %dma_wait3A_66 = arith.constant 0 : i32
          %dma_wait3A_67 = tpu.memref_slice %arg8[%run_scoped3A_39, %dma_wait3A_66] : memref<2x80xi32, #tpu.memory_space<vmem>> -> memref<1x80xi32, #tpu.memory_space<vmem>>
          %dma_wait3A_68 = tpu.memref_squeeze %dma_wait3A_67 : memref<1x80xi32, #tpu.memory_space<vmem>> -> memref<80xi32, #tpu.memory_space<vmem>>
          %dma_wait3A_69 = tpu.memref_slice %arg5[%add3A] : memref<320000xi32, #tpu.memory_space<hbm>> -> memref<80xi32, #tpu.memory_space<hbm>>
          tpu.wait_dma2 semaphore(%run_scoped3A_53 : memref<!tpu.dma_semaphore, #tpu.memory_space<semaphore_mem>>) src(%dma_wait3A_69 : memref<80xi32, #tpu.memory_space<hbm>>) dst(%dma_wait3A_68 : memref<80xi32, #tpu.memory_space<vmem>>)
          tpu.yield
        }) : () -> ()
        %dma_start3A = arith.constant 0 : i32
        %dma_start3A_40 = arith.constant 0 : i32
        %dma_start3A_41 = tpu.memref_slice %arg8[%dma_start3A, %dma_start3A_40] : memref<2x80xi32, #tpu.memory_space<vmem>> -> memref<1x80xi32, #tpu.memory_space<vmem>>
        %dma_start3A_42 = tpu.memref_squeeze %dma_start3A_41 : memref<1x80xi32, #tpu.memory_space<vmem>> -> memref<80xi32, #tpu.memory_space<vmem>>
        %dma_start3A_43 = arith.constant 0 : i32
        %dma_start3A_44 = arith.constant 0 : i32
        %dma_start3A_45 = tpu.memref_slice %arg2[%dma_start3A_43, %dma_start3A_44] : memref<10000x128xf32, #tpu.memory_space<hbm>> -> memref<10000x128xf32, #tpu.memory_space<hbm>>
        tpu.enqueue_indirect_dma source(%dma_start3A_45 : memref<10000x128xf32, #tpu.memory_space<hbm>>) target(%arg9 : memref<80x128xf32, #tpu.memory_space<vmem>>) offsets(%dma_start3A_42 : memref<80xi32, #tpu.memory_space<vmem>>) semaphore(%arg10 : memref<!tpu.dma_semaphore, #tpu.memory_space<semaphore_mem>>)
        %dma_wait3A = arith.constant 0 : i32
        %dma_wait3A_46 = arith.constant 0 : i32
        %dma_wait3A_47 = tpu.memref_slice %arg8[%dma_wait3A, %dma_wait3A_46] : memref<2x80xi32, #tpu.memory_space<vmem>> -> memref<1x80xi32, #tpu.memory_space<vmem>>
        %dma_wait3A_48 = tpu.memref_squeeze %dma_wait3A_47 : memref<1x80xi32, #tpu.memory_space<vmem>> -> memref<80xi32, #tpu.memory_space<vmem>>
        %dma_wait3A_49 = arith.constant 0 : i32
        %dma_wait3A_50 = arith.constant 0 : i32
        %dma_wait3A_51 = tpu.memref_slice %arg2[%dma_wait3A_49, %dma_wait3A_50] : memref<10000x128xf32, #tpu.memory_space<hbm>> -> memref<10000x128xf32, #tpu.memory_space<hbm>>
        tpu.wait_indirect_dma semaphore(%arg10 : memref<!tpu.dma_semaphore, #tpu.memory_space<semaphore_mem>>) src(%dma_wait3A_51 : memref<10000x128xf32, #tpu.memory_space<hbm>>) dst(%arg9 : memref<80x128xf32, #tpu.memory_space<vmem>>)
        %run_scoped3A_52 = arith.constant 1 : i32
        "tpu.region"() ({
          %run_scoped3A_53 = tpu.sem_alloc : memref<!tpu.dma_semaphore, #tpu.memory_space<semaphore_mem>>
          %dma_start3A_54 = arith.constant 0 : i32
          %dma_start3A_55 = tpu.memref_slice %arg8[%run_scoped3A_52, %dma_start3A_54] : memref<2x80xi32, #tpu.memory_space<vmem>> -> memref<1x80xi32, #tpu.memory_space<vmem>>
          %dma_start3A_56 = tpu.memref_squeeze %dma_start3A_55 : memref<1x80xi32, #tpu.memory_space<vmem>> -> memref<80xi32, #tpu.memory_space<vmem>>
          %dma_start3A_57 = arith.constant 0 : i32
          %dma_start3A_58 = arith.constant 0 : i32
          %dma_start3A_59 = tpu.memref_slice %arg11[%dma_start3A_57, %dma_start3A_58] : memref<10000x128xf32, #tpu.memory_space<vmem_shared>> -> memref<10000x128xf32, #tpu.memory_space<vmem_shared>>
          tpu.enqueue_indirect_dma source(%arg9 : memref<80x128xf32, #tpu.memory_space<vmem>>) target(%dma_start3A_59 : memref<10000x128xf32, #tpu.memory_space<vmem_shared>>) offsets(%dma_start3A_56 : memref<80xi32, #tpu.memory_space<vmem>>) semaphore(%run_scoped3A_53 : memref<!tpu.dma_semaphore, #tpu.memory_space<semaphore_mem>>) {add = true}
          %dma_wait3A_60 = arith.constant 0 : i32
          %dma_wait3A_61 = tpu.memref_slice %arg8[%run_scoped3A_52, %dma_wait3A_60] : memref<2x80xi32, #tpu.memory_space<vmem>> -> memref<1x80xi32, #tpu.memory_space<vmem>>
          %dma_wait3A_62 = tpu.memref_squeeze %dma_wait3A_61 : memref<1x80xi32, #tpu.memory_space<vmem>> -> memref<80xi32, #tpu.memory_space<vmem>>
          %dma_wait3A_63 = arith.constant 0 : i32
          %dma_wait3A_64 = arith.constant 0 : i32
          %dma_wait3A_65 = tpu.memref_slice %arg11[%dma_wait3A_63, %dma_wait3A_64] : memref<10000x128xf32, #tpu.memory_space<vmem_shared>> -> memref<10000x128xf32, #tpu.memory_space<vmem_shared>>
          tpu.wait_indirect_dma semaphore(%run_scoped3A_53 : memref<!tpu.dma_semaphore, #tpu.memory_space<semaphore_mem>>) src(%arg9 : memref<80x128xf32, #tpu.memory_space<vmem>>) dst(%dma_wait3A_65 : memref<10000x128xf32, #tpu.memory_space<vmem_shared>>)
          tpu.yield
        }) : () -> ()
      }
      %scan3A_35 = arith.constant 250 : i32
    } else {
    }
    %eq3A_13 = arith.constant 1 : i32
    %eq3A_14 = arith.cmpi eq, %arg0, %eq3A_13 : i32
    %convert_element_type3A_15 = arith.extui %eq3A_14 : i1 to i32
    %cond3A_16 = arith.constant 0 : i32
    %cond3A_17 = arith.cmpi ne, %convert_element_type3A_15, %cond3A_16 : i32
    scf.if %cond3A_17 {
      %mul3A = arith.constant 20000 : i32
      %mul3A_29 = arith.muli %arg1, %mul3A : i32
      %scan3A_30 = arith.constant 0 : i32
      %scan3A_31 = arith.constant 0 : i32
      %scan3A_32 = arith.constant 250 : i32
      %scan3A_33 = arith.addi %scan3A_31, %scan3A_32 : i32
      %scan3A_34 = arith.constant 1 : i32
      scf.for %scan3A_36 = %scan3A_31 to %scan3A_33 step %scan3A_34  : i32 {
        %mul3A_37 = arith.constant 80 : i32
        %mul3A_38 = arith.muli %scan3A_36, %mul3A_37 : i32
        %add3A = arith.addi %mul3A_29, %mul3A_38 : i32
        %run_scoped3A = arith.constant 0 : i32
        "tpu.region"() ({
          %run_scoped3A_53 = tpu.sem_alloc : memref<!tpu.dma_semaphore, #tpu.memory_space<semaphore_mem>>
          %dma_start3A_54 = arith.constant 0 : i32
          %dma_start3A_55 = tpu.memref_slice %arg8[%run_scoped3A, %dma_start3A_54] : memref<2x80xi32, #tpu.memory_space<vmem>> -> memref<1x80xi32, #tpu.memory_space<vmem>>
          %dma_start3A_56 = tpu.memref_squeeze %dma_start3A_55 : memref<1x80xi32, #tpu.memory_space<vmem>> -> memref<80xi32, #tpu.memory_space<vmem>>
          %dma_start3A_57 = tpu.memref_slice %arg4[%add3A] : memref<320000xi32, #tpu.memory_space<hbm>> -> memref<80xi32, #tpu.memory_space<hbm>>
          %dma_start3A_58 = arith.constant 0 : i32
          %dma_start3A_59 = tpu.memref_slice %arg8[%run_scoped3A, %dma_start3A_58] : memref<2x80xi32, #tpu.memory_space<vmem>> -> memref<1x80xi32, #tpu.memory_space<vmem>>
          %dma_start3A_60 = tpu.memref_squeeze %dma_start3A_59 : memref<1x80xi32, #tpu.memory_space<vmem>> -> memref<80xi32, #tpu.memory_space<vmem>>
          %dma_start3A_61 = tpu.memref_slice %arg4[%add3A] : memref<320000xi32, #tpu.memory_space<hbm>> -> memref<80xi32, #tpu.memory_space<hbm>>
          tpu.enqueue_dma source(%dma_start3A_61 : memref<80xi32, #tpu.memory_space<hbm>>) target(%dma_start3A_60 : memref<80xi32, #tpu.memory_space<vmem>>) target_semaphore(%run_scoped3A_53 : memref<!tpu.dma_semaphore, #tpu.memory_space<semaphore_mem>>)
          %dma_wait3A_62 = arith.constant 0 : i32
          %dma_wait3A_63 = tpu.memref_slice %arg8[%run_scoped3A, %dma_wait3A_62] : memref<2x80xi32, #tpu.memory_space<vmem>> -> memref<1x80xi32, #tpu.memory_space<vmem>>
          %dma_wait3A_64 = tpu.memref_squeeze %dma_wait3A_63 : memref<1x80xi32, #tpu.memory_space<vmem>> -> memref<80xi32, #tpu.memory_space<vmem>>
          %dma_wait3A_65 = tpu.memref_slice %arg4[%add3A] : memref<320000xi32, #tpu.memory_space<hbm>> -> memref<80xi32, #tpu.memory_space<hbm>>
          %dma_wait3A_66 = arith.constant 0 : i32
          %dma_wait3A_67 = tpu.memref_slice %arg8[%run_scoped3A, %dma_wait3A_66] : memref<2x80xi32, #tpu.memory_space<vmem>> -> memref<1x80xi32, #tpu.memory_space<vmem>>
          %dma_wait3A_68 = tpu.memref_squeeze %dma_wait3A_67 : memref<1x80xi32, #tpu.memory_space<vmem>> -> memref<80xi32, #tpu.memory_space<vmem>>
          %dma_wait3A_69 = tpu.memref_slice %arg4[%add3A] : memref<320000xi32, #tpu.memory_space<hbm>> -> memref<80xi32, #tpu.memory_space<hbm>>
          tpu.wait_dma2 semaphore(%run_scoped3A_53 : memref<!tpu.dma_semaphore, #tpu.memory_space<semaphore_mem>>) src(%dma_wait3A_69 : memref<80xi32, #tpu.memory_space<hbm>>) dst(%dma_wait3A_68 : memref<80xi32, #tpu.memory_space<vmem>>)
          tpu.yield
        }) : () -> ()
        %run_scoped3A_39 = arith.constant 1 : i32
        "tpu.region"() ({
          %run_scoped3A_53 = tpu.sem_alloc : memref<!tpu.dma_semaphore, #tpu.memory_space<semaphore_mem>>
          %dma_start3A_54 = arith.constant 0 : i32
          %dma_start3A_55 = tpu.memref_slice %arg8[%run_scoped3A_39, %dma_start3A_54] : memref<2x80xi32, #tpu.memory_space<vmem>> -> memref<1x80xi32, #tpu.memory_space<vmem>>
          %dma_start3A_56 = tpu.memref_squeeze %dma_start3A_55 : memref<1x80xi32, #tpu.memory_space<vmem>> -> memref<80xi32, #tpu.memory_space<vmem>>
          %dma_start3A_57 = tpu.memref_slice %arg5[%add3A] : memref<320000xi32, #tpu.memory_space<hbm>> -> memref<80xi32, #tpu.memory_space<hbm>>
          %dma_start3A_58 = arith.constant 0 : i32
          %dma_start3A_59 = tpu.memref_slice %arg8[%run_scoped3A_39, %dma_start3A_58] : memref<2x80xi32, #tpu.memory_space<vmem>> -> memref<1x80xi32, #tpu.memory_space<vmem>>
          %dma_start3A_60 = tpu.memref_squeeze %dma_start3A_59 : memref<1x80xi32, #tpu.memory_space<vmem>> -> memref<80xi32, #tpu.memory_space<vmem>>
          %dma_start3A_61 = tpu.memref_slice %arg5[%add3A] : memref<320000xi32, #tpu.memory_space<hbm>> -> memref<80xi32, #tpu.memory_space<hbm>>
          tpu.enqueue_dma source(%dma_start3A_61 : memref<80xi32, #tpu.memory_space<hbm>>) target(%dma_start3A_60 : memref<80xi32, #tpu.memory_space<vmem>>) target_semaphore(%run_scoped3A_53 : memref<!tpu.dma_semaphore, #tpu.memory_space<semaphore_mem>>)
          %dma_wait3A_62 = arith.constant 0 : i32
          %dma_wait3A_63 = tpu.memref_slice %arg8[%run_scoped3A_39, %dma_wait3A_62] : memref<2x80xi32, #tpu.memory_space<vmem>> -> memref<1x80xi32, #tpu.memory_space<vmem>>
          %dma_wait3A_64 = tpu.memref_squeeze %dma_wait3A_63 : memref<1x80xi32, #tpu.memory_space<vmem>> -> memref<80xi32, #tpu.memory_space<vmem>>
          %dma_wait3A_65 = tpu.memref_slice %arg5[%add3A] : memref<320000xi32, #tpu.memory_space<hbm>> -> memref<80xi32, #tpu.memory_space<hbm>>
          %dma_wait3A_66 = arith.constant 0 : i32
          %dma_wait3A_67 = tpu.memref_slice %arg8[%run_scoped3A_39, %dma_wait3A_66] : memref<2x80xi32, #tpu.memory_space<vmem>> -> memref<1x80xi32, #tpu.memory_space<vmem>>
          %dma_wait3A_68 = tpu.memref_squeeze %dma_wait3A_67 : memref<1x80xi32, #tpu.memory_space<vmem>> -> memref<80xi32, #tpu.memory_space<vmem>>
          %dma_wait3A_69 = tpu.memref_slice %arg5[%add3A] : memref<320000xi32, #tpu.memory_space<hbm>> -> memref<80xi32, #tpu.memory_space<hbm>>
          tpu.wait_dma2 semaphore(%run_scoped3A_53 : memref<!tpu.dma_semaphore, #tpu.memory_space<semaphore_mem>>) src(%dma_wait3A_69 : memref<80xi32, #tpu.memory_space<hbm>>) dst(%dma_wait3A_68 : memref<80xi32, #tpu.memory_space<vmem>>)
          tpu.yield
        }) : () -> ()
        %dma_start3A = arith.constant 0 : i32
        %dma_start3A_40 = arith.constant 0 : i32
        %dma_start3A_41 = tpu.memref_slice %arg8[%dma_start3A, %dma_start3A_40] : memref<2x80xi32, #tpu.memory_space<vmem>> -> memref<1x80xi32, #tpu.memory_space<vmem>>
        %dma_start3A_42 = tpu.memref_squeeze %dma_start3A_41 : memref<1x80xi32, #tpu.memory_space<vmem>> -> memref<80xi32, #tpu.memory_space<vmem>>
        %dma_start3A_43 = arith.constant 0 : i32
        %dma_start3A_44 = arith.constant 0 : i32
        %dma_start3A_45 = tpu.memref_slice %arg3[%dma_start3A_43, %dma_start3A_44] : memref<10000x128xf32, #tpu.memory_space<hbm>> -> memref<10000x128xf32, #tpu.memory_space<hbm>>
        tpu.enqueue_indirect_dma source(%dma_start3A_45 : memref<10000x128xf32, #tpu.memory_space<hbm>>) target(%arg9 : memref<80x128xf32, #tpu.memory_space<vmem>>) offsets(%dma_start3A_42 : memref<80xi32, #tpu.memory_space<vmem>>) semaphore(%arg10 : memref<!tpu.dma_semaphore, #tpu.memory_space<semaphore_mem>>)
        %dma_wait3A = arith.constant 0 : i32
        %dma_wait3A_46 = arith.constant 0 : i32
        %dma_wait3A_47 = tpu.memref_slice %arg8[%dma_wait3A, %dma_wait3A_46] : memref<2x80xi32, #tpu.memory_space<vmem>> -> memref<1x80xi32, #tpu.memory_space<vmem>>
        %dma_wait3A_48 = tpu.memref_squeeze %dma_wait3A_47 : memref<1x80xi32, #tpu.memory_space<vmem>> -> memref<80xi32, #tpu.memory_space<vmem>>
        %dma_wait3A_49 = arith.constant 0 : i32
        %dma_wait3A_50 = arith.constant 0 : i32
        %dma_wait3A_51 = tpu.memref_slice %arg3[%dma_wait3A_49, %dma_wait3A_50] : memref<10000x128xf32, #tpu.memory_space<hbm>> -> memref<10000x128xf32, #tpu.memory_space<hbm>>
        tpu.wait_indirect_dma semaphore(%arg10 : memref<!tpu.dma_semaphore, #tpu.memory_space<semaphore_mem>>) src(%dma_wait3A_51 : memref<10000x128xf32, #tpu.memory_space<hbm>>) dst(%arg9 : memref<80x128xf32, #tpu.memory_space<vmem>>)
        %run_scoped3A_52 = arith.constant 1 : i32
        "tpu.region"() ({
          %run_scoped3A_53 = tpu.sem_alloc : memref<!tpu.dma_semaphore, #tpu.memory_space<semaphore_mem>>
          %dma_start3A_54 = arith.constant 0 : i32
          %dma_start3A_55 = tpu.memref_slice %arg8[%run_scoped3A_52, %dma_start3A_54] : memref<2x80xi32, #tpu.memory_space<vmem>> -> memref<1x80xi32, #tpu.memory_space<vmem>>
          %dma_start3A_56 = tpu.memref_squeeze %dma_start3A_55 : memref<1x80xi32, #tpu.memory_space<vmem>> -> memref<80xi32, #tpu.memory_space<vmem>>
          %dma_start3A_57 = arith.constant 0 : i32
          %dma_start3A_58 = arith.constant 0 : i32
          %dma_start3A_59 = tpu.memref_slice %arg11[%dma_start3A_57, %dma_start3A_58] : memref<10000x128xf32, #tpu.memory_space<vmem_shared>> -> memref<10000x128xf32, #tpu.memory_space<vmem_shared>>
          tpu.enqueue_indirect_dma source(%arg9 : memref<80x128xf32, #tpu.memory_space<vmem>>) target(%dma_start3A_59 : memref<10000x128xf32, #tpu.memory_space<vmem_shared>>) offsets(%dma_start3A_56 : memref<80xi32, #tpu.memory_space<vmem>>) semaphore(%run_scoped3A_53 : memref<!tpu.dma_semaphore, #tpu.memory_space<semaphore_mem>>) {add = true}
          %dma_wait3A_60 = arith.constant 0 : i32
          %dma_wait3A_61 = tpu.memref_slice %arg8[%run_scoped3A_52, %dma_wait3A_60] : memref<2x80xi32, #tpu.memory_space<vmem>> -> memref<1x80xi32, #tpu.memory_space<vmem>>
          %dma_wait3A_62 = tpu.memref_squeeze %dma_wait3A_61 : memref<1x80xi32, #tpu.memory_space<vmem>> -> memref<80xi32, #tpu.memory_space<vmem>>
          %dma_wait3A_63 = arith.constant 0 : i32
          %dma_wait3A_64 = arith.constant 0 : i32
          %dma_wait3A_65 = tpu.memref_slice %arg11[%dma_wait3A_63, %dma_wait3A_64] : memref<10000x128xf32, #tpu.memory_space<vmem_shared>> -> memref<10000x128xf32, #tpu.memory_space<vmem_shared>>
          tpu.wait_indirect_dma semaphore(%run_scoped3A_53 : memref<!tpu.dma_semaphore, #tpu.memory_space<semaphore_mem>>) src(%arg9 : memref<80x128xf32, #tpu.memory_space<vmem>>) dst(%dma_wait3A_65 : memref<10000x128xf32, #tpu.memory_space<vmem_shared>>)
          tpu.yield
        }) : () -> ()
      }
      %scan3A_35 = arith.constant 250 : i32
    } else {
    }
    %barrier3A_18 = arith.constant 0 : index
    tpu.barrier barrier_id(%barrier3A_18)
    %eq3A_19 = arith.constant 0 : i32
    %eq3A_20 = arith.cmpi eq, %arg0, %eq3A_19 : i32
    %convert_element_type3A_21 = arith.extui %eq3A_20 : i1 to i32
    %cond3A_22 = arith.constant 0 : i32
    %cond3A_23 = arith.cmpi ne, %convert_element_type3A_21, %cond3A_22 : i32
    scf.if %cond3A_23 {
      %scan3A_29 = arith.constant 0 : i32
      %scan3A_30 = arith.constant 0 : i32
      %scan3A_31 = arith.constant 8 : i32
      %scan3A_32 = arith.addi %scan3A_30, %scan3A_31 : i32
      %scan3A_33 = arith.constant 1 : i32
      scf.for %scan3A_35 = %scan3A_30 to %scan3A_32 step %scan3A_33  : i32 {
        %mul3A = arith.constant 16 : i32
        %mul3A_36 = arith.muli %scan3A_35, %mul3A : i32
        %add3A = arith.addi %arg1, %mul3A_36 : i32
        %lt3A = arith.constant 125 : i32
        %lt3A_37 = arith.cmpi slt, %add3A, %lt3A : i32
        %convert_element_type3A_38 = arith.extui %lt3A_37 : i1 to i32
        %cond3A_39 = arith.constant 0 : i32
        %cond3A_40 = arith.cmpi ne, %convert_element_type3A_38, %cond3A_39 : i32
        scf.if %cond3A_40 {
          %mul3A_41 = arith.constant 80 : i32
          %mul3A_42 = arith.muli %add3A, %mul3A_41 : i32
          %mul3A_43 = arith.constant 80 : i32
          %mul3A_44 = arith.muli %add3A, %mul3A_43 : i32
          "tpu.region"() ({
            %run_scoped3A = tpu.sem_alloc : memref<!tpu.dma_semaphore, #tpu.memory_space<semaphore_mem>>
            %dma_start3A = arith.constant 0 : i32
            %dma_start3A_45 = tpu.memref_slice %arg6[%mul3A_44, %dma_start3A] : memref<10000x128xf32, #tpu.memory_space<hbm>> -> memref<80x128xf32, #tpu.memory_space<hbm>>
            %dma_start3A_46 = arith.constant 0 : i32
            %dma_start3A_47 = tpu.memref_slice %arg11[%mul3A_42, %dma_start3A_46] : memref<10000x128xf32, #tpu.memory_space<vmem_shared>> -> memref<80x128xf32, #tpu.memory_space<vmem_shared>>
            tpu.enqueue_dma source(%dma_start3A_47 : memref<80x128xf32, #tpu.memory_space<vmem_shared>>) target(%dma_start3A_45 : memref<80x128xf32, #tpu.memory_space<hbm>>) target_semaphore(%run_scoped3A : memref<!tpu.dma_semaphore, #tpu.memory_space<semaphore_mem>>)
            %dma_wait3A = arith.constant 0 : i32
            %dma_wait3A_48 = tpu.memref_slice %arg6[%mul3A_44, %dma_wait3A] : memref<10000x128xf32, #tpu.memory_space<hbm>> -> memref<80x128xf32, #tpu.memory_space<hbm>>
            %dma_wait3A_49 = arith.constant 0 : i32
            %dma_wait3A_50 = tpu.memref_slice %arg11[%mul3A_42, %dma_wait3A_49] : memref<10000x128xf32, #tpu.memory_space<vmem_shared>> -> memref<80x128xf32, #tpu.memory_space<vmem_shared>>
            tpu.wait_dma2 semaphore(%run_scoped3A : memref<!tpu.dma_semaphore, #tpu.memory_space<semaphore_mem>>) src(%dma_wait3A_50 : memref<80x128xf32, #tpu.memory_space<vmem_shared>>) dst(%dma_wait3A_48 : memref<80x128xf32, #tpu.memory_space<hbm>>)
            tpu.yield
          }) : () -> ()
        } else {
        }
      }
      %scan3A_34 = arith.constant 8 : i32
    } else {
    }
    %eq3A_24 = arith.constant 1 : i32
    %eq3A_25 = arith.cmpi eq, %arg0, %eq3A_24 : i32
    %convert_element_type3A_26 = arith.extui %eq3A_25 : i1 to i32
    %cond3A_27 = arith.constant 0 : i32
    %cond3A_28 = arith.cmpi ne, %convert_element_type3A_26, %cond3A_27 : i32
    scf.if %cond3A_28 {
      %scan3A_29 = arith.constant 0 : i32
      %scan3A_30 = arith.constant 0 : i32
      %scan3A_31 = arith.constant 8 : i32
      %scan3A_32 = arith.addi %scan3A_30, %scan3A_31 : i32
      %scan3A_33 = arith.constant 1 : i32
      scf.for %scan3A_35 = %scan3A_30 to %scan3A_32 step %scan3A_33  : i32 {
        %mul3A = arith.constant 16 : i32
        %mul3A_36 = arith.muli %scan3A_35, %mul3A : i32
        %add3A = arith.addi %arg1, %mul3A_36 : i32
        %lt3A = arith.constant 125 : i32
        %lt3A_37 = arith.cmpi slt, %add3A, %lt3A : i32
        %convert_element_type3A_38 = arith.extui %lt3A_37 : i1 to i32
        %cond3A_39 = arith.constant 0 : i32
        %cond3A_40 = arith.cmpi ne, %convert_element_type3A_38, %cond3A_39 : i32
        scf.if %cond3A_40 {
          %mul3A_41 = arith.constant 80 : i32
          %mul3A_42 = arith.muli %add3A, %mul3A_41 : i32
          %mul3A_43 = arith.constant 80 : i32
          %mul3A_44 = arith.muli %add3A, %mul3A_43 : i32
          "tpu.region"() ({
            %run_scoped3A = tpu.sem_alloc : memref<!tpu.dma_semaphore, #tpu.memory_space<semaphore_mem>>
            %dma_start3A = arith.constant 0 : i32
            %dma_start3A_45 = tpu.memref_slice %arg7[%mul3A_44, %dma_start3A] : memref<10000x128xf32, #tpu.memory_space<hbm>> -> memref<80x128xf32, #tpu.memory_space<hbm>>
            %dma_start3A_46 = arith.constant 0 : i32
            %dma_start3A_47 = tpu.memref_slice %arg11[%mul3A_42, %dma_start3A_46] : memref<10000x128xf32, #tpu.memory_space<vmem_shared>> -> memref<80x128xf32, #tpu.memory_space<vmem_shared>>
            tpu.enqueue_dma source(%dma_start3A_47 : memref<80x128xf32, #tpu.memory_space<vmem_shared>>) target(%dma_start3A_45 : memref<80x128xf32, #tpu.memory_space<hbm>>) target_semaphore(%run_scoped3A : memref<!tpu.dma_semaphore, #tpu.memory_space<semaphore_mem>>)
            %dma_wait3A = arith.constant 0 : i32
            %dma_wait3A_48 = tpu.memref_slice %arg7[%mul3A_44, %dma_wait3A] : memref<10000x128xf32, #tpu.memory_space<hbm>> -> memref<80x128xf32, #tpu.memory_space<hbm>>
            %dma_wait3A_49 = arith.constant 0 : i32
            %dma_wait3A_50 = tpu.memref_slice %arg11[%mul3A_42, %dma_wait3A_49] : memref<10000x128xf32, #tpu.memory_space<vmem_shared>> -> memref<80x128xf32, #tpu.memory_space<vmem_shared>>
            tpu.wait_dma2 semaphore(%run_scoped3A : memref<!tpu.dma_semaphore, #tpu.memory_space<semaphore_mem>>) src(%dma_wait3A_50 : memref<80x128xf32, #tpu.memory_space<vmem_shared>>) dst(%dma_wait3A_48 : memref<80x128xf32, #tpu.memory_space<hbm>>)
            tpu.yield
          }) : () -> ()
        } else {
        }
      }
      %scan3A_34 = arith.constant 8 : i32
    } else {
    }
    return
  }
}

module attributes {stable_mosaic.version = 14 : i64} {
  func.func @body(%arg0: i32, %arg1: memref<1000x128xf32, #tpu.memory_space<vmem>>, %arg2: memref<128x256xf32, #tpu.memory_space<vmem>>, %arg3: memref<1x256xf32, #tpu.memory_space<vmem>>, %arg4: memref<1000x128xf32, #tpu.memory_space<vmem>>, %arg5: memref<1000x128xf32, #tpu.memory_space<vmem>>) attributes {dimension_semantics = [#tpu.dimension_semantics<arbitrary>], iteration_bounds = array<i64: 10>, scalar_prefetch = 0 : i64, scratch_operands = 0 : i64, tpu.core_type = #tpu.core_type<tc>, window_params = [{transform_indices = @transform_0, window_bounds = array<i64: 1000, 128>}, {pipeline_mode = #tpu.pipeline_mode<synchronous>, transform_indices = @transform_1, window_bounds = array<i64: 128, 256>}, {pipeline_mode = #tpu.pipeline_mode<synchronous>, transform_indices = @transform_2, window_bounds = array<i64: 1, 256>}, {transform_indices = @transform_3, window_bounds = array<i64: 1000, 128>}, {transform_indices = @transform_4, window_bounds = array<i64: 1000, 128>}]} {
    %get3A = arith.constant 0 : index
    %get3A_0 = arith.constant 0 : index
    %get3A_1 = vector.load %arg1[%get3A, %get3A_0] : memref<1000x128xf32, #tpu.memory_space<vmem>>, vector<1000x128xf32>
    %get3A_2 = arith.constant 0 : index
    %get3A_3 = arith.constant 0 : index
    %get3A_4 = vector.load %arg2[%get3A_2, %get3A_3] : memref<128x256xf32, #tpu.memory_space<vmem>>, vector<128x256xf32>
    %dot_general3A = arith.constant dense<0.000000e+00> : vector<1000x256xf32>
    %dot_general3A_5 = tpu.matmul %get3A_1, %get3A_4, %dot_general3A {dimension_numbers = #tpu.dot_dimension_numbers<[1], [0], [0], [1], [0, 0, 1, 1], [], []>, transpose_lhs_hint = false} : vector<1000x128xf32>, vector<128x256xf32>, vector<1000x256xf32> -> vector<1000x256xf32>
    %get3A_6 = arith.constant 0 : index
    %get3A_7 = arith.constant 0 : index
    %get3A_8 = vector.load %arg3[%get3A_6, %get3A_7] : memref<1x256xf32, #tpu.memory_space<vmem>>, vector<1x256xf32>
    %add3A = vector.broadcast %get3A_8 : vector<1x256xf32> to vector<1000x256xf32>
    %add3A_9 = arith.addf %dot_general3A_5, %add3A : vector<1000x256xf32>
    %max3A = arith.constant 0.000000e+00 : f32
    %max3A_10 = vector.broadcast %max3A : f32 to vector<1000x256xf32>
    %max3A_11 = arith.maximumf %add3A_9, %max3A_10 : vector<1000x256xf32>
    %slice3A = vector.extract_strided_slice %max3A_11 {offsets = [0, 0], sizes = [1000, 128], strides = [1, 1]} : vector<1000x256xf32> to vector<1000x128xf32>
    %swap3A = arith.constant 0 : index
    %swap3A_12 = arith.constant 0 : index
    %swap3A_13 = vector.load %arg4[%swap3A, %swap3A_12] : memref<1000x128xf32, #tpu.memory_space<vmem>>, vector<1000x128xf32>
    tpu.vector_store %arg4[%swap3A, %swap3A_12], %slice3A {strides = array<i32>} : memref<1000x128xf32, #tpu.memory_space<vmem>>, vector<1000x128xf32>,
    %slice3A_14 = vector.extract_strided_slice %max3A_11 {offsets = [0, 128], sizes = [1000, 128], strides = [1, 1]} : vector<1000x256xf32> to vector<1000x128xf32>
    %swap3A_15 = arith.constant 0 : index
    %swap3A_16 = arith.constant 0 : index
    %swap3A_17 = vector.load %arg5[%swap3A_15, %swap3A_16] : memref<1000x128xf32, #tpu.memory_space<vmem>>, vector<1000x128xf32>
    tpu.vector_store %arg5[%swap3A_15, %swap3A_16], %slice3A_14 {strides = array<i32>} : memref<1000x128xf32, #tpu.memory_space<vmem>>, vector<1000x128xf32>,
    return
  }
  func.func @transform_0(%arg0: i32) -> (i32, i32) {
    %c0_i32 = arith.constant 0 : i32
    %c0_i32_0 = arith.constant 0 : i32
    return %arg0, %c0_i32 : i32, i32
  }
  func.func @transform_1(%arg0: i32) -> (i32, i32) {
    %c0_i32 = arith.constant 0 : i32
    %c0_i32_0 = arith.constant 0 : i32
    %c0_i32_1 = arith.constant 0 : i32
    return %c0_i32, %c0_i32_0 : i32, i32
  }
  func.func @transform_2(%arg0: i32) -> (i32, i32) {
    %c0_i32 = arith.constant 0 : i32
    %c0_i32_0 = arith.constant 0 : i32
    %c0_i32_1 = arith.constant 0 : i32
    return %c0_i32, %c0_i32_0 : i32, i32
  }
  func.func @transform_3(%arg0: i32) -> (i32, i32) {
    %c0_i32 = arith.constant 0 : i32
    %c0_i32_0 = arith.constant 0 : i32
    return %arg0, %c0_i32 : i32, i32
  }
  func.func @transform_4(%arg0: i32) -> (i32, i32) {
    %c0_i32 = arith.constant 0 : i32
    %c0_i32_0 = arith.constant 0 : i32
    return %arg0, %c0_i32 : i32, i32
  }
}

module attributes {stable_mosaic.version = 14 : i64} {
  func.func @body(%arg0: i32, %arg1: memref<1000x128xf32, #tpu.memory_space<vmem>>, %arg2: memref<1000x128xf32, #tpu.memory_space<vmem>>, %arg3: memref<1000x128xf32, #tpu.memory_space<vmem>>, %arg4: memref<1000x128xf32, #tpu.memory_space<vmem>>, %arg5: memref<256x512xf32, #tpu.memory_space<vmem>>, %arg6: memref<1x512xf32, #tpu.memory_space<vmem>>, %arg7: memref<1x1xf32, #tpu.memory_space<smem>>, %arg8: memref<1000x512xf32, #tpu.memory_space<vmem>>, %arg9: memref<8x512xf32, #tpu.memory_space<vmem>>, %arg10: memref<8x512xf32, #tpu.memory_space<vmem>>) attributes {dimension_semantics = [#tpu.dimension_semantics<arbitrary>], iteration_bounds = array<i64: 10>, scalar_prefetch = 0 : i64, scratch_operands = 0 : i64, tpu.core_type = #tpu.core_type<tc>, window_params = [{transform_indices = @transform_0, window_bounds = array<i64: 1000, 128>}, {transform_indices = @transform_1, window_bounds = array<i64: 1000, 128>}, {transform_indices = @transform_2, window_bounds = array<i64: 1000, 128>}, {transform_indices = @transform_3, window_bounds = array<i64: 1000, 128>}, {pipeline_mode = #tpu.pipeline_mode<synchronous>, transform_indices = @transform_4, window_bounds = array<i64: 256, 512>}, {pipeline_mode = #tpu.pipeline_mode<synchronous>, transform_indices = @transform_5, window_bounds = array<i64: 1, 512>}, {transform_indices = @transform_6, window_bounds = array<i64: 1, 1>}, {transform_indices = @transform_7, window_bounds = array<i64: 1000, 512>}, {pipeline_mode = #tpu.pipeline_mode<synchronous>, transform_indices = @transform_8, window_bounds = array<i64: 8, 512>}, {pipeline_mode = #tpu.pipeline_mode<synchronous>, transform_indices = @transform_9, window_bounds = array<i64: 8, 512>}]} {
    %get3A = arith.constant 0 : index
    %get3A_0 = arith.constant 0 : index
    %get3A_1 = memref.load %arg7[%get3A, %get3A_0] : memref<1x1xf32, #tpu.memory_space<smem>>
    %get3A_2 = arith.constant 0 : index
    %get3A_3 = arith.constant 0 : index
    %get3A_4 = vector.load %arg1[%get3A_2, %get3A_3] : memref<1000x128xf32, #tpu.memory_space<vmem>>, vector<1000x128xf32>
    %mul3A = vector.broadcast %get3A_1 : f32 to vector<1000x128xf32>
    %mul3A_5 = arith.mulf %mul3A, %get3A_4 : vector<1000x128xf32>
    %get3A_6 = arith.constant 0 : index
    %get3A_7 = arith.constant 0 : index
    %get3A_8 = vector.load %arg3[%get3A_6, %get3A_7] : memref<1000x128xf32, #tpu.memory_space<vmem>>, vector<1000x128xf32>
    %add3A = arith.addf %mul3A_5, %get3A_8 : vector<1000x128xf32>
    %get3A_9 = arith.constant 0 : index
    %get3A_10 = arith.constant 0 : index
    %get3A_11 = vector.load %arg2[%get3A_9, %get3A_10] : memref<1000x128xf32, #tpu.memory_space<vmem>>, vector<1000x128xf32>
    %mul3A_12 = vector.broadcast %get3A_1 : f32 to vector<1000x128xf32>
    %mul3A_13 = arith.mulf %mul3A_12, %get3A_11 : vector<1000x128xf32>
    %get3A_14 = arith.constant 0 : index
    %get3A_15 = arith.constant 0 : index
    %get3A_16 = vector.load %arg4[%get3A_14, %get3A_15] : memref<1000x128xf32, #tpu.memory_space<vmem>>, vector<1000x128xf32>
    %add3A_17 = arith.addf %mul3A_13, %get3A_16 : vector<1000x128xf32>
    %concatenate3A = tpu.concatenate %add3A, %add3A_17 in 1 : vector<1000x128xf32>, vector<1000x128xf32> -> vector<1000x256xf32>
    %get3A_18 = arith.constant 0 : index
    %get3A_19 = arith.constant 0 : index
    %get3A_20 = vector.load %arg5[%get3A_18, %get3A_19] : memref<256x512xf32, #tpu.memory_space<vmem>>, vector<256x512xf32>
    %dot_general3A = arith.constant dense<0.000000e+00> : vector<1000x512xf32>
    %dot_general3A_21 = tpu.matmul %concatenate3A, %get3A_20, %dot_general3A {dimension_numbers = #tpu.dot_dimension_numbers<[1], [0], [0], [1], [0, 0, 1, 1], [], []>, transpose_lhs_hint = false} : vector<1000x256xf32>, vector<256x512xf32>, vector<1000x512xf32> -> vector<1000x512xf32>
    %get3A_22 = arith.constant 0 : index
    %get3A_23 = arith.constant 0 : index
    %get3A_24 = vector.load %arg6[%get3A_22, %get3A_23] : memref<1x512xf32, #tpu.memory_space<vmem>>, vector<1x512xf32>
    %add3A_25 = vector.broadcast %get3A_24 : vector<1x512xf32> to vector<1000x512xf32>
    %add3A_26 = arith.addf %dot_general3A_21, %add3A_25 : vector<1000x512xf32>
    %swap3A = arith.constant 0 : index
    %swap3A_27 = arith.constant 0 : index
    %swap3A_28 = vector.load %arg8[%swap3A, %swap3A_27] : memref<1000x512xf32, #tpu.memory_space<vmem>>, vector<1000x512xf32>
    tpu.vector_store %arg8[%swap3A, %swap3A_27], %add3A_26 {strides = array<i32>} : memref<1000x512xf32, #tpu.memory_space<vmem>>, vector<1000x512xf32>,
    %reduce_sum3A = arith.constant dense<0.000000e+00> : vector<512xf32>
    %reduce_sum3A_29 = vector.multi_reduction <add>, %add3A_26, %reduce_sum3A [0] : vector<1000x512xf32> to vector<512xf32>
    %broadcast_in_dim3A = vector.shape_cast %reduce_sum3A_29 : vector<512xf32> to vector<1x512xf32>
    %div3A = arith.constant 1.000000e+03 : f32
    %div3A_30 = vector.broadcast %div3A : f32 to vector<1x512xf32>
    %div3A_31 = arith.divf %broadcast_in_dim3A, %div3A_30 : vector<1x512xf32>
    %sub3A = vector.broadcast %div3A_31 : vector<1x512xf32> to vector<1000x512xf32>
    %sub3A_32 = arith.subf %add3A_26, %sub3A : vector<1000x512xf32>
    %mul3A_33 = arith.mulf %sub3A_32, %sub3A_32 : vector<1000x512xf32>
    %reduce_sum3A_34 = arith.constant dense<0.000000e+00> : vector<512xf32>
    %reduce_sum3A_35 = vector.multi_reduction <add>, %mul3A_33, %reduce_sum3A_34 [0] : vector<1000x512xf32> to vector<512xf32>
    %broadcast_in_dim3A_36 = vector.shape_cast %reduce_sum3A_35 : vector<512xf32> to vector<1x512xf32>
    %eq3A = arith.constant 0 : i32
    %eq3A_37 = arith.cmpi eq, %arg0, %eq3A : i32
    %convert_element_type3A = arith.extui %eq3A_37 : i1 to i32
    %cond3A = arith.constant 0 : i32
    %cond3A_38 = arith.cmpi ne, %convert_element_type3A, %cond3A : i32
    scf.if %cond3A_38 {
      %broadcast_in_dim3A_43 = vector.shape_cast %div3A_31 : vector<1x512xf32> to vector<1x512xf32>
      %broadcast_in_dim3A_44 = vector.broadcast %broadcast_in_dim3A_43 : vector<1x512xf32> to vector<8x512xf32>
      %swap3A_45 = arith.constant 0 : index
      %swap3A_46 = arith.constant 0 : index
      %swap3A_47 = vector.load %arg9[%swap3A_45, %swap3A_46] : memref<8x512xf32, #tpu.memory_space<vmem>>, vector<8x512xf32>
      tpu.vector_store %arg9[%swap3A_45, %swap3A_46], %broadcast_in_dim3A_44 {strides = array<i32>} : memref<8x512xf32, #tpu.memory_space<vmem>>, vector<8x512xf32>,
      %broadcast_in_dim3A_48 = vector.shape_cast %broadcast_in_dim3A_36 : vector<1x512xf32> to vector<1x512xf32>
      %broadcast_in_dim3A_49 = vector.broadcast %broadcast_in_dim3A_48 : vector<1x512xf32> to vector<8x512xf32>
      %swap3A_50 = arith.constant 0 : index
      %swap3A_51 = arith.constant 0 : index
      %swap3A_52 = vector.load %arg10[%swap3A_50, %swap3A_51] : memref<8x512xf32, #tpu.memory_space<vmem>>, vector<8x512xf32>
      tpu.vector_store %arg10[%swap3A_50, %swap3A_51], %broadcast_in_dim3A_49 {strides = array<i32>} : memref<8x512xf32, #tpu.memory_space<vmem>>, vector<8x512xf32>,
    } else {
    }
    %gt3A = arith.constant 0 : i32
    %gt3A_39 = arith.cmpi sgt, %arg0, %gt3A : i32
    %convert_element_type3A_40 = arith.extui %gt3A_39 : i1 to i32
    %cond3A_41 = arith.constant 0 : i32
    %cond3A_42 = arith.cmpi ne, %convert_element_type3A_40, %cond3A_41 : i32
    scf.if %cond3A_42 {
      %mul3A_43 = arith.constant 1000 : i32
      %mul3A_44 = arith.muli %arg0, %mul3A_43 : i32
      %convert_element_type3A_45 = arith.sitofp %mul3A_44 : i32 to f32
      %add3A_46 = arith.constant 1.000000e+03 : f32
      %add3A_47 = arith.addf %convert_element_type3A_45, %add3A_46 : f32
      %get3A_48 = arith.constant 0 : index
      %get3A_49 = arith.constant 0 : index
      %get3A_50 = vector.load %arg9[%get3A_48, %get3A_49] : memref<8x512xf32, #tpu.memory_space<vmem>>, vector<1x512xf32>
      %sub3A_51 = arith.subf %div3A_31, %get3A_50 : vector<1x512xf32>
      %div3A_52 = arith.constant 1.000000e+03 : f32
      %div3A_53 = arith.divf %div3A_52, %add3A_47 : f32
      %mul3A_54 = vector.broadcast %div3A_53 : f32 to vector<1x512xf32>
      %mul3A_55 = arith.mulf %sub3A_51, %mul3A_54 : vector<1x512xf32>
      %add3A_56 = arith.addf %get3A_50, %mul3A_55 : vector<1x512xf32>
      %broadcast_in_dim3A_57 = vector.shape_cast %add3A_56 : vector<1x512xf32> to vector<1x512xf32>
      %broadcast_in_dim3A_58 = vector.broadcast %broadcast_in_dim3A_57 : vector<1x512xf32> to vector<8x512xf32>
      %swap3A_59 = arith.constant 0 : index
      %swap3A_60 = arith.constant 0 : index
      %swap3A_61 = vector.load %arg9[%swap3A_59, %swap3A_60] : memref<8x512xf32, #tpu.memory_space<vmem>>, vector<8x512xf32>
      tpu.vector_store %arg9[%swap3A_59, %swap3A_60], %broadcast_in_dim3A_58 {strides = array<i32>} : memref<8x512xf32, #tpu.memory_space<vmem>>, vector<8x512xf32>,
      %get3A_62 = arith.constant 0 : index
      %get3A_63 = arith.constant 0 : index
      %get3A_64 = vector.load %arg10[%get3A_62, %get3A_63] : memref<8x512xf32, #tpu.memory_space<vmem>>, vector<1x512xf32>
      %add3A_65 = arith.addf %get3A_64, %broadcast_in_dim3A_36 : vector<1x512xf32>
      %mul3A_66 = arith.mulf %sub3A_51, %sub3A_51 : vector<1x512xf32>
      %mul3A_67 = arith.constant 1.000000e+03 : f32
      %mul3A_68 = arith.mulf %convert_element_type3A_45, %mul3A_67 : f32
      %div3A_69 = arith.divf %mul3A_68, %add3A_47 : f32
      %mul3A_70 = vector.broadcast %div3A_69 : f32 to vector<1x512xf32>
      %mul3A_71 = arith.mulf %mul3A_66, %mul3A_70 : vector<1x512xf32>
      %add3A_72 = arith.addf %add3A_65, %mul3A_71 : vector<1x512xf32>
      %broadcast_in_dim3A_73 = vector.shape_cast %add3A_72 : vector<1x512xf32> to vector<1x512xf32>
      %broadcast_in_dim3A_74 = vector.broadcast %broadcast_in_dim3A_73 : vector<1x512xf32> to vector<8x512xf32>
      %swap3A_75 = arith.constant 0 : index
      %swap3A_76 = arith.constant 0 : index
      %swap3A_77 = vector.load %arg10[%swap3A_75, %swap3A_76] : memref<8x512xf32, #tpu.memory_space<vmem>>, vector<8x512xf32>
      tpu.vector_store %arg10[%swap3A_75, %swap3A_76], %broadcast_in_dim3A_74 {strides = array<i32>} : memref<8x512xf32, #tpu.memory_space<vmem>>, vector<8x512xf32>,
    } else {
    }
    return
  }
  func.func @transform_0(%arg0: i32) -> (i32, i32) {
    %c0_i32 = arith.constant 0 : i32
    %c0_i32_0 = arith.constant 0 : i32
    return %arg0, %c0_i32 : i32, i32
  }
  func.func @transform_1(%arg0: i32) -> (i32, i32) {
    %c0_i32 = arith.constant 0 : i32
    %c0_i32_0 = arith.constant 0 : i32
    return %arg0, %c0_i32 : i32, i32
  }
  func.func @transform_2(%arg0: i32) -> (i32, i32) {
    %c0_i32 = arith.constant 0 : i32
    %c0_i32_0 = arith.constant 0 : i32
    return %arg0, %c0_i32 : i32, i32
  }
  func.func @transform_3(%arg0: i32) -> (i32, i32) {
    %c0_i32 = arith.constant 0 : i32
    %c0_i32_0 = arith.constant 0 : i32
    return %arg0, %c0_i32 : i32, i32
  }
  func.func @transform_4(%arg0: i32) -> (i32, i32) {
    %c0_i32 = arith.constant 0 : i32
    %c0_i32_0 = arith.constant 0 : i32
    %c0_i32_1 = arith.constant 0 : i32
    return %c0_i32, %c0_i32_0 : i32, i32
  }
  func.func @transform_5(%arg0: i32) -> (i32, i32) {
    %c0_i32 = arith.constant 0 : i32
    %c0_i32_0 = arith.constant 0 : i32
    %c0_i32_1 = arith.constant 0 : i32
    return %c0_i32, %c0_i32_0 : i32, i32
  }
  func.func @transform_6(%arg0: i32) -> (i32, i32) {
    %c0_i32 = arith.constant 0 : i32
    %c0_i32_0 = arith.constant 0 : i32
    %c0_i32_1 = arith.constant 0 : i32
    return %c0_i32, %c0_i32_0 : i32, i32
  }
  func.func @transform_7(%arg0: i32) -> (i32, i32) {
    %c0_i32 = arith.constant 0 : i32
    %c0_i32_0 = arith.constant 0 : i32
    return %arg0, %c0_i32 : i32, i32
  }
  func.func @transform_8(%arg0: i32) -> (i32, i32) {
    %c0_i32 = arith.constant 0 : i32
    %c0_i32_0 = arith.constant 0 : i32
    %c0_i32_1 = arith.constant 0 : i32
    return %c0_i32, %c0_i32_0 : i32, i32
  }
  func.func @transform_9(%arg0: i32) -> (i32, i32) {
    %c0_i32 = arith.constant 0 : i32
    %c0_i32_0 = arith.constant 0 : i32
    %c0_i32_1 = arith.constant 0 : i32
    return %c0_i32, %c0_i32_0 : i32, i32
  }
}

module attributes {stable_mosaic.version = 14 : i64} {
  func.func @body(%arg0: i32, %arg1: memref<1000x512xf32, #tpu.memory_space<vmem>>, %arg2: memref<8x512xf32, #tpu.memory_space<vmem>>, %arg3: memref<8x512xf32, #tpu.memory_space<vmem>>, %arg4: memref<1x512xf32, #tpu.memory_space<vmem>>, %arg5: memref<1x512xf32, #tpu.memory_space<vmem>>, %arg6: memref<512x256xf32, #tpu.memory_space<vmem>>, %arg7: memref<1x256xf32, #tpu.memory_space<vmem>>, %arg8: memref<1000x256xf32, #tpu.memory_space<vmem>>, %arg9: memref<8x256xf32, #tpu.memory_space<vmem>>, %arg10: memref<8x256xf32, #tpu.memory_space<vmem>>) attributes {dimension_semantics = [#tpu.dimension_semantics<arbitrary>], iteration_bounds = array<i64: 10>, scalar_prefetch = 0 : i64, scratch_operands = 0 : i64, tpu.core_type = #tpu.core_type<tc>, window_params = [{transform_indices = @transform_0, window_bounds = array<i64: 1000, 512>}, {pipeline_mode = #tpu.pipeline_mode<synchronous>, transform_indices = @transform_1, window_bounds = array<i64: 8, 512>}, {pipeline_mode = #tpu.pipeline_mode<synchronous>, transform_indices = @transform_2, window_bounds = array<i64: 8, 512>}, {pipeline_mode = #tpu.pipeline_mode<synchronous>, transform_indices = @transform_3, window_bounds = array<i64: 1, 512>}, {pipeline_mode = #tpu.pipeline_mode<synchronous>, transform_indices = @transform_4, window_bounds = array<i64: 1, 512>}, {pipeline_mode = #tpu.pipeline_mode<synchronous>, transform_indices = @transform_5, window_bounds = array<i64: 512, 256>}, {pipeline_mode = #tpu.pipeline_mode<synchronous>, transform_indices = @transform_6, window_bounds = array<i64: 1, 256>}, {transform_indices = @transform_7, window_bounds = array<i64: 1000, 256>}, {pipeline_mode = #tpu.pipeline_mode<synchronous>, transform_indices = @transform_8, window_bounds = array<i64: 8, 256>}, {pipeline_mode = #tpu.pipeline_mode<synchronous>, transform_indices = @transform_9, window_bounds = array<i64: 8, 256>}]} {
    %get3A = arith.constant 0 : index
    %get3A_0 = arith.constant 0 : index
    %get3A_1 = vector.load %arg1[%get3A, %get3A_0] : memref<1000x512xf32, #tpu.memory_space<vmem>>, vector<1000x512xf32>
    %get3A_2 = arith.constant 0 : index
    %get3A_3 = arith.constant 0 : index
    %get3A_4 = vector.load %arg2[%get3A_2, %get3A_3] : memref<8x512xf32, #tpu.memory_space<vmem>>, vector<1x512xf32>
    %get3A_5 = arith.constant 0 : index
    %get3A_6 = arith.constant 0 : index
    %get3A_7 = vector.load %arg3[%get3A_5, %get3A_6] : memref<8x512xf32, #tpu.memory_space<vmem>>, vector<1x512xf32>
    %mul3A = arith.constant 9.99999974E-5 : f32
    %mul3A_8 = vector.broadcast %mul3A : f32 to vector<1x512xf32>
    %mul3A_9 = arith.mulf %get3A_7, %mul3A_8 : vector<1x512xf32>
    %get3A_10 = arith.constant 0 : index
    %get3A_11 = arith.constant 0 : index
    %get3A_12 = vector.load %arg4[%get3A_10, %get3A_11] : memref<1x512xf32, #tpu.memory_space<vmem>>, vector<1x512xf32>
    %sub3A = vector.broadcast %get3A_4 : vector<1x512xf32> to vector<1000x512xf32>
    %sub3A_13 = arith.subf %get3A_1, %sub3A : vector<1000x512xf32>
    %mul3A_14 = vector.broadcast %get3A_12 : vector<1x512xf32> to vector<1000x512xf32>
    %mul3A_15 = arith.mulf %mul3A_14, %sub3A_13 : vector<1000x512xf32>
    %add3A = arith.constant 9.99999974E-6 : f32
    %add3A_16 = vector.broadcast %add3A : f32 to vector<1x512xf32>
    %add3A_17 = arith.addf %mul3A_9, %add3A_16 : vector<1x512xf32>
    %sqrt3A = math.sqrt %add3A_17 : vector<1x512xf32>
    %div3A = vector.broadcast %sqrt3A : vector<1x512xf32> to vector<1000x512xf32>
    %div3A_18 = arith.divf %mul3A_15, %div3A : vector<1000x512xf32>
    %get3A_19 = arith.constant 0 : index
    %get3A_20 = arith.constant 0 : index
    %get3A_21 = vector.load %arg5[%get3A_19, %get3A_20] : memref<1x512xf32, #tpu.memory_space<vmem>>, vector<1x512xf32>
    %add3A_22 = vector.broadcast %get3A_21 : vector<1x512xf32> to vector<1000x512xf32>
    %add3A_23 = arith.addf %div3A_18, %add3A_22 : vector<1000x512xf32>
    %max3A = arith.constant 0.000000e+00 : f32
    %max3A_24 = vector.broadcast %max3A : f32 to vector<1000x512xf32>
    %max3A_25 = arith.maximumf %add3A_23, %max3A_24 : vector<1000x512xf32>
    %get3A_26 = arith.constant 0 : index
    %get3A_27 = arith.constant 0 : index
    %get3A_28 = vector.load %arg6[%get3A_26, %get3A_27] : memref<512x256xf32, #tpu.memory_space<vmem>>, vector<512x256xf32>
    %dot_general3A = arith.constant dense<0.000000e+00> : vector<1000x256xf32>
    %dot_general3A_29 = tpu.matmul %max3A_25, %get3A_28, %dot_general3A {dimension_numbers = #tpu.dot_dimension_numbers<[1], [0], [0], [1], [0, 0, 1, 1], [], []>, transpose_lhs_hint = false} : vector<1000x512xf32>, vector<512x256xf32>, vector<1000x256xf32> -> vector<1000x256xf32>
    %get3A_30 = arith.constant 0 : index
    %get3A_31 = arith.constant 0 : index
    %get3A_32 = vector.load %arg7[%get3A_30, %get3A_31] : memref<1x256xf32, #tpu.memory_space<vmem>>, vector<1x256xf32>
    %add3A_33 = vector.broadcast %get3A_32 : vector<1x256xf32> to vector<1000x256xf32>
    %add3A_34 = arith.addf %dot_general3A_29, %add3A_33 : vector<1000x256xf32>
    %swap3A = arith.constant 0 : index
    %swap3A_35 = arith.constant 0 : index
    %swap3A_36 = vector.load %arg8[%swap3A, %swap3A_35] : memref<1000x256xf32, #tpu.memory_space<vmem>>, vector<1000x256xf32>
    tpu.vector_store %arg8[%swap3A, %swap3A_35], %add3A_34 {strides = array<i32>} : memref<1000x256xf32, #tpu.memory_space<vmem>>, vector<1000x256xf32>,
    %reduce_sum3A = arith.constant dense<0.000000e+00> : vector<256xf32>
    %reduce_sum3A_37 = vector.multi_reduction <add>, %add3A_34, %reduce_sum3A [0] : vector<1000x256xf32> to vector<256xf32>
    %broadcast_in_dim3A = vector.shape_cast %reduce_sum3A_37 : vector<256xf32> to vector<1x256xf32>
    %div3A_38 = arith.constant 1.000000e+03 : f32
    %div3A_39 = vector.broadcast %div3A_38 : f32 to vector<1x256xf32>
    %div3A_40 = arith.divf %broadcast_in_dim3A, %div3A_39 : vector<1x256xf32>
    %sub3A_41 = vector.broadcast %div3A_40 : vector<1x256xf32> to vector<1000x256xf32>
    %sub3A_42 = arith.subf %add3A_34, %sub3A_41 : vector<1000x256xf32>
    %mul3A_43 = arith.mulf %sub3A_42, %sub3A_42 : vector<1000x256xf32>
    %reduce_sum3A_44 = arith.constant dense<0.000000e+00> : vector<256xf32>
    %reduce_sum3A_45 = vector.multi_reduction <add>, %mul3A_43, %reduce_sum3A_44 [0] : vector<1000x256xf32> to vector<256xf32>
    %broadcast_in_dim3A_46 = vector.shape_cast %reduce_sum3A_45 : vector<256xf32> to vector<1x256xf32>
    %eq3A = arith.constant 0 : i32
    %eq3A_47 = arith.cmpi eq, %arg0, %eq3A : i32
    %convert_element_type3A = arith.extui %eq3A_47 : i1 to i32
    %cond3A = arith.constant 0 : i32
    %cond3A_48 = arith.cmpi ne, %convert_element_type3A, %cond3A : i32
    scf.if %cond3A_48 {
      %broadcast_in_dim3A_53 = vector.shape_cast %div3A_40 : vector<1x256xf32> to vector<1x256xf32>
      %broadcast_in_dim3A_54 = vector.broadcast %broadcast_in_dim3A_53 : vector<1x256xf32> to vector<8x256xf32>
      %swap3A_55 = arith.constant 0 : index
      %swap3A_56 = arith.constant 0 : index
      %swap3A_57 = vector.load %arg9[%swap3A_55, %swap3A_56] : memref<8x256xf32, #tpu.memory_space<vmem>>, vector<8x256xf32>
      tpu.vector_store %arg9[%swap3A_55, %swap3A_56], %broadcast_in_dim3A_54 {strides = array<i32>} : memref<8x256xf32, #tpu.memory_space<vmem>>, vector<8x256xf32>,
      %broadcast_in_dim3A_58 = vector.shape_cast %broadcast_in_dim3A_46 : vector<1x256xf32> to vector<1x256xf32>
      %broadcast_in_dim3A_59 = vector.broadcast %broadcast_in_dim3A_58 : vector<1x256xf32> to vector<8x256xf32>
      %swap3A_60 = arith.constant 0 : index
      %swap3A_61 = arith.constant 0 : index
      %swap3A_62 = vector.load %arg10[%swap3A_60, %swap3A_61] : memref<8x256xf32, #tpu.memory_space<vmem>>, vector<8x256xf32>
      tpu.vector_store %arg10[%swap3A_60, %swap3A_61], %broadcast_in_dim3A_59 {strides = array<i32>} : memref<8x256xf32, #tpu.memory_space<vmem>>, vector<8x256xf32>,
    } else {
    }
    %gt3A = arith.constant 0 : i32
    %gt3A_49 = arith.cmpi sgt, %arg0, %gt3A : i32
    %convert_element_type3A_50 = arith.extui %gt3A_49 : i1 to i32
    %cond3A_51 = arith.constant 0 : i32
    %cond3A_52 = arith.cmpi ne, %convert_element_type3A_50, %cond3A_51 : i32
    scf.if %cond3A_52 {
      %mul3A_53 = arith.constant 1000 : i32
      %mul3A_54 = arith.muli %arg0, %mul3A_53 : i32
      %convert_element_type3A_55 = arith.sitofp %mul3A_54 : i32 to f32
      %add3A_56 = arith.constant 1.000000e+03 : f32
      %add3A_57 = arith.addf %convert_element_type3A_55, %add3A_56 : f32
      %get3A_58 = arith.constant 0 : index
      %get3A_59 = arith.constant 0 : index
      %get3A_60 = vector.load %arg9[%get3A_58, %get3A_59] : memref<8x256xf32, #tpu.memory_space<vmem>>, vector<1x256xf32>
      %sub3A_61 = arith.subf %div3A_40, %get3A_60 : vector<1x256xf32>
      %div3A_62 = arith.constant 1.000000e+03 : f32
      %div3A_63 = arith.divf %div3A_62, %add3A_57 : f32
      %mul3A_64 = vector.broadcast %div3A_63 : f32 to vector<1x256xf32>
      %mul3A_65 = arith.mulf %sub3A_61, %mul3A_64 : vector<1x256xf32>
      %add3A_66 = arith.addf %get3A_60, %mul3A_65 : vector<1x256xf32>
      %broadcast_in_dim3A_67 = vector.shape_cast %add3A_66 : vector<1x256xf32> to vector<1x256xf32>
      %broadcast_in_dim3A_68 = vector.broadcast %broadcast_in_dim3A_67 : vector<1x256xf32> to vector<8x256xf32>
      %swap3A_69 = arith.constant 0 : index
      %swap3A_70 = arith.constant 0 : index
      %swap3A_71 = vector.load %arg9[%swap3A_69, %swap3A_70] : memref<8x256xf32, #tpu.memory_space<vmem>>, vector<8x256xf32>
      tpu.vector_store %arg9[%swap3A_69, %swap3A_70], %broadcast_in_dim3A_68 {strides = array<i32>} : memref<8x256xf32, #tpu.memory_space<vmem>>, vector<8x256xf32>,
      %get3A_72 = arith.constant 0 : index
      %get3A_73 = arith.constant 0 : index
      %get3A_74 = vector.load %arg10[%get3A_72, %get3A_73] : memref<8x256xf32, #tpu.memory_space<vmem>>, vector<1x256xf32>
      %add3A_75 = arith.addf %get3A_74, %broadcast_in_dim3A_46 : vector<1x256xf32>
      %mul3A_76 = arith.mulf %sub3A_61, %sub3A_61 : vector<1x256xf32>
      %mul3A_77 = arith.constant 1.000000e+03 : f32
      %mul3A_78 = arith.mulf %convert_element_type3A_55, %mul3A_77 : f32
      %div3A_79 = arith.divf %mul3A_78, %add3A_57 : f32
      %mul3A_80 = vector.broadcast %div3A_79 : f32 to vector<1x256xf32>
      %mul3A_81 = arith.mulf %mul3A_76, %mul3A_80 : vector<1x256xf32>
      %add3A_82 = arith.addf %add3A_75, %mul3A_81 : vector<1x256xf32>
      %broadcast_in_dim3A_83 = vector.shape_cast %add3A_82 : vector<1x256xf32> to vector<1x256xf32>
      %broadcast_in_dim3A_84 = vector.broadcast %broadcast_in_dim3A_83 : vector<1x256xf32> to vector<8x256xf32>
      %swap3A_85 = arith.constant 0 : index
      %swap3A_86 = arith.constant 0 : index
      %swap3A_87 = vector.load %arg10[%swap3A_85, %swap3A_86] : memref<8x256xf32, #tpu.memory_space<vmem>>, vector<8x256xf32>
      tpu.vector_store %arg10[%swap3A_85, %swap3A_86], %broadcast_in_dim3A_84 {strides = array<i32>} : memref<8x256xf32, #tpu.memory_space<vmem>>, vector<8x256xf32>,
    } else {
    }
    return
  }
  func.func @transform_0(%arg0: i32) -> (i32, i32) {
    %c0_i32 = arith.constant 0 : i32
    %c0_i32_0 = arith.constant 0 : i32
    return %arg0, %c0_i32 : i32, i32
  }
  func.func @transform_1(%arg0: i32) -> (i32, i32) {
    %c0_i32 = arith.constant 0 : i32
    %c0_i32_0 = arith.constant 0 : i32
    %c0_i32_1 = arith.constant 0 : i32
    return %c0_i32, %c0_i32_0 : i32, i32
  }
  func.func @transform_2(%arg0: i32) -> (i32, i32) {
    %c0_i32 = arith.constant 0 : i32
    %c0_i32_0 = arith.constant 0 : i32
    %c0_i32_1 = arith.constant 0 : i32
    return %c0_i32, %c0_i32_0 : i32, i32
  }
  func.func @transform_3(%arg0: i32) -> (i32, i32) {
    %c0_i32 = arith.constant 0 : i32
    %c0_i32_0 = arith.constant 0 : i32
    %c0_i32_1 = arith.constant 0 : i32
    return %c0_i32, %c0_i32_0 : i32, i32
  }
  func.func @transform_4(%arg0: i32) -> (i32, i32) {
    %c0_i32 = arith.constant 0 : i32
    %c0_i32_0 = arith.constant 0 : i32
    %c0_i32_1 = arith.constant 0 : i32
    return %c0_i32, %c0_i32_0 : i32, i32
  }
  func.func @transform_5(%arg0: i32) -> (i32, i32) {
    %c0_i32 = arith.constant 0 : i32
    %c0_i32_0 = arith.constant 0 : i32
    %c0_i32_1 = arith.constant 0 : i32
    return %c0_i32, %c0_i32_0 : i32, i32
  }
  func.func @transform_6(%arg0: i32) -> (i32, i32) {
    %c0_i32 = arith.constant 0 : i32
    %c0_i32_0 = arith.constant 0 : i32
    %c0_i32_1 = arith.constant 0 : i32
    return %c0_i32, %c0_i32_0 : i32, i32
  }
  func.func @transform_7(%arg0: i32) -> (i32, i32) {
    %c0_i32 = arith.constant 0 : i32
    %c0_i32_0 = arith.constant 0 : i32
    return %arg0, %c0_i32 : i32, i32
  }
  func.func @transform_8(%arg0: i32) -> (i32, i32) {
    %c0_i32 = arith.constant 0 : i32
    %c0_i32_0 = arith.constant 0 : i32
    %c0_i32_1 = arith.constant 0 : i32
    return %c0_i32, %c0_i32_0 : i32, i32
  }
  func.func @transform_9(%arg0: i32) -> (i32, i32) {
    %c0_i32 = arith.constant 0 : i32
    %c0_i32_0 = arith.constant 0 : i32
    %c0_i32_1 = arith.constant 0 : i32
    return %c0_i32, %c0_i32_0 : i32, i32
  }
}

module attributes {stable_mosaic.version = 14 : i64} {
  func.func @body(%arg0: i32, %arg1: memref<1000x256xf32, #tpu.memory_space<vmem>>, %arg2: memref<8x256xf32, #tpu.memory_space<vmem>>, %arg3: memref<8x256xf32, #tpu.memory_space<vmem>>, %arg4: memref<1x256xf32, #tpu.memory_space<vmem>>, %arg5: memref<1x256xf32, #tpu.memory_space<vmem>>, %arg6: memref<1000x128xf32, #tpu.memory_space<vmem>>, %arg7: memref<1000x128xf32, #tpu.memory_space<vmem>>) attributes {dimension_semantics = [#tpu.dimension_semantics<arbitrary>], iteration_bounds = array<i64: 10>, scalar_prefetch = 0 : i64, scratch_operands = 0 : i64, tpu.core_type = #tpu.core_type<tc>, window_params = [{transform_indices = @transform_0, window_bounds = array<i64: 1000, 256>}, {pipeline_mode = #tpu.pipeline_mode<synchronous>, transform_indices = @transform_1, window_bounds = array<i64: 8, 256>}, {pipeline_mode = #tpu.pipeline_mode<synchronous>, transform_indices = @transform_2, window_bounds = array<i64: 8, 256>}, {pipeline_mode = #tpu.pipeline_mode<synchronous>, transform_indices = @transform_3, window_bounds = array<i64: 1, 256>}, {pipeline_mode = #tpu.pipeline_mode<synchronous>, transform_indices = @transform_4, window_bounds = array<i64: 1, 256>}, {transform_indices = @transform_5, window_bounds = array<i64: 1000, 128>}, {transform_indices = @transform_6, window_bounds = array<i64: 1000, 128>}]} {
    %get3A = arith.constant 0 : index
    %get3A_0 = arith.constant 0 : index
    %get3A_1 = vector.load %arg1[%get3A, %get3A_0] : memref<1000x256xf32, #tpu.memory_space<vmem>>, vector<1000x256xf32>
    %get3A_2 = arith.constant 0 : index
    %get3A_3 = arith.constant 0 : index
    %get3A_4 = vector.load %arg2[%get3A_2, %get3A_3] : memref<8x256xf32, #tpu.memory_space<vmem>>, vector<1x256xf32>
    %get3A_5 = arith.constant 0 : index
    %get3A_6 = arith.constant 0 : index
    %get3A_7 = vector.load %arg3[%get3A_5, %get3A_6] : memref<8x256xf32, #tpu.memory_space<vmem>>, vector<1x256xf32>
    %mul3A = arith.constant 9.99999974E-5 : f32
    %mul3A_8 = vector.broadcast %mul3A : f32 to vector<1x256xf32>
    %mul3A_9 = arith.mulf %get3A_7, %mul3A_8 : vector<1x256xf32>
    %get3A_10 = arith.constant 0 : index
    %get3A_11 = arith.constant 0 : index
    %get3A_12 = vector.load %arg4[%get3A_10, %get3A_11] : memref<1x256xf32, #tpu.memory_space<vmem>>, vector<1x256xf32>
    %sub3A = vector.broadcast %get3A_4 : vector<1x256xf32> to vector<1000x256xf32>
    %sub3A_13 = arith.subf %get3A_1, %sub3A : vector<1000x256xf32>
    %mul3A_14 = vector.broadcast %get3A_12 : vector<1x256xf32> to vector<1000x256xf32>
    %mul3A_15 = arith.mulf %mul3A_14, %sub3A_13 : vector<1000x256xf32>
    %add3A = arith.constant 9.99999974E-6 : f32
    %add3A_16 = vector.broadcast %add3A : f32 to vector<1x256xf32>
    %add3A_17 = arith.addf %mul3A_9, %add3A_16 : vector<1x256xf32>
    %sqrt3A = math.sqrt %add3A_17 : vector<1x256xf32>
    %div3A = vector.broadcast %sqrt3A : vector<1x256xf32> to vector<1000x256xf32>
    %div3A_18 = arith.divf %mul3A_15, %div3A : vector<1000x256xf32>
    %get3A_19 = arith.constant 0 : index
    %get3A_20 = arith.constant 0 : index
    %get3A_21 = vector.load %arg5[%get3A_19, %get3A_20] : memref<1x256xf32, #tpu.memory_space<vmem>>, vector<1x256xf32>
    %add3A_22 = vector.broadcast %get3A_21 : vector<1x256xf32> to vector<1000x256xf32>
    %add3A_23 = arith.addf %div3A_18, %add3A_22 : vector<1000x256xf32>
    %max3A = arith.constant 0.000000e+00 : f32
    %max3A_24 = vector.broadcast %max3A : f32 to vector<1000x256xf32>
    %max3A_25 = arith.maximumf %add3A_23, %max3A_24 : vector<1000x256xf32>
    %slice3A = vector.extract_strided_slice %max3A_25 {offsets = [0, 0], sizes = [1000, 128], strides = [1, 1]} : vector<1000x256xf32> to vector<1000x128xf32>
    %swap3A = arith.constant 0 : index
    %swap3A_26 = arith.constant 0 : index
    %swap3A_27 = vector.load %arg6[%swap3A, %swap3A_26] : memref<1000x128xf32, #tpu.memory_space<vmem>>, vector<1000x128xf32>
    tpu.vector_store %arg6[%swap3A, %swap3A_26], %slice3A {strides = array<i32>} : memref<1000x128xf32, #tpu.memory_space<vmem>>, vector<1000x128xf32>,
    %slice3A_28 = vector.extract_strided_slice %max3A_25 {offsets = [0, 128], sizes = [1000, 128], strides = [1, 1]} : vector<1000x256xf32> to vector<1000x128xf32>
    %swap3A_29 = arith.constant 0 : index
    %swap3A_30 = arith.constant 0 : index
    %swap3A_31 = vector.load %arg7[%swap3A_29, %swap3A_30] : memref<1000x128xf32, #tpu.memory_space<vmem>>, vector<1000x128xf32>
    tpu.vector_store %arg7[%swap3A_29, %swap3A_30], %slice3A_28 {strides = array<i32>} : memref<1000x128xf32, #tpu.memory_space<vmem>>, vector<1000x128xf32>,
    return
  }
  func.func @transform_0(%arg0: i32) -> (i32, i32) {
    %c0_i32 = arith.constant 0 : i32
    %c0_i32_0 = arith.constant 0 : i32
    return %arg0, %c0_i32 : i32, i32
  }
  func.func @transform_1(%arg0: i32) -> (i32, i32) {
    %c0_i32 = arith.constant 0 : i32
    %c0_i32_0 = arith.constant 0 : i32
    %c0_i32_1 = arith.constant 0 : i32
    return %c0_i32, %c0_i32_0 : i32, i32
  }
  func.func @transform_2(%arg0: i32) -> (i32, i32) {
    %c0_i32 = arith.constant 0 : i32
    %c0_i32_0 = arith.constant 0 : i32
    %c0_i32_1 = arith.constant 0 : i32
    return %c0_i32, %c0_i32_0 : i32, i32
  }
  func.func @transform_3(%arg0: i32) -> (i32, i32) {
    %c0_i32 = arith.constant 0 : i32
    %c0_i32_0 = arith.constant 0 : i32
    %c0_i32_1 = arith.constant 0 : i32
    return %c0_i32, %c0_i32_0 : i32, i32
  }
  func.func @transform_4(%arg0: i32) -> (i32, i32) {
    %c0_i32 = arith.constant 0 : i32
    %c0_i32_0 = arith.constant 0 : i32
    %c0_i32_1 = arith.constant 0 : i32
    return %c0_i32, %c0_i32_0 : i32, i32
  }
  func.func @transform_5(%arg0: i32) -> (i32, i32) {
    %c0_i32 = arith.constant 0 : i32
    %c0_i32_0 = arith.constant 0 : i32
    return %arg0, %c0_i32 : i32, i32
  }
  func.func @transform_6(%arg0: i32) -> (i32, i32) {
    %c0_i32 = arith.constant 0 : i32
    %c0_i32_0 = arith.constant 0 : i32
    return %arg0, %c0_i32 : i32, i32
  }
}

module attributes {stable_mosaic.version = 14 : i64} {
  func.func @body(%arg0: i32, %arg1: memref<1000x256xf32, #tpu.memory_space<vmem>>, %arg2: memref<8x256xf32, #tpu.memory_space<vmem>>, %arg3: memref<8x256xf32, #tpu.memory_space<vmem>>, %arg4: memref<1x256xf32, #tpu.memory_space<vmem>>, %arg5: memref<1x256xf32, #tpu.memory_space<vmem>>, %arg6: memref<1000x8xi32, #tpu.memory_space<vmem>>, %arg7: memref<256x256xf32, #tpu.memory_space<vmem>>, %arg8: memref<1x256xf32, #tpu.memory_space<vmem>>, %arg9: memref<256x128xf32, #tpu.memory_space<vmem>>, %arg10: memref<1x128xf32, #tpu.memory_space<vmem>>, %arg11: memref<64x128xf32, #tpu.memory_space<vmem>>, %arg12: memref<64x256xf32, #tpu.memory_space<vmem>>) attributes {dimension_semantics = [#tpu.dimension_semantics<arbitrary>], iteration_bounds = array<i64: 10>, scalar_prefetch = 0 : i64, scratch_operands = 1 : i64, tpu.core_type = #tpu.core_type<tc>, window_params = [{transform_indices = @transform_0, window_bounds = array<i64: 1000, 256>}, {pipeline_mode = #tpu.pipeline_mode<synchronous>, transform_indices = @transform_1, window_bounds = array<i64: 8, 256>}, {pipeline_mode = #tpu.pipeline_mode<synchronous>, transform_indices = @transform_2, window_bounds = array<i64: 8, 256>}, {pipeline_mode = #tpu.pipeline_mode<synchronous>, transform_indices = @transform_3, window_bounds = array<i64: 1, 256>}, {pipeline_mode = #tpu.pipeline_mode<synchronous>, transform_indices = @transform_4, window_bounds = array<i64: 1, 256>}, {transform_indices = @transform_5, window_bounds = array<i64: 1000, 8>}, {pipeline_mode = #tpu.pipeline_mode<synchronous>, transform_indices = @transform_6, window_bounds = array<i64: 256, 256>}, {pipeline_mode = #tpu.pipeline_mode<synchronous>, transform_indices = @transform_7, window_bounds = array<i64: 1, 256>}, {pipeline_mode = #tpu.pipeline_mode<synchronous>, transform_indices = @transform_8, window_bounds = array<i64: 256, 128>}, {pipeline_mode = #tpu.pipeline_mode<synchronous>, transform_indices = @transform_9, window_bounds = array<i64: 1, 128>}, {pipeline_mode = #tpu.pipeline_mode<synchronous>, transform_indices = @transform_10, window_bounds = array<i64: 64, 128>}]} {
    %get3A = arith.constant 0 : index
    %get3A_0 = arith.constant 0 : index
    %get3A_1 = vector.load %arg1[%get3A, %get3A_0] : memref<1000x256xf32, #tpu.memory_space<vmem>>, vector<1000x256xf32>
    %get3A_2 = arith.constant 0 : index
    %get3A_3 = arith.constant 0 : index
    %get3A_4 = vector.load %arg2[%get3A_2, %get3A_3] : memref<8x256xf32, #tpu.memory_space<vmem>>, vector<1x256xf32>
    %get3A_5 = arith.constant 0 : index
    %get3A_6 = arith.constant 0 : index
    %get3A_7 = vector.load %arg3[%get3A_5, %get3A_6] : memref<8x256xf32, #tpu.memory_space<vmem>>, vector<1x256xf32>
    %mul3A = arith.constant 9.99999974E-5 : f32
    %mul3A_8 = vector.broadcast %mul3A : f32 to vector<1x256xf32>
    %mul3A_9 = arith.mulf %get3A_7, %mul3A_8 : vector<1x256xf32>
    %get3A_10 = arith.constant 0 : index
    %get3A_11 = arith.constant 0 : index
    %get3A_12 = vector.load %arg4[%get3A_10, %get3A_11] : memref<1x256xf32, #tpu.memory_space<vmem>>, vector<1x256xf32>
    %sub3A = vector.broadcast %get3A_4 : vector<1x256xf32> to vector<1000x256xf32>
    %sub3A_13 = arith.subf %get3A_1, %sub3A : vector<1000x256xf32>
    %mul3A_14 = vector.broadcast %get3A_12 : vector<1x256xf32> to vector<1000x256xf32>
    %mul3A_15 = arith.mulf %mul3A_14, %sub3A_13 : vector<1000x256xf32>
    %add3A = arith.constant 9.99999974E-6 : f32
    %add3A_16 = vector.broadcast %add3A : f32 to vector<1x256xf32>
    %add3A_17 = arith.addf %mul3A_9, %add3A_16 : vector<1x256xf32>
    %sqrt3A = math.sqrt %add3A_17 : vector<1x256xf32>
    %div3A = vector.broadcast %sqrt3A : vector<1x256xf32> to vector<1000x256xf32>
    %div3A_18 = arith.divf %mul3A_15, %div3A : vector<1000x256xf32>
    %get3A_19 = arith.constant 0 : index
    %get3A_20 = arith.constant 0 : index
    %get3A_21 = vector.load %arg5[%get3A_19, %get3A_20] : memref<1x256xf32, #tpu.memory_space<vmem>>, vector<1x256xf32>
    %add3A_22 = vector.broadcast %get3A_21 : vector<1x256xf32> to vector<1000x256xf32>
    %add3A_23 = arith.addf %div3A_18, %add3A_22 : vector<1000x256xf32>
    %max3A = arith.constant 0.000000e+00 : f32
    %max3A_24 = vector.broadcast %max3A : f32 to vector<1000x256xf32>
    %max3A_25 = arith.maximumf %add3A_23, %max3A_24 : vector<1000x256xf32>
    %get3A_26 = arith.constant 0 : index
    %get3A_27 = arith.constant 0 : index
    %get3A_28 = vector.load %arg6[%get3A_26, %get3A_27] : memref<1000x8xi32, #tpu.memory_space<vmem>>, vector<1000x8xi32>
    %slice3A = vector.extract_strided_slice %get3A_28 {offsets = [0, 0], sizes = [1000, 1], strides = [1, 1]} : vector<1000x8xi32> to vector<1000x1xi32>
    %iota3A = tpu.iota {dimensions = array<i32: 1>} : vector<1x64xi32>
    %eq3A = vector.broadcast %slice3A : vector<1000x1xi32> to vector<1000x64xi32>
    %eq3A_29 = vector.broadcast %iota3A : vector<1x64xi32> to vector<1000x64xi32>
    %eq3A_30 = arith.cmpi eq, %eq3A, %eq3A_29 : vector<1000x64xi32>
    %convert_element_type3A = arith.extui %eq3A_30 : vector<1000x64xi1> to vector<1000x64xi32>
    %convert_element_type3A_31 = arith.sitofp %convert_element_type3A : vector<1000x64xi32> to vector<1000x64xf32>
    %dot_general3A = arith.constant dense<0.000000e+00> : vector<64x256xf32>
    %dot_general3A_32 = tpu.matmul %convert_element_type3A_31, %max3A_25, %dot_general3A {dimension_numbers = #tpu.dot_dimension_numbers<[0], [0], [1], [1], [0, 1, 1, 1], [], []>, transpose_lhs_hint = false} : vector<1000x64xf32>, vector<1000x256xf32>, vector<64x256xf32> -> vector<64x256xf32>
    %eq3A_33 = arith.constant 0 : i32
    %eq3A_34 = arith.cmpi eq, %arg0, %eq3A_33 : i32
    %convert_element_type3A_35 = arith.extui %eq3A_34 : i1 to i32
    %cond3A = arith.constant 0 : i32
    %cond3A_36 = arith.cmpi ne, %convert_element_type3A_35, %cond3A : i32
    scf.if %cond3A_36 {
      %broadcast_in_dim3A = arith.constant 0.000000e+00 : f32
      %broadcast_in_dim3A_48 = vector.broadcast %broadcast_in_dim3A : f32 to vector<64x256xf32>
      %swap3A_49 = arith.constant 0 : index
      %swap3A_50 = arith.constant 0 : index
      %swap3A_51 = vector.load %arg12[%swap3A_49, %swap3A_50] : memref<64x256xf32, #tpu.memory_space<vmem>>, vector<64x256xf32>
      tpu.vector_store %arg12[%swap3A_49, %swap3A_50], %broadcast_in_dim3A_48 {strides = array<i32>} : memref<64x256xf32, #tpu.memory_space<vmem>>, vector<64x256xf32>,
    } else {
    }
    %get3A_37 = arith.constant 0 : index
    %get3A_38 = arith.constant 0 : index
    %get3A_39 = vector.load %arg12[%get3A_37, %get3A_38] : memref<64x256xf32, #tpu.memory_space<vmem>>, vector<64x256xf32>
    %add3A_40 = arith.addf %get3A_39, %dot_general3A_32 : vector<64x256xf32>
    %swap3A = arith.constant 0 : index
    %swap3A_41 = arith.constant 0 : index
    %swap3A_42 = vector.load %arg12[%swap3A, %swap3A_41] : memref<64x256xf32, #tpu.memory_space<vmem>>, vector<64x256xf32>
    tpu.vector_store %arg12[%swap3A, %swap3A_41], %add3A_40 {strides = array<i32>} : memref<64x256xf32, #tpu.memory_space<vmem>>, vector<64x256xf32>,
    %eq3A_43 = arith.constant 9 : i32
    %eq3A_44 = arith.cmpi eq, %arg0, %eq3A_43 : i32
    %convert_element_type3A_45 = arith.extui %eq3A_44 : i1 to i32
    %cond3A_46 = arith.constant 0 : i32
    %cond3A_47 = arith.cmpi ne, %convert_element_type3A_45, %cond3A_46 : i32
    scf.if %cond3A_47 {
      %get3A_48 = arith.constant 0 : index
      %get3A_49 = arith.constant 0 : index
      %get3A_50 = vector.load %arg12[%get3A_48, %get3A_49] : memref<64x256xf32, #tpu.memory_space<vmem>>, vector<64x256xf32>
      %get3A_51 = arith.constant 0 : index
      %get3A_52 = arith.constant 0 : index
      %get3A_53 = vector.load %arg7[%get3A_51, %get3A_52] : memref<256x256xf32, #tpu.memory_space<vmem>>, vector<256x256xf32>
      %dot_general3A_54 = arith.constant dense<0.000000e+00> : vector<64x256xf32>
      %dot_general3A_55 = tpu.matmul %get3A_50, %get3A_53, %dot_general3A_54 {dimension_numbers = #tpu.dot_dimension_numbers<[1], [0], [0], [1], [0, 0, 1, 1], [], []>, transpose_lhs_hint = false} : vector<64x256xf32>, vector<256x256xf32>, vector<64x256xf32> -> vector<64x256xf32>
      %get3A_56 = arith.constant 0 : index
      %get3A_57 = arith.constant 0 : index
      %get3A_58 = vector.load %arg8[%get3A_56, %get3A_57] : memref<1x256xf32, #tpu.memory_space<vmem>>, vector<1x256xf32>
      %add3A_59 = vector.broadcast %get3A_58 : vector<1x256xf32> to vector<64x256xf32>
      %add3A_60 = arith.addf %dot_general3A_55, %add3A_59 : vector<64x256xf32>
      %max3A_61 = arith.constant 0.000000e+00 : f32
      %max3A_62 = vector.broadcast %max3A_61 : f32 to vector<64x256xf32>
      %max3A_63 = arith.maximumf %add3A_60, %max3A_62 : vector<64x256xf32>
      %get3A_64 = arith.constant 0 : index
      %get3A_65 = arith.constant 0 : index
      %get3A_66 = vector.load %arg9[%get3A_64, %get3A_65] : memref<256x128xf32, #tpu.memory_space<vmem>>, vector<256x128xf32>
      %dot_general3A_67 = arith.constant dense<0.000000e+00> : vector<64x128xf32>
      %dot_general3A_68 = tpu.matmul %max3A_63, %get3A_66, %dot_general3A_67 {dimension_numbers = #tpu.dot_dimension_numbers<[1], [0], [0], [1], [0, 0, 1, 1], [], []>, transpose_lhs_hint = false} : vector<64x256xf32>, vector<256x128xf32>, vector<64x128xf32> -> vector<64x128xf32>
      %get3A_69 = arith.constant 0 : index
      %get3A_70 = arith.constant 0 : index
      %get3A_71 = vector.load %arg10[%get3A_69, %get3A_70] : memref<1x128xf32, #tpu.memory_space<vmem>>, vector<1x128xf32>
      %add3A_72 = vector.broadcast %get3A_71 : vector<1x128xf32> to vector<64x128xf32>
      %add3A_73 = arith.addf %dot_general3A_68, %add3A_72 : vector<64x128xf32>
      %swap3A_74 = arith.constant 0 : index
      %swap3A_75 = arith.constant 0 : index
      %swap3A_76 = vector.load %arg11[%swap3A_74, %swap3A_75] : memref<64x128xf32, #tpu.memory_space<vmem>>, vector<64x128xf32>
      tpu.vector_store %arg11[%swap3A_74, %swap3A_75], %add3A_73 {strides = array<i32>} : memref<64x128xf32, #tpu.memory_space<vmem>>, vector<64x128xf32>,
    } else {
    }
    return
  }
  func.func @transform_0(%arg0: i32) -> (i32, i32) {
    %c0_i32 = arith.constant 0 : i32
    %c0_i32_0 = arith.constant 0 : i32
    return %arg0, %c0_i32 : i32, i32
  }
  func.func @transform_1(%arg0: i32) -> (i32, i32) {
    %c0_i32 = arith.constant 0 : i32
    %c0_i32_0 = arith.constant 0 : i32
    %c0_i32_1 = arith.constant 0 : i32
    return %c0_i32, %c0_i32_0 : i32, i32
  }
  func.func @transform_2(%arg0: i32) -> (i32, i32) {
    %c0_i32 = arith.constant 0 : i32
    %c0_i32_0 = arith.constant 0 : i32
    %c0_i32_1 = arith.constant 0 : i32
    return %c0_i32, %c0_i32_0 : i32, i32
  }
  func.func @transform_3(%arg0: i32) -> (i32, i32) {
    %c0_i32 = arith.constant 0 : i32
    %c0_i32_0 = arith.constant 0 : i32
    %c0_i32_1 = arith.constant 0 : i32
    return %c0_i32, %c0_i32_0 : i32, i32
  }
  func.func @transform_4(%arg0: i32) -> (i32, i32) {
    %c0_i32 = arith.constant 0 : i32
    %c0_i32_0 = arith.constant 0 : i32
    %c0_i32_1 = arith.constant 0 : i32
    return %c0_i32, %c0_i32_0 : i32, i32
  }
  func.func @transform_5(%arg0: i32) -> (i32, i32) {
    %c0_i32 = arith.constant 0 : i32
    %c0_i32_0 = arith.constant 0 : i32
    return %arg0, %c0_i32 : i32, i32
  }
  func.func @transform_6(%arg0: i32) -> (i32, i32) {
    %c0_i32 = arith.constant 0 : i32
    %c0_i32_0 = arith.constant 0 : i32
    %c0_i32_1 = arith.constant 0 : i32
    return %c0_i32, %c0_i32_0 : i32, i32
  }
  func.func @transform_7(%arg0: i32) -> (i32, i32) {
    %c0_i32 = arith.constant 0 : i32
    %c0_i32_0 = arith.constant 0 : i32
    %c0_i32_1 = arith.constant 0 : i32
    return %c0_i32, %c0_i32_0 : i32, i32
  }
  func.func @transform_8(%arg0: i32) -> (i32, i32) {
    %c0_i32 = arith.constant 0 : i32
    %c0_i32_0 = arith.constant 0 : i32
    %c0_i32_1 = arith.constant 0 : i32
    return %c0_i32, %c0_i32_0 : i32, i32
  }
  func.func @transform_9(%arg0: i32) -> (i32, i32) {
    %c0_i32 = arith.constant 0 : i32
    %c0_i32_0 = arith.constant 0 : i32
    %c0_i32_1 = arith.constant 0 : i32
    return %c0_i32, %c0_i32_0 : i32, i32
  }
  func.func @transform_10(%arg0: i32) -> (i32, i32) {
    %c0_i32 = arith.constant 0 : i32
    %c0_i32_0 = arith.constant 0 : i32
    %c0_i32_1 = arith.constant 0 : i32
    return %c0_i32, %c0_i32_0 : i32, i32
  }
}

</mosaic_0001>

<sc_bundles>
// kernel: kernel.15.cloned.1.call-start
scs
__scs_entry_jumppad:
0x0: {  	(pc) =	sbr.rel $0x88, $3  }
0x1: {  	(tag) =	ssettag $0x0;
	lr =	simm.s32 $0x1  }
0x2: {  	[smem:$0x3F7F] =	sst lr;
	_ =	strace $0xD0000000  }
0x3: {  	_ = 	snop  }
0x4: {  	_ = 	snop  }
0x5: {  	_ = 	snop  }
0x6: {  	_ = 	snop  }
0x7: {  	_ = 	snop  }
__scs_overlays_trampoline_lowered:
0x8: {  	[smem:$0x3F8E] =	sst s0  }
0x9: {  	[smem:$0x3F8F] =	sst s1  }
0xa: {  	[smem:$0x3F90] =	sst s2  }
0xb: {  	[smem:$0x3F91] =	sst s3  }
0xc: {  	[smem:$0x3F92] =	sst s4  }
0xd: {  	[smem:$0x3F93] =	sst s5  }
0xe: {  	[smem:$0x3F94] =	sst s6  }
0xf: {  	[smem:$0x3F95] =	sst s7  }
0x10: {  	[smem:$0x3F96] =	sst s8  }
0x11: {  	[smem:$0x3F97] =	sst s9;
	s0 =	simm.s32 @!p0 $0x0  }
0x12: {  	s1 =	sld [smem:$0x3F7D];
	s0 =	simm.s32 @p0 $0x1  }
0x13: {  	[smem:$0x3F98] =	sst s0;
	s0 =	simm.s32 @!p1 $0x0  }
0x14: {  	s2 =	sld [smem:$0x3F7C];
	s0 =	simm.s32 @p1 $0x1  }
0x15: {  	[smem:$0x3F99] =	sst s0;
	s0 =	simm.s32 @!p2 $0x0  }
0x16: {  	s3 =	sld [smem:$0x3FDB];
	s0 =	simm.s32 @p2 $0x1  }
0x17: {  	s4 =	simm.s32 $0x1BF5;
	[smem:$0x3F9B] =	sst s0  }
0x18: {  	s0 =	sld [smem:$0x3F7E];
	_ =	swait.ge [sflag:s4], $0x0  }
0x19: {  	s7 =	sld [smem:$0x3F7F]  }
0x1a: {  	s8 =	sadd.s32 $0xFFFFE003, lr  }
0x1b: {  	s9 =	sadd.s32 $0xFFFFFEF7, lr;
	s5 =	simm.s32 $0xFFFFFFFF;
	p2 =	slt.u32 s8, $0xFFFFF086  }
0x1c: {  	p1 =	slt.u32 s9, $0xF7A;
	s5 =	simm.s32 @!p2 $0x0  }
0x1d: {  	s5 =	simm.s32 @p1 $0x1;
	p0 =	seq.s32 s7, s2  }
0x1e: {  	s7 =	smul.u32 @!p0 $0xF7A, s2;
	p2 =	seq.s32 @!p0 s5, $0x0  }
0x1f: {  	s9 =	smul.u32 $0xF7A, s1;
	s8 =	simm.s32 @!p0 $0x1BF5;
	p2 =	por !p2, p0  }
0x20: {  	[sflag:s8] =	ssyncset.s32 @!p0 $0xFFFFF086;
	s6 =	sadd.s32 @!p0 s3, s7;
	s7 =	simm.s32 @!p0 $0x108  }
0x21: {  	s3 =	sadd.s32 s3, s9;
	s6 =	sadd.s32 @!p0 $0x88, s6;
	s7 =	simm.s32 @p2 $0x1082  }
0x22: {  	[simem:s7], [sflag:s8] =	dma.local @!p0 [hbm:s6], $0xF7A  }
0x23: {  	s9 =	sor.u32 $0xD0000000, s2;
	s6 =	simm.s32 $0x108;
	_ =	swait.ge @!p0 [sflag:s8], $0x0  }
0x24: {  	s3 =	sadd.s32 $0x88, s3;
	s6 =	simm.s32 @!p1 $0x1082;
	[sflag:s4] =	ssyncset.s32 $0xFFFFF086  }
0x25: {  	[simem:s6], [sflag:s4] =	dma.local [hbm:s3], $0xF7A  }
0x26: {  	[smem:$0x3F7F] =	sst s1;
	(tag) =	ssettag s2;
	_ =	strace s9  }
0x27: {  	s1 =	sld [smem:$0x3F8F]  }
0x28: {  	s2 =	sld [smem:$0x3F90]  }
0x29: {  	s4 =	sld [smem:$0x3F92]  }
0x2a: {  	p0 =	seq.s32 s5, $0x0;
	s5 =	sld [smem:$0x3F93]  }
0x2b: {  	s6 =	sld [smem:$0x3F94]  }
0x2c: {  	s7 =	sld [smem:$0x3F95]  }
0x2d: {  	s3 =	simm.s32 $0x108;
	s8 =	sld [smem:$0x3F96]  }
0x2e: {  	s3 =	simm.s32 @!p0 $0x1082;
	s9 =	sld [smem:$0x3F97]  }
0x2f: {  	lr =	sadd.s32 s0, s3;
	s0 =	sld [smem:$0x3F8E]  }
0x30: {  	s3 =	sld [smem:$0x3F91]  }
0x31: {  	[smem:$0x3F9A] =	sst s10  }
0x32: {  	s10 =	sld [smem:$0x3F98];
	_ =	sdelay $0x3  }
0x33: {  	p0 =	seq.s32 s10, $0x1;
	s10 =	sld [smem:$0x3F9A];
	_ =	sdelay $0x3  }
0x34: {  	[smem:$0x3F9A] =	sst s10  }
0x35: {  	s10 =	sld [smem:$0x3F99];
	_ =	sdelay $0x3  }
0x36: {  	p1 =	seq.s32 s10, $0x1;
	s10 =	sld [smem:$0x3F9A];
	_ =	sdelay $0x3  }
0x37: {  	[smem:$0x3F9A] =	sst s10  }
0x38: {  	s10 =	sld [smem:$0x3F9B]  }
0x39: {  	_ = 	snop;
	(pc) =	sbr.ind lr, $3  }
0x3a: {  	_ = 	snop  }
0x3b: {  	_ = 	snop  }
0x3c: {  	p2 =	seq.s32 s10, $0x1;
	s10 =	sld [smem:$0x3F9A]  }
0x3d: {  	_ =	shalt  }
0x3e: {  	_ =	shalt  }
0x3f: {  	_ =	shalt  }
0x40: {  	_ =	shalt  }
0x41: {  	_ =	shalt  }
0x42: {  	_ =	shalt  }
0x43: {  	_ =	shalt  }
0x44: {  	_ =	shalt  }
0x45: {  	_ =	shalt  }
0x46: {  	_ =	shalt  }
0x47: {  	_ =	shalt  }
0x48: {  	_ =	shalt  }
0x49: {  	_ =	shalt  }
0x4a: {  	_ =	shalt  }
0x4b: {  	_ =	shalt  }
0x4c: {  	_ =	shalt  }
0x4d: {  	_ =	shalt  }
0x4e: {  	_ =	shalt  }
0x4f: {  	_ =	shalt  }
0x50: {  	_ =	shalt  }
0x51: {  	_ =	shalt  }
0x52: {  	_ =	shalt  }
0x53: {  	_ =	shalt  }
0x54: {  	_ =	shalt  }
0x55: {  	_ =	shalt  }
0x56: {  	_ =	shalt  }
0x57: {  	_ =	shalt  }
0x58: {  	_ =	shalt  }
0x59: {  	_ =	shalt  }
0x5a: {  	_ =	shalt  }
0x5b: {  	_ =	shalt  }
0x5c: {  	_ =	shalt  }
0x5d: {  	_ =	shalt  }
0x5e: {  	_ =	shalt  }
0x5f: {  	_ =	shalt  }
0x60: {  	_ =	shalt  }
0x61: {  	_ =	shalt  }
0x62: {  	_ =	shalt  }
0x63: {  	_ =	shalt  }
0x64: {  	_ =	shalt  }
0x65: {  	_ =	shalt  }
0x66: {  	_ =	shalt  }
0x67: {  	_ =	shalt  }
0x68: {  	_ =	shalt  }
0x69: {  	_ =	shalt  }
0x6a: {  	_ =	shalt  }
0x6b: {  	_ =	shalt  }
0x6c: {  	_ =	shalt  }
0x6d: {  	_ =	shalt  }
0x6e: {  	_ =	shalt  }
0x6f: {  	_ =	shalt  }
0x70: {  	_ =	shalt  }
0x71: {  	_ =	shalt  }
0x72: {  	_ =	shalt  }
0x73: {  	_ =	shalt  }
0x74: {  	_ =	shalt  }
0x75: {  	_ =	shalt  }
0x76: {  	_ =	shalt  }
0x77: {  	_ =	shalt  }
0x78: {  	_ =	shalt  }
0x79: {  	_ =	shalt  }
0x7a: {  	_ =	shalt  }
0x7b: {  	_ =	shalt  }
0x7c: {  	_ =	shalt  }
0x7d: {  	_ =	shalt  }
0x7e: {  	_ =	shalt  }
0x7f: {  	_ =	shalt  }
0x80: {  	_ =	shalt  }
0x81: {  	_ =	shalt  }
0x82: {  	_ =	shalt  }
0x83: {  	_ =	shalt  }
0x84: {  	_ =	shalt  }
0x85: {  	_ =	shalt  }
0x86: {  	_ =	shalt  }
0x87: {  	_ =	shalt  }
.Lfunc_end0:
.L_simem_size_0:
called_computation_lowered:
.L_overlay_start_0:
0x88: {  	s2 =	sld [smem:$0x3FD9]  }
0x89: {  	s3 =	sld [smem:$0x3FFE];
	_ =	sdelay $0x1  }
0x8a: {  	s1 =	srdreg.scid  }
0x8b: {  	s0 =	sand.u32 $0x1, s1  }
0x8c: {  	s16 =	sshll.u32 s0, $0xA;
	s2 =	sadd.s32 s3, s2  }
0x8d: {  	s2 =	sadd.s32 s2, s16  }
0x8e: {  	[smem:$0x3FA6] =	sst s2  }
0x8f: {  	_ = 	snop  }
0x90: {  	(tm) =	ssettm $0x1  }
0x91: {  	s17 =	sld [smem:$0x3FFB];
	_ =	sdelay $0x3  }
0x92: {  	_ =	strace s17  }
0x93: {  	s2 =	sld [smem:$0x3FFC];
	_ =	sdelay $0x3  }
0x94: {  	_ =	strace s2  }
0x95: {  	s2 =	sld [smem:$0x3FFD];
	_ =	sdelay $0x3  }
0x96: {  	_ =	strace s2  }
0x97: {  	_ =	strace $0x8FFFFFFF  }
0x98: {  	s18 =	sld [smem:$0x3FDB];
	_ =	sdelay $0x1  }
0x99: {  	s19 =	simm.s32 $_scs_section_size  }
0x9a: {  	s4 =	simm.s32 $_size__tile_overlayer_lowered;
	s5 =	simm.s32 $_tile_overlayer_lowered  }
0x9b: {  	s22 =	simm.s32 $0x1BFF;
	s21 =	sshll.u32 s5, $0x1;
	s2 =	sadd.s32 s19, s18  }
0x9c: {  	s6 =	simm.s32 $0x0;
	s20 =	sshll.u32 s4, $0x1;
	s4 =	sadd.s32 s21, s2  }
0x9d: {  	[timem:s6], [sflag:s22] =	dma.local [hbm:s4], s20  }
0x9e: {  	_ =	swait.ge [sflag:s22], s20  }
0x9f: {  	s3 =	ssub.s32 $0x0, s20;
	[sflag:s22] =	ssyncset.done $0x0  }
0xa0: {  	[sflag:s22] =	ssyncadd.s32 s3;
	_ =	sdelay $0x1  }
0xa1: {  	s23 =	simm.s32 $0x1B8B  }
0xa2: {  	_ =	swait.ge [sflag:s23], $0x1  }
0xa3: {  	[sflag:s23] =	ssyncset.done $0x0  }
0xa4: {  	s25 =	simm.s32 $0x1B8E;
	s24 =	sld [smem:$0x3FFE];
	[sflag:s23] =	ssyncadd.s32 $0xFFFFFFFF  }
0xa5: {  	s26 =	simm.s32 $execute0_lowered;
	[smem:$0x3FD2] =	sst s25  }
0xa6: {  	s4 =	sshll.u32 s26, $0x1;
	_ =	strace $0x80000046;
	[dreg:$0x1] =	wrdreg $0xFFFFFFFF  }
0xa7: {  	s28 =	simm.s32 $_size_execute0_lowered;
	s2 =	sadd.s32 s2, s4;
	[dreg:$0x0] =	wrdreg $0x0  }
0xa8: {  	s4 =	sshll.u32 s28, $0x1;
	[dreg:$0x2] =	wrdreg s2  }
0xa9: {  	[dreg:$0x3] =	wrdreg s4  }
0xaa: {  	[dreg:$0x4] =	wrdreg $0xC0  }
0xab: {  	_ =	task [dreg:s6], $0x5FFFF  }
0xac: {  	[dreg:$0x1] =	wrdreg $0xFFFFFFFF  }
0xad: {  	[dreg:$0x0] =	wrdreg $0x60  }
0xae: {  	[dreg:$0x2] =	wrdreg s24  }
0xaf: {  	[dreg:$0x3] =	wrdreg $0x29000  }
0xb0: {  	[dreg:$0x4] =	wrdreg $0x9  }
0xb1: {  	_ =	task.clear_ibuf [dreg:s6], $0x5FFFF;
	_ =	strace $0x90000046  }
0xb2: {  	s29 =	simm.s32 $0x9;
	_ =	strace $0x80000048  }
0xb3: {  	_ =	swait.ge [sflag:s29], $0x1  }
0xb4: {  	[sflag:s29] =	ssyncadd.s32 $0xFFFFFFFF  }
0xb5: {  	_ =	strace $0x90000048  }
0xb6: {  	_ =	sfence  }
0xb7: {  	s30 =	sld [smem:$0x0];
	_ =	sdelay $0x2  }
0xb8: {  	s31 =	sshll.u32 s1, $0xD;
	s1 =	sshrl.u32 s1, $0x2  }
0xb9: {  	s3 =	sand.u32 $0x4000, s31;
	s1 =	sadd.s32 s1, s30  }
0xba: {  	s0 =	sor.u32 s3, s0;
	s1 =	sshll.u32 s1, $0x11  }
0xbb: {  	s0 =	sor.u32 s1, s0  }
0xbc: {  	s0 =	sadd.s32 $0x8F2B, s0  }
0xbd: {  	[sflag:s0] =	ssyncadd.remote.s32 $0x1  }
0xbe: {  	_ =	sfence.sel $0xFFFF  }
0xbf: {  	[dreg:$0x0] =	wrdreg $0xFFFFFFFF;
	(pc) =	sbr.abs _section_cstart, $3  }
0xc0: {  	[dreg:$0x1] =	wrdreg $0xFFFFFFFF  }
0xc1: {  	_ =	task.clear_ibuf [dreg:s6], $0x2FFFF;
	_ =	strace $0x9FFFFFFF  }
0xc2: {  	(tm) =	ssettm $0x7FFFFFFF  }
0xc3: {  	_ =	shalt  }
tec
execute0_lowered:
.L_overlay_start_1:
0x0: {  	(tag) =	ssettag $0x1  }
0x1: {  	s1 =	stileid.u32  }
0x2: {  	s6 =	smul.u32 $0x9C4, s1  }
0x3: {  	s9 =	smul.u32 $0xA000, s1;
	s12 =	sor.u32 $0x10, s1  }
0x4: {  	s13 =	sor.u32 $0x20, s1;
	s10 =	smul.u32 $0xA000, s12  }
0x5: {  	s0 =	rddreg [dreg:$0x0];
	s15 =	sor.u32 $0x30, s1;
	s14 =	smul.u32 $0xA000, s13  }
0x6: {  	s2 =	rddreg [dreg:$0x1];
	s17 =	sor.u32 $0x40, s1;
	s16 =	smul.u32 $0xA000, s15  }
0x7: {  	s3 =	simm.s32 $0x0;
	s20 =	sor.u32 $0x50, s1;
	s19 =	smul.u32 $0xA000, s17  }
0x8: {  	s25 =	srdreg.scid;
	s22 =	sor.u32 $0x60, s1;
	s21 =	smul.u32 $0xA000, s20  }
0x9: {  	[smem:$0x7FF] =	sst s3;
	s4 =	sadd.s32 $0x1C400, s0;
	s23 =	smul.u32 $0xA000, s22  }
0xa: {  	s5 =	sadd.s32 $0x43600, s0;
	s7 =	sadd.s32 $0x91A00, s0;
	s17 =	smul.u32 $0x500, s17  }
0xb: {  	s24 =	sor.u32 $0x70, s1;
	_ =	strace $0x80000047;
	s20 =	smul.u32 $0x500, s20  }
0xc: {  	s22 =	smul.u32 $0x500, s22;
	p1 =	sgt.u32 s24, $0x7C;
	s18 =	sadd.s32 s6, s0  }
0xd: {  	s6 =	sadd.s32 $0x6A800, s0;
	s0 =	sand.u32 $0x1, s25;
	s25 =	smul.u32 $0xA000, s24  }
0xe: {  	p2 =	slt.u32 s24, $0x7D;
	s9 =	sshrl.u32 s9, $0x2;
	s24 =	smul.u32 $0x500, s24  }
0xf: {  	s8 =	ssub.s32 $0x2, s0;
	s10 =	sshrl.u32 s10, $0x2;
	s9 =	sadd.s32 s9, s2  }
0x10: {  	s26 =	sshrl.u32 s14, $0x2;
	p0 =	sne.s32 s0, $0x0;
	s0 =	smul.u32 $0x500, s1  }
0x11: {  	s28 =	sshrl.u32 s16, $0x2;
	s29 =	sshrl.u32 s19, $0x2;
	s19 =	smul.u32 $0x500, s13  }
0x12: {  	s30 =	sshrl.u32 s21, $0x2;
	s21 =	smul.u32 $0x500, s15;
	s16 =	sshrl.u32 s23, $0x2  }
0x13: {  	s31 =	sadd.s32 s7, s22;
	s11 =	sshrl.u32 s8, $0x1;
	s10 =	sadd.s32 s10, s2  }
0x14: {  	s13 =	sadd.s32 s29, s2;
	s14 =	sadd.s32 s30, s2;
	s15 =	sadd.s32 s16, s2  }
0x15: {  	s23 =	sshrl.u32 s25, $0x2;
	[dreg:$0x3] =	wrdreg s24;
	s8 =	ssub.s32 s8, s11  }
0x16: {  	s11 =	sadd.s32 s26, s2;
	s26 =	smul.u32 $0x500, s12;
	s25 =	sadd.s32 s7, s0  }
0x17: {  	s12 =	sadd.s32 s28, s2;
	s0 =	sadd.s32 s6, s0;
	[dreg:$0x4] =	wrdreg s25  }
0x18: {  	s16 =	sadd.s32 s23, s2;
	s30 =	sadd.s32 s7, s19;
	[dreg:$0x5] =	wrdreg s0  }
0x19: {  	s23 =	sadd.s32 s6, s19;
	s24 =	sadd.s32 s7, s21;
	[dreg:$0x8] =	wrdreg s30  }
0x1a: {  	s19 =	simm.s32 $0x100;
	s8 =	smax.u32 s8, $0x1;
	[dreg:$0x9] =	wrdreg s23  }
0x1b: {  	[dreg:$0xa] =	wrdreg s24;
	s25 =	sadd.s32 s6, s21;
	s30 =	sadd.s32 s6, s20  }
0x1c: {  	s0 =	sadd.s32 s6, s22;
	s21 =	simm.s32 $0x80;
	[dreg:$0xb] =	wrdreg s25  }
0x1d: {  	s22 =	simm.s32 $0x50;
	s28 =	sadd.s32 s7, s26;
	[dreg:$0xf] =	wrdreg s30  }
.Ltmp0:
0x1e: {  	s29 =	sadd.s32 s6, s26;
	[dreg:$0x6] =	wrdreg s28;
	(pc) =	sbr.rel .LBB2_1-.Ltmp0, $4  }
0x1f: {  	s23 =	simm.s32 $0x1;
	s26 =	sadd.s32 s7, s17;
	[dreg:$0x7] =	wrdreg s29  }
0x20: {  	s24 =	simm.s32 $0x0;
	[dreg:$0xc] =	wrdreg s26;
	s28 =	sadd.s32 s6, s17  }
0x21: {  	s29 =	sadd.s32 s7, s20;
	s17 =	sadd.s32 $0x8800, s18;
	[dreg:$0xd] =	wrdreg s28  }
0x22: {  	v0 =	vimm.f32 $0.0e+00;
	s18 =	sadd.s32 $0x12600, s18;
	s20 =	simm.s32 $0x2;
	[dreg:$0xe] =	wrdreg s29  }
.LBB2_10:
0x23: {  	s26 =	sshll.u32 s1, $0x6;
	s28 =	rddreg [dreg:$0x3]  }
0x24: {  	s30 =	sshrl.u32 s16, $0x3;
	s25 =	sadd.s32 s25, s28;
	s26 =	sor.u32 $0x1C02, s26  }
0x25: {  	[hbm:s25], [sflag:s26] =	dma.local [spmem:s30], $0x500  }
0x26: {  	_ =	swait.ge [sflag:s20], $0x500  }
0x27: {  	[sflag:s20] =	ssyncset.done $0x0  }
0x28: {  	[sflag:s20] =	ssyncadd.s32 $0xFFFFFB00  }
.LBB2_11:
0x29: {  	s24 =	sadd.s32 $0x1, s24  }
0x2a: {  	p3 =	sne.s32 s24, s8  }
.Ltmp1:
0x2b: {  	_ = 	snop;
	(pc) =	sbr.rel @!p3 .LBB2_12-.Ltmp1, $1  }
0x2c: {  	_ =	sdelay $0x3  }
.LBB2_1:
0x2d: {  	s25 =	simm.s32 $0x0;
	s26 =	simm.s32 $0x200  }
.LBB2_2:
0x2e: {  	p3 =	sne.s32 s26, $0x9E00;
	[tilespmem:s25+$0x170] =	vst v0  }
0x2f: {  	[tilespmem:s25+$0x100] =	vst v0  }
0x30: {  	[tilespmem:s25+$0x110] =	vst v0  }
.Ltmp2:
0x31: {  	[tilespmem:s25+$0x120] =	vst v0;
	(pc) =	sbr.rel @p3 .LBB2_2-.Ltmp2, $4  }
0x32: {  	[tilespmem:s25+$0x130] =	vst v0  }
0x33: {  	[tilespmem:s25+$0x140] =	vst v0  }
0x34: {  	[tilespmem:s25+$0x150] =	vst v0  }
0x35: {  	[tilespmem:s25+$0x160] =	vst v0;
	s25 =	sshra.s32 s26, $0x2;
	s26 =	sadd.s32 $0x200, s26  }
0x36: {  	[tilespmem:s25+$0x170] =	vst v0  }
0x37: {  	[tilespmem:s25+$0x100] =	vst v0  }
0x38: {  	[tilespmem:s25+$0x110] =	vst v0  }
0x39: {  	[tilespmem:s25+$0x120] =	vst v0  }
0x3a: {  	[tilespmem:s25+$0x130] =	vst v0  }
0x3b: {  	[tilespmem:s25+$0x140] =	vst v0  }
0x3c: {  	[tilespmem:s25+$0x150] =	vst v0  }
0x3d: {  	[tilespmem:s25+$0x160] =	vst v0  }
0x3e: {  	[spmem:s9] =	stream.linear.scatter [tilespmem:s19], [sflag:$0x2], $0x2800, $0x38;
	[tilespmem:$0x16180] =	vst v63  }
0x3f: {  	_ =	swait.ge [sflag:s20], $0x2800  }
0x40: {  	[sflag:s20] =	ssyncset.done $0x0  }
0x41: {  	[sflag:s20] =	ssyncadd.s32 $0xFFFFD800  }
0x42: {  	[spmem:s10] =	stream.linear.scatter [tilespmem:s19], [sflag:$0x2], $0x2800, $0x38;
	[tilespmem:$0x16180] =	vst v63  }
0x43: {  	_ =	swait.ge [sflag:s20], $0x2800  }
0x44: {  	[sflag:s20] =	ssyncset.done $0x0  }
0x45: {  	[sflag:s20] =	ssyncadd.s32 $0xFFFFD800  }
0x46: {  	[spmem:s11] =	stream.linear.scatter [tilespmem:s19], [sflag:$0x2], $0x2800, $0x38;
	[tilespmem:$0x16180] =	vst v63  }
0x47: {  	_ =	swait.ge [sflag:s20], $0x2800  }
0x48: {  	[sflag:s20] =	ssyncset.done $0x0  }
0x49: {  	[sflag:s20] =	ssyncadd.s32 $0xFFFFD800  }
0x4a: {  	[spmem:s12] =	stream.linear.scatter [tilespmem:s19], [sflag:$0x2], $0x2800, $0x38;
	[tilespmem:$0x16180] =	vst v63  }
0x4b: {  	_ =	swait.ge [sflag:s20], $0x2800  }
0x4c: {  	[sflag:s20] =	ssyncset.done $0x0  }
0x4d: {  	[sflag:s20] =	ssyncadd.s32 $0xFFFFD800  }
0x4e: {  	[spmem:s13] =	stream.linear.scatter [tilespmem:s19], [sflag:$0x2], $0x2800, $0x38;
	[tilespmem:$0x16180] =	vst v63  }
0x4f: {  	_ =	swait.ge [sflag:s20], $0x2800  }
0x50: {  	[sflag:s20] =	ssyncset.done $0x0  }
0x51: {  	[sflag:s20] =	ssyncadd.s32 $0xFFFFD800  }
0x52: {  	[spmem:s14] =	stream.linear.scatter [tilespmem:s19], [sflag:$0x2], $0x2800, $0x38;
	[tilespmem:$0x16180] =	vst v63  }
0x53: {  	_ =	swait.ge [sflag:s20], $0x2800  }
0x54: {  	[sflag:s20] =	ssyncset.done $0x0  }
0x55: {  	[sflag:s20] =	ssyncadd.s32 $0xFFFFD800  }
0x56: {  	[spmem:s15] =	stream.linear.scatter [tilespmem:s19], [sflag:$0x2], $0x2800, $0x38;
	[tilespmem:$0x16180] =	vst v63  }
0x57: {  	_ =	swait.ge [sflag:s20], $0x2800  }
0x58: {  	[sflag:s20] =	ssyncset.done $0x0  }
0x59: {  	s25 =	simm.s32 @!p1 $0x100;
	[sflag:s20] =	ssyncadd.s32 $0xFFFFD800  }
0x5a: {  	[spmem:s16] =	stream.linear.scatter @!p1 [tilespmem:s25], [sflag:$0x2], $0x2800, $0x38;
	[tilespmem:$0x16180] =	vst v63  }
0x5b: {  	s25 =	simm.s32 @!p1 $0x2  }
.Ltmp3:
0x5c: {  	_ =	swait.ge @!p1 [sflag:s25], $0x2800;
	(pc) =	sbr.rel @p0 .LBB2_7-.Ltmp3, $4  }
0x5d: {  	[sflag:s25] =	ssyncset.done @!p1 $0x0  }
0x5e: {  	[sflag:s25] =	ssyncadd.s32 @!p1 $0xFFFFD800  }
0x5f: {  	[bflag:$0x0] =	sbarrier.arrive $0xFFFF  }
0x60: {  	s25 =	sadd.s32 $0x0, s18  }
0x61: {  	[tilespmem:s3], [sflag:$0x2] =	stream.linear.gather [hbm4b:s25+s3], $0x50, $0x38;
	[tilespmem:$0x16180] =	vst v63  }
0x62: {  	_ =	swait.ge [sflag:s20], $0x50  }
0x63: {  	[sflag:s20] =	ssyncset.done $0x0  }
0x64: {  	s30 =	sadd.s32 $0x0, s17;
	[sflag:s20] =	ssyncadd.s32 $0xFFFFFFB0  }
0x65: {  	[tilespmem:s21], [sflag:$0x2] =	stream.linear.gather [hbm4b:s30+s3], $0x50, $0x38;
	[tilespmem:$0x16180] =	vst v63  }
0x66: {  	_ =	swait.ge [sflag:s20], $0x50  }
0x67: {  	[sflag:s20] =	ssyncset.done $0x0  }
0x68: {  	[sflag:s20] =	ssyncadd.s32 $0xFFFFFFB0  }
0x69: {  	[tilespmem:s19], [sflag:$0x1] =	stream.indirect.gather [hbm4b:s4+s22], $0x80, s3, s22, $0xb8;
	[tilespmem:$0x16180] =	vst v63  }
0x6a: {  	_ =	swait.ge [sflag:s23], $0x2800  }
0x6b: {  	[sflag:s23] =	ssyncset.done $0x0  }
0x6c: {  	[sflag:s23] =	ssyncadd.s32 $0xFFFFD800  }
0x6d: {  	[spmem:s2] =	stream.indirect.scatter.add.f32 [tilespmem:s19], [sflag:$0x2], $0x80, s21, s22, $0xb8;
	[tilespmem:$0x16180] =	vst v63  }
0x6e: {  	_ =	swait.ge [sflag:s20], $0x2800  }
0x6f: {  	s25 =	simm.s32 $0xA;
	s26 =	simm.s32 $0x14;
	[sflag:s20] =	ssyncset.done $0x0  }
.LBB2_5:
0x70: {  	s28 =	sadd.s32 s25, s18  }
0x71: {  	[sflag:s20] =	ssyncadd.s32 $0xFFFFD800;
	s29 =	smov.u32 s26;
	s30 =	sadd.s32 $0xA, s26  }
0x72: {  	[tilespmem:s3], [sflag:$0x2] =	stream.linear.gather [hbm4b:s28+s3], $0x50, $0x38;
	[tilespmem:$0x16180] =	vst v63  }
0x73: {  	p3 =	seq.s32 s26, $0x9BA;
	_ =	swait.ge [sflag:s20], $0x50  }
0x74: {  	[sflag:s20] =	ssyncset.done $0x0  }
0x75: {  	s26 =	sadd.s32 s25, s17;
	s25 =	smov.u32 s29;
	[sflag:s20] =	ssyncadd.s32 $0xFFFFFFB0  }
0x76: {  	[tilespmem:s21], [sflag:$0x2] =	stream.linear.gather [hbm4b:s26+s3], $0x50, $0x38;
	[tilespmem:$0x16180] =	vst v63  }
0x77: {  	_ =	swait.ge [sflag:s20], $0x50  }
0x78: {  	[sflag:s20] =	ssyncset.done $0x0  }
0x79: {  	[sflag:s20] =	ssyncadd.s32 $0xFFFFFFB0  }
0x7a: {  	[tilespmem:s19], [sflag:$0x1] =	stream.indirect.gather [hbm4b:s4+s22], $0x80, s3, s22, $0xb8;
	[tilespmem:$0x16180] =	vst v63  }
0x7b: {  	_ =	swait.ge [sflag:s23], $0x2800  }
.Ltmp4:
0x7c: {  	[sflag:s23] =	ssyncset.done $0x0;
	(pc) =	sbr.rel @!p3 .LBB2_5-.Ltmp4, $4  }
0x7d: {  	[sflag:s23] =	ssyncadd.s32 $0xFFFFD800  }
0x7e: {  	[spmem:s2] =	stream.indirect.scatter.add.f32 [tilespmem:s19], [sflag:$0x2], $0x80, s21, s22, $0xb8;
	[tilespmem:$0x16180] =	vst v63  }
0x7f: {  	_ =	swait.ge [sflag:s20], $0x2800  }
0x80: {  	s26 =	smov.u32 s30;
	[sflag:s20] =	ssyncset.done $0x0  }
0x81: {  	s26 =	sadd.s32 s25, s18;
	[sflag:s20] =	ssyncadd.s32 $0xFFFFD800  }
0x82: {  	[tilespmem:s3], [sflag:$0x2] =	stream.linear.gather [hbm4b:s26+s3], $0x50, $0x38;
	[tilespmem:$0x16180] =	vst v63  }
0x83: {  	_ =	swait.ge [sflag:s20], $0x50  }
0x84: {  	[sflag:s20] =	ssyncset.done $0x0  }
0x85: {  	s26 =	sadd.s32 s25, s17;
	[sflag:s20] =	ssyncadd.s32 $0xFFFFFFB0  }
0x86: {  	[tilespmem:s21], [sflag:$0x2] =	stream.linear.gather [hbm4b:s26+s3], $0x50, $0x38;
	[tilespmem:$0x16180] =	vst v63  }
0x87: {  	_ =	swait.ge [sflag:s20], $0x50  }
0x88: {  	[sflag:s20] =	ssyncset.done $0x0  }
0x89: {  	[sflag:s20] =	ssyncadd.s32 $0xFFFFFFB0  }
0x8a: {  	[tilespmem:s19], [sflag:$0x1] =	stream.indirect.gather [hbm4b:s4+s22], $0x80, s3, s22, $0xb8;
	[tilespmem:$0x16180] =	vst v63  }
0x8b: {  	_ =	swait.ge [sflag:s23], $0x2800  }
0x8c: {  	[sflag:s23] =	ssyncset.done $0x0  }
0x8d: {  	[sflag:s23] =	ssyncadd.s32 $0xFFFFD800  }
0x8e: {  	[spmem:s2] =	stream.indirect.scatter.add.f32 [tilespmem:s19], [sflag:$0x2], $0x80, s21, s22, $0xb8;
	[tilespmem:$0x16180] =	vst v63  }
0x8f: {  	_ =	swait.ge [sflag:s20], $0x2800  }
0x90: {  	[sflag:s20] =	ssyncset.done $0x0  }
0x91: {  	[sflag:s20] =	ssyncadd.s32 $0xFFFFD800  }
0x92: {  	s28 =	sshll.u32 s1, $0x6;
	[bflag:$0x0] =	sbarrier.arrive $0xFFFF  }
0x93: {  	s29 =	sshrl.u32 s9, $0x3;
	s25 =	sor.u32 $0x1C02, s28;
	s28 =	rddreg [dreg:$0x5]  }
0x94: {  	[hbm:s28], [sflag:s25] =	dma.local [spmem:s29], $0x500  }
0x95: {  	_ =	swait.ge [sflag:s20], $0x500  }
0x96: {  	[sflag:s20] =	ssyncset.done $0x0  }
0x97: {  	s30 =	sshrl.u32 s10, $0x3;
	s29 =	rddreg [dreg:$0x7];
	[sflag:s20] =	ssyncadd.s32 $0xFFFFFB00  }
0x98: {  	[hbm:s29], [sflag:s25] =	dma.local [spmem:s30], $0x500  }
0x99: {  	_ =	swait.ge [sflag:s20], $0x500  }
0x9a: {  	[sflag:s20] =	ssyncset.done $0x0  }
0x9b: {  	s30 =	sshrl.u32 s11, $0x3;
	s29 =	rddreg [dreg:$0x9];
	[sflag:s20] =	ssyncadd.s32 $0xFFFFFB00  }
0x9c: {  	[hbm:s29], [sflag:s25] =	dma.local [spmem:s30], $0x500  }
0x9d: {  	_ =	swait.ge [sflag:s20], $0x500  }
0x9e: {  	[sflag:s20] =	ssyncset.done $0x0  }
0x9f: {  	s30 =	sshrl.u32 s12, $0x3;
	s29 =	rddreg [dreg:$0xb];
	[sflag:s20] =	ssyncadd.s32 $0xFFFFFB00  }
0xa0: {  	[hbm:s29], [sflag:s25] =	dma.local [spmem:s30], $0x500  }
0xa1: {  	_ =	swait.ge [sflag:s20], $0x500  }
0xa2: {  	[sflag:s20] =	ssyncset.done $0x0  }
0xa3: {  	s30 =	sshrl.u32 s13, $0x3;
	s29 =	rddreg [dreg:$0xd];
	[sflag:s20] =	ssyncadd.s32 $0xFFFFFB00  }
0xa4: {  	[hbm:s29], [sflag:s25] =	dma.local [spmem:s30], $0x500  }
0xa5: {  	_ =	swait.ge [sflag:s20], $0x500  }
0xa6: {  	[sflag:s20] =	ssyncset.done $0x0  }
0xa7: {  	s30 =	sshrl.u32 s14, $0x3;
	s29 =	rddreg [dreg:$0xf];
	[sflag:s20] =	ssyncadd.s32 $0xFFFFFB00  }
0xa8: {  	[hbm:s29], [sflag:s25] =	dma.local [spmem:s30], $0x500  }
0xa9: {  	_ =	swait.ge [sflag:s20], $0x500  }
0xaa: {  	[sflag:s20] =	ssyncset.done $0x0  }
0xab: {  	s30 =	sshrl.u32 s15, $0x3;
	[sflag:s20] =	ssyncadd.s32 $0xFFFFFB00  }
0xac: {  	[hbm:s0], [sflag:s25] =	dma.local [spmem:s30], $0x500  }
.Ltmp5:
0xad: {  	_ = 	snop;
	(pc) =	sbr.rel @p2 .LBB2_10-.Ltmp5, $4  }
.Ltmp6:
0xae: {  	_ = 	snop;
	(pc) =	sbr.rel @!p2 .LBB2_11-.Ltmp6, $4  }
0xaf: {  	_ =	swait.ge [sflag:s20], $0x500  }
0xb0: {  	[sflag:s20] =	ssyncset.done $0x0  }
0xb1: {  	s25 =	smov.u32 s6;
	[sflag:s20] =	ssyncadd.s32 $0xFFFFFB00  }
0xb2: {  	_ = 	snop  }
.LBB2_7:
0xb3: {  	[tilespmem:s3], [sflag:$0x2] =	stream.linear.gather [hbm4b:s25+s3], $0x50, $0x38;
	[tilespmem:$0x16180] =	vst v63  }
0xb4: {  	_ =	swait.ge [sflag:s20], $0x50  }
0xb5: {  	[sflag:s20] =	ssyncset.done $0x0  }
0xb6: {  	s30 =	sadd.s32 $0x0, s17;
	[sflag:s20] =	ssyncadd.s32 $0xFFFFFFB0  }
0xb7: {  	[tilespmem:s21], [sflag:$0x2] =	stream.linear.gather [hbm4b:s30+s3], $0x50, $0x38;
	[tilespmem:$0x16180] =	vst v63  }
0xb8: {  	_ =	swait.ge [sflag:s20], $0x50  }
0xb9: {  	[sflag:s20] =	ssyncset.done $0x0  }
0xba: {  	[sflag:s20] =	ssyncadd.s32 $0xFFFFFFB0  }
0xbb: {  	[tilespmem:s19], [sflag:$0x1] =	stream.indirect.gather [hbm4b:s5+s22], $0x80, s3, s22, $0xb8;
	[tilespmem:$0x16180] =	vst v63  }
0xbc: {  	_ =	swait.ge [sflag:s23], $0x2800  }
0xbd: {  	[sflag:s23] =	ssyncset.done $0x0  }
0xbe: {  	[sflag:s23] =	ssyncadd.s32 $0xFFFFD800  }
0xbf: {  	[spmem:s2] =	stream.indirect.scatter.add.f32 [tilespmem:s19], [sflag:$0x2], $0x80, s21, s22, $0xb8;
	[tilespmem:$0x16180] =	vst v63  }
0xc0: {  	_ =	swait.ge [sflag:s20], $0x2800  }
0xc1: {  	s25 =	simm.s32 $0xA;
	s26 =	simm.s32 $0x14;
	[sflag:s20] =	ssyncset.done $0x0  }
.LBB2_8:
0xc2: {  	s28 =	sadd.s32 s25, s18  }
0xc3: {  	[sflag:s20] =	ssyncadd.s32 $0xFFFFD800;
	s29 =	smov.u32 s26;
	s30 =	sadd.s32 $0xA, s26  }
0xc4: {  	[tilespmem:s3], [sflag:$0x2] =	stream.linear.gather [hbm4b:s28+s3], $0x50, $0x38;
	[tilespmem:$0x16180] =	vst v63  }
0xc5: {  	p3 =	seq.s32 s26, $0x9BA;
	_ =	swait.ge [sflag:s20], $0x50  }
0xc6: {  	[sflag:s20] =	ssyncset.done $0x0  }
0xc7: {  	s26 =	sadd.s32 s25, s17;
	s25 =	smov.u32 s29;
	[sflag:s20] =	ssyncadd.s32 $0xFFFFFFB0  }
0xc8: {  	[tilespmem:s21], [sflag:$0x2] =	stream.linear.gather [hbm4b:s26+s3], $0x50, $0x38;
	[tilespmem:$0x16180] =	vst v63  }
0xc9: {  	_ =	swait.ge [sflag:s20], $0x50  }
0xca: {  	[sflag:s20] =	ssyncset.done $0x0  }
0xcb: {  	[sflag:s20] =	ssyncadd.s32 $0xFFFFFFB0  }
0xcc: {  	[tilespmem:s19], [sflag:$0x1] =	stream.indirect.gather [hbm4b:s5+s22], $0x80, s3, s22, $0xb8;
	[tilespmem:$0x16180] =	vst v63  }
0xcd: {  	_ =	swait.ge [sflag:s23], $0x2800  }
.Ltmp7:
0xce: {  	[sflag:s23] =	ssyncset.done $0x0;
	(pc) =	sbr.rel @!p3 .LBB2_8-.Ltmp7, $4  }
0xcf: {  	[sflag:s23] =	ssyncadd.s32 $0xFFFFD800  }
0xd0: {  	[spmem:s2] =	stream.indirect.scatter.add.f32 [tilespmem:s19], [sflag:$0x2], $0x80, s21, s22, $0xb8;
	[tilespmem:$0x16180] =	vst v63  }
0xd1: {  	_ =	swait.ge [sflag:s20], $0x2800  }
0xd2: {  	s26 =	smov.u32 s30;
	[sflag:s20] =	ssyncset.done $0x0  }
0xd3: {  	s26 =	sadd.s32 s25, s18;
	[sflag:s20] =	ssyncadd.s32 $0xFFFFD800  }
0xd4: {  	[tilespmem:s3], [sflag:$0x2] =	stream.linear.gather [hbm4b:s26+s3], $0x50, $0x38;
	[tilespmem:$0x16180] =	vst v63  }
0xd5: {  	_ =	swait.ge [sflag:s20], $0x50  }
0xd6: {  	[sflag:s20] =	ssyncset.done $0x0  }
0xd7: {  	s26 =	sadd.s32 s25, s17;
	[sflag:s20] =	ssyncadd.s32 $0xFFFFFFB0  }
0xd8: {  	[tilespmem:s21], [sflag:$0x2] =	stream.linear.gather [hbm4b:s26+s3], $0x50, $0x38;
	[tilespmem:$0x16180] =	vst v63  }
0xd9: {  	_ =	swait.ge [sflag:s20], $0x50  }
0xda: {  	[sflag:s20] =	ssyncset.done $0x0  }
0xdb: {  	[sflag:s20] =	ssyncadd.s32 $0xFFFFFFB0  }
0xdc: {  	[tilespmem:s19], [sflag:$0x1] =	stream.indirect.gather [hbm4b:s5+s22], $0x80, s3, s22, $0xb8;
	[tilespmem:$0x16180] =	vst v63  }
0xdd: {  	_ =	swait.ge [sflag:s23], $0x2800  }
0xde: {  	[sflag:s23] =	ssyncset.done $0x0  }
0xdf: {  	[sflag:s23] =	ssyncadd.s32 $0xFFFFD800  }
0xe0: {  	[spmem:s2] =	stream.indirect.scatter.add.f32 [tilespmem:s19], [sflag:$0x2], $0x80, s21, s22, $0xb8;
	[tilespmem:$0x16180] =	vst v63  }
0xe1: {  	_ =	swait.ge [sflag:s20], $0x2800  }
0xe2: {  	[sflag:s20] =	ssyncset.done $0x0  }
0xe3: {  	[sflag:s20] =	ssyncadd.s32 $0xFFFFD800  }
0xe4: {  	s28 =	sshll.u32 s1, $0x6;
	[bflag:$0x0] =	sbarrier.arrive $0xFFFF  }
0xe5: {  	s29 =	sshrl.u32 s9, $0x3;
	s25 =	sor.u32 $0x1C02, s28;
	s28 =	rddreg [dreg:$0x4]  }
0xe6: {  	[hbm:s28], [sflag:s25] =	dma.local [spmem:s29], $0x500  }
0xe7: {  	_ =	swait.ge [sflag:s20], $0x500  }
0xe8: {  	[sflag:s20] =	ssyncset.done $0x0  }
0xe9: {  	s30 =	sshrl.u32 s10, $0x3;
	s29 =	rddreg [dreg:$0x6];
	[sflag:s20] =	ssyncadd.s32 $0xFFFFFB00  }
0xea: {  	[hbm:s29], [sflag:s25] =	dma.local [spmem:s30], $0x500  }
0xeb: {  	_ =	swait.ge [sflag:s20], $0x500  }
0xec: {  	[sflag:s20] =	ssyncset.done $0x0  }
0xed: {  	s30 =	sshrl.u32 s11, $0x3;
	s29 =	rddreg [dreg:$0x8];
	[sflag:s20] =	ssyncadd.s32 $0xFFFFFB00  }
0xee: {  	[hbm:s29], [sflag:s25] =	dma.local [spmem:s30], $0x500  }
0xef: {  	_ =	swait.ge [sflag:s20], $0x500  }
0xf0: {  	[sflag:s20] =	ssyncset.done $0x0  }
0xf1: {  	s30 =	sshrl.u32 s12, $0x3;
	s29 =	rddreg [dreg:$0xa];
	[sflag:s20] =	ssyncadd.s32 $0xFFFFFB00  }
0xf2: {  	[hbm:s29], [sflag:s25] =	dma.local [spmem:s30], $0x500  }
0xf3: {  	_ =	swait.ge [sflag:s20], $0x500  }
0xf4: {  	[sflag:s20] =	ssyncset.done $0x0  }
0xf5: {  	s30 =	sshrl.u32 s13, $0x3;
	s29 =	rddreg [dreg:$0xc];
	[sflag:s20] =	ssyncadd.s32 $0xFFFFFB00  }
0xf6: {  	[hbm:s29], [sflag:s25] =	dma.local [spmem:s30], $0x500  }
0xf7: {  	_ =	swait.ge [sflag:s20], $0x500  }
0xf8: {  	[sflag:s20] =	ssyncset.done $0x0  }
0xf9: {  	s30 =	sshrl.u32 s14, $0x3;
	s29 =	rddreg [dreg:$0xe];
	[sflag:s20] =	ssyncadd.s32 $0xFFFFFB00  }
0xfa: {  	[hbm:s29], [sflag:s25] =	dma.local [spmem:s30], $0x500  }
0xfb: {  	_ =	swait.ge [sflag:s20], $0x500  }
0xfc: {  	[sflag:s20] =	ssyncset.done $0x0  }
0xfd: {  	s30 =	sshrl.u32 s15, $0x3;
	[sflag:s20] =	ssyncadd.s32 $0xFFFFFB00  }
0xfe: {  	[hbm:s31], [sflag:s25] =	dma.local [spmem:s30], $0x500  }
.Ltmp8:
0xff: {  	_ = 	snop;
	(pc) =	sbr.rel @p1 .LBB2_11-.Ltmp8, $4  }
.Ltmp9:
0x100: {  	_ = 	snop;
	(pc) =	sbr.rel @!p1 .LBB2_10-.Ltmp9, $4  }
0x101: {  	_ =	swait.ge [sflag:s20], $0x500  }
0x102: {  	[sflag:s20] =	ssyncset.done $0x0  }
0x103: {  	s25 =	smov.u32 s7;
	[sflag:s20] =	ssyncadd.s32 $0xFFFFFB00  }
0x104: {  	_ = 	snop  }
.LBB2_12:
0x105: {  	_ =	sfence.sel $0x180000  }
0x106: {  	[bflag:$0x0] =	sbarrier.arrive $0xFFFF  }
0x107: {  	_ =	strace $0x90000047  }
0x108: {  	[bflag:$0x2] =	sbarrier.arrive $0xFFFF  }
0x109: {  	p0 =	sne.s32 s1, $0x0;
	s0 =	rddreg [dreg:$0x2]  }
0x10a: {  	s0 =	sadd.s32 @!p0 $0x100000, s0  }
0x10b: {  	[sflag:s0] =	ssyncadd.tile.s32 @!p0 $0x1;
	_ =	shalt  }
.Lfunc_end2:
_tile_overlayer_lowered:
.L_overlay_start_2:
0x10c: {  	(tag) =	ssettag $0x2  }
0x10d: {  	s0 =	rddreg [dreg:$0x0];
	s2 =	stileid.u32  }
0x10e: {  	s1 =	rddreg [dreg:$0x1];
	p0 =	sne.s32 s2, $0x0  }
0x10f: {  	s3 =	rddreg [dreg:$0x2];
	[bflag:$0x3] =	sbarrier.arrive $0xFFFF;
	s2 =	simm.s32 @!p0 $0x1C02  }
0x110: {  	[timem:s3], [sflag:s2] =	dma.local @!p0 [hbm:s0], s1  }
0x111: {  	s0 =	simm.s32 @!p0 $0x2  }
0x112: {  	_ =	swait.ge @!p0 [sflag:s0], s1  }
0x113: {  	s1 =	ssub.s32 @!p0 $0x0, s1;
	[sflag:s0] =	ssyncset.done @!p0 $0x0  }
0x114: {  	[sflag:s0] =	ssyncadd.s32 @!p0 s1  }
0x115: {  	[bflag:$0x3] =	sbarrier.arrive $0xFFFF  }
0x116: {  	_ =	shalt  }

// kernel: kernel.18.cloned.1.call-start
scs
__scs_entry_jumppad:
0x0: {  	(pc) =	sbr.rel $0x88, $3  }
0x1: {  	(tag) =	ssettag $0x0;
	lr =	simm.s32 $0x1  }
0x2: {  	[smem:$0x3F7F] =	sst lr;
	_ =	strace $0xD0000000  }
0x3: {  	_ = 	snop  }
0x4: {  	_ = 	snop  }
0x5: {  	_ = 	snop  }
0x6: {  	_ = 	snop  }
0x7: {  	_ = 	snop  }
__scs_overlays_trampoline_lowered:
0x8: {  	[smem:$0x3F8E] =	sst s0  }
0x9: {  	[smem:$0x3F8F] =	sst s1  }
0xa: {  	[smem:$0x3F90] =	sst s2  }
0xb: {  	[smem:$0x3F91] =	sst s3  }
0xc: {  	[smem:$0x3F92] =	sst s4  }
0xd: {  	[smem:$0x3F93] =	sst s5  }
0xe: {  	[smem:$0x3F94] =	sst s6  }
0xf: {  	[smem:$0x3F95] =	sst s7  }
0x10: {  	[smem:$0x3F96] =	sst s8  }
0x11: {  	[smem:$0x3F97] =	sst s9;
	s0 =	simm.s32 @!p0 $0x0  }
0x12: {  	s1 =	sld [smem:$0x3F7D];
	s0 =	simm.s32 @p0 $0x1  }
0x13: {  	[smem:$0x3F98] =	sst s0;
	s0 =	simm.s32 @!p1 $0x0  }
0x14: {  	s2 =	sld [smem:$0x3F7C];
	s0 =	simm.s32 @p1 $0x1  }
0x15: {  	[smem:$0x3F99] =	sst s0;
	s0 =	simm.s32 @!p2 $0x0  }
0x16: {  	s3 =	sld [smem:$0x3FDB];
	s0 =	simm.s32 @p2 $0x1  }
0x17: {  	s4 =	simm.s32 $0x1BF5;
	[smem:$0x3F9B] =	sst s0  }
0x18: {  	s0 =	sld [smem:$0x3F7E];
	_ =	swait.ge [sflag:s4], $0x0  }
0x19: {  	s7 =	sld [smem:$0x3F7F]  }
0x1a: {  	s8 =	sadd.s32 $0xFFFFE003, lr  }
0x1b: {  	s9 =	sadd.s32 $0xFFFFFEF7, lr;
	s5 =	simm.s32 $0xFFFFFFFF;
	p2 =	slt.u32 s8, $0xFFFFF086  }
0x1c: {  	p1 =	slt.u32 s9, $0xF7A;
	s5 =	simm.s32 @!p2 $0x0  }
0x1d: {  	s5 =	simm.s32 @p1 $0x1;
	p0 =	seq.s32 s7, s2  }
0x1e: {  	s7 =	smul.u32 @!p0 $0xF7A, s2;
	p2 =	seq.s32 @!p0 s5, $0x0  }
0x1f: {  	s9 =	smul.u32 $0xF7A, s1;
	s8 =	simm.s32 @!p0 $0x1BF5;
	p2 =	por !p2, p0  }
0x20: {  	[sflag:s8] =	ssyncset.s32 @!p0 $0xFFFFF086;
	s6 =	sadd.s32 @!p0 s3, s7;
	s7 =	simm.s32 @!p0 $0x108  }
0x21: {  	s3 =	sadd.s32 s3, s9;
	s6 =	sadd.s32 @!p0 $0x88, s6;
	s7 =	simm.s32 @p2 $0x1082  }
0x22: {  	[simem:s7], [sflag:s8] =	dma.local @!p0 [hbm:s6], $0xF7A  }
0x23: {  	s9 =	sor.u32 $0xD0000000, s2;
	s6 =	simm.s32 $0x108;
	_ =	swait.ge @!p0 [sflag:s8], $0x0  }
0x24: {  	s3 =	sadd.s32 $0x88, s3;
	s6 =	simm.s32 @!p1 $0x1082;
	[sflag:s4] =	ssyncset.s32 $0xFFFFF086  }
0x25: {  	[simem:s6], [sflag:s4] =	dma.local [hbm:s3], $0xF7A  }
0x26: {  	[smem:$0x3F7F] =	sst s1;
	(tag) =	ssettag s2;
	_ =	strace s9  }
0x27: {  	s1 =	sld [smem:$0x3F8F]  }
0x28: {  	s2 =	sld [smem:$0x3F90]  }
0x29: {  	s4 =	sld [smem:$0x3F92]  }
0x2a: {  	p0 =	seq.s32 s5, $0x0;
	s5 =	sld [smem:$0x3F93]  }
0x2b: {  	s6 =	sld [smem:$0x3F94]  }
0x2c: {  	s7 =	sld [smem:$0x3F95]  }
0x2d: {  	s3 =	simm.s32 $0x108;
	s8 =	sld [smem:$0x3F96]  }
0x2e: {  	s3 =	simm.s32 @!p0 $0x1082;
	s9 =	sld [smem:$0x3F97]  }
0x2f: {  	lr =	sadd.s32 s0, s3;
	s0 =	sld [smem:$0x3F8E]  }
0x30: {  	s3 =	sld [smem:$0x3F91]  }
0x31: {  	[smem:$0x3F9A] =	sst s10  }
0x32: {  	s10 =	sld [smem:$0x3F98];
	_ =	sdelay $0x3  }
0x33: {  	p0 =	seq.s32 s10, $0x1;
	s10 =	sld [smem:$0x3F9A];
	_ =	sdelay $0x3  }
0x34: {  	[smem:$0x3F9A] =	sst s10  }
0x35: {  	s10 =	sld [smem:$0x3F99];
	_ =	sdelay $0x3  }
0x36: {  	p1 =	seq.s32 s10, $0x1;
	s10 =	sld [smem:$0x3F9A];
	_ =	sdelay $0x3  }
0x37: {  	[smem:$0x3F9A] =	sst s10  }
0x38: {  	s10 =	sld [smem:$0x3F9B]  }
0x39: {  	_ = 	snop;
	(pc) =	sbr.ind lr, $3  }
0x3a: {  	_ = 	snop  }
0x3b: {  	_ = 	snop  }
0x3c: {  	p2 =	seq.s32 s10, $0x1;
	s10 =	sld [smem:$0x3F9A]  }
0x3d: {  	_ =	shalt  }
0x3e: {  	_ =	shalt  }
0x3f: {  	_ =	shalt  }
0x40: {  	_ =	shalt  }
0x41: {  	_ =	shalt  }
0x42: {  	_ =	shalt  }
0x43: {  	_ =	shalt  }
0x44: {  	_ =	shalt  }
0x45: {  	_ =	shalt  }
0x46: {  	_ =	shalt  }
0x47: {  	_ =	shalt  }
0x48: {  	_ =	shalt  }
0x49: {  	_ =	shalt  }
0x4a: {  	_ =	shalt  }
0x4b: {  	_ =	shalt  }
0x4c: {  	_ =	shalt  }
0x4d: {  	_ =	shalt  }
0x4e: {  	_ =	shalt  }
0x4f: {  	_ =	shalt  }
0x50: {  	_ =	shalt  }
0x51: {  	_ =	shalt  }
0x52: {  	_ =	shalt  }
0x53: {  	_ =	shalt  }
0x54: {  	_ =	shalt  }
0x55: {  	_ =	shalt  }
0x56: {  	_ =	shalt  }
0x57: {  	_ =	shalt  }
0x58: {  	_ =	shalt  }
0x59: {  	_ =	shalt  }
0x5a: {  	_ =	shalt  }
0x5b: {  	_ =	shalt  }
0x5c: {  	_ =	shalt  }
0x5d: {  	_ =	shalt  }
0x5e: {  	_ =	shalt  }
0x5f: {  	_ =	shalt  }
0x60: {  	_ =	shalt  }
0x61: {  	_ =	shalt  }
0x62: {  	_ =	shalt  }
0x63: {  	_ =	shalt  }
0x64: {  	_ =	shalt  }
0x65: {  	_ =	shalt  }
0x66: {  	_ =	shalt  }
0x67: {  	_ =	shalt  }
0x68: {  	_ =	shalt  }
0x69: {  	_ =	shalt  }
0x6a: {  	_ =	shalt  }
0x6b: {  	_ =	shalt  }
0x6c: {  	_ =	shalt  }
0x6d: {  	_ =	shalt  }
0x6e: {  	_ =	shalt  }
0x6f: {  	_ =	shalt  }
0x70: {  	_ =	shalt  }
0x71: {  	_ =	shalt  }
0x72: {  	_ =	shalt  }
0x73: {  	_ =	shalt  }
0x74: {  	_ =	shalt  }
0x75: {  	_ =	shalt  }
0x76: {  	_ =	shalt  }
0x77: {  	_ =	shalt  }
0x78: {  	_ =	shalt  }
0x79: {  	_ =	shalt  }
0x7a: {  	_ =	shalt  }
0x7b: {  	_ =	shalt  }
0x7c: {  	_ =	shalt  }
0x7d: {  	_ =	shalt  }
0x7e: {  	_ =	shalt  }
0x7f: {  	_ =	shalt  }
0x80: {  	_ =	shalt  }
0x81: {  	_ =	shalt  }
0x82: {  	_ =	shalt  }
0x83: {  	_ =	shalt  }
0x84: {  	_ =	shalt  }
0x85: {  	_ =	shalt  }
0x86: {  	_ =	shalt  }
0x87: {  	_ =	shalt  }
.Lfunc_end0:
.L_simem_size_0:
called_computation.1_lowered:
.L_overlay_start_0:
0x88: {  	s2 =	sld [smem:$0x3FD9]  }
0x89: {  	s3 =	sld [smem:$0x3FFE];
	_ =	sdelay $0x1  }
0x8a: {  	s1 =	srdreg.scid  }
0x8b: {  	s0 =	sand.u32 $0x1, s1  }
0x8c: {  	s16 =	sshll.u32 s0, $0xA;
	s2 =	sadd.s32 s3, s2  }
0x8d: {  	s2 =	sadd.s32 s2, s16  }
0x8e: {  	[smem:$0x3FA6] =	sst s2  }
0x8f: {  	_ = 	snop  }
0x90: {  	(tm) =	ssettm $0x1  }
0x91: {  	s17 =	sld [smem:$0x3FFB];
	_ =	sdelay $0x3  }
0x92: {  	_ =	strace s17  }
0x93: {  	s2 =	sld [smem:$0x3FFC];
	_ =	sdelay $0x3  }
0x94: {  	_ =	strace s2  }
0x95: {  	s2 =	sld [smem:$0x3FFD];
	_ =	sdelay $0x3  }
0x96: {  	_ =	strace s2  }
0x97: {  	_ =	strace $0x8FFFFFFF  }
0x98: {  	s18 =	sld [smem:$0x3FDB];
	_ =	sdelay $0x1  }
0x99: {  	s19 =	simm.s32 $_scs_section_size  }
0x9a: {  	s4 =	simm.s32 $_size__tile_overlayer_lowered;
	s5 =	simm.s32 $_tile_overlayer_lowered  }
0x9b: {  	s22 =	simm.s32 $0x1BFF;
	s21 =	sshll.u32 s5, $0x1;
	s2 =	sadd.s32 s19, s18  }
0x9c: {  	s6 =	simm.s32 $0x0;
	s20 =	sshll.u32 s4, $0x1;
	s4 =	sadd.s32 s21, s2  }
0x9d: {  	[timem:s6], [sflag:s22] =	dma.local [hbm:s4], s20  }
0x9e: {  	_ =	swait.ge [sflag:s22], s20  }
0x9f: {  	s3 =	ssub.s32 $0x0, s20;
	[sflag:s22] =	ssyncset.done $0x0  }
0xa0: {  	[sflag:s22] =	ssyncadd.s32 s3;
	_ =	sdelay $0x1  }
0xa1: {  	s23 =	simm.s32 $0x1B8B  }
0xa2: {  	_ =	swait.ge [sflag:s23], $0x1  }
0xa3: {  	[sflag:s23] =	ssyncset.done $0x0  }
0xa4: {  	s25 =	simm.s32 $0x1B8E;
	s24 =	sld [smem:$0x3FFE];
	[sflag:s23] =	ssyncadd.s32 $0xFFFFFFFF  }
0xa5: {  	s26 =	simm.s32 $execute0_lowered;
	[smem:$0x3FD2] =	sst s25  }
0xa6: {  	s4 =	sshll.u32 s26, $0x1;
	_ =	strace $0x80000049;
	[dreg:$0x1] =	wrdreg $0xFFFFFFFF  }
0xa7: {  	s28 =	simm.s32 $_size_execute0_lowered;
	s2 =	sadd.s32 s2, s4;
	[dreg:$0x0] =	wrdreg $0x0  }
0xa8: {  	s4 =	sshll.u32 s28, $0x1;
	[dreg:$0x2] =	wrdreg s2  }
0xa9: {  	[dreg:$0x3] =	wrdreg s4  }
0xaa: {  	[dreg:$0x4] =	wrdreg $0xC0  }
0xab: {  	_ =	task [dreg:s6], $0x5FFFF  }
0xac: {  	[dreg:$0x1] =	wrdreg $0xFFFFFFFF  }
0xad: {  	[dreg:$0x0] =	wrdreg $0x60  }
0xae: {  	[dreg:$0x2] =	wrdreg s24  }
0xaf: {  	[dreg:$0x3] =	wrdreg $0x29000  }
0xb0: {  	[dreg:$0x4] =	wrdreg $0x9  }
0xb1: {  	_ =	task.clear_ibuf [dreg:s6], $0x5FFFF;
	_ =	strace $0x90000049  }
0xb2: {  	s29 =	simm.s32 $0x9;
	_ =	strace $0x8000004B  }
0xb3: {  	_ =	swait.ge [sflag:s29], $0x1  }
0xb4: {  	[sflag:s29] =	ssyncadd.s32 $0xFFFFFFFF  }
0xb5: {  	_ =	strace $0x9000004B  }
0xb6: {  	_ =	sfence  }
0xb7: {  	s30 =	sld [smem:$0x0];
	_ =	sdelay $0x2  }
0xb8: {  	s31 =	sshll.u32 s1, $0xD;
	s1 =	sshrl.u32 s1, $0x2  }
0xb9: {  	s3 =	sand.u32 $0x4000, s31;
	s1 =	sadd.s32 s1, s30  }
0xba: {  	s0 =	sor.u32 s3, s0;
	s1 =	sshll.u32 s1, $0x11  }
0xbb: {  	s0 =	sor.u32 s1, s0  }
0xbc: {  	s0 =	sadd.s32 $0x8F2B, s0  }
0xbd: {  	[sflag:s0] =	ssyncadd.remote.s32 $0x1  }
0xbe: {  	_ =	sfence.sel $0xFFFF  }
0xbf: {  	[dreg:$0x0] =	wrdreg $0xFFFFFFFF;
	(pc) =	sbr.abs _section_cstart, $3  }
0xc0: {  	[dreg:$0x1] =	wrdreg $0xFFFFFFFF  }
0xc1: {  	_ =	task.clear_ibuf [dreg:s6], $0x2FFFF;
	_ =	strace $0x9FFFFFFF  }
0xc2: {  	(tm) =	ssettm $0x7FFFFFFF  }
0xc3: {  	_ =	shalt  }
tec
execute0_lowered:
.L_overlay_start_1:
0x0: {  	(tag) =	ssettag $0x1  }
0x1: {  	s1 =	stileid.u32  }
0x2: {  	s6 =	smul.u32 $0x9C4, s1  }
0x3: {  	s9 =	smul.u32 $0xA000, s1;
	s12 =	sor.u32 $0x10, s1  }
0x4: {  	s13 =	sor.u32 $0x20, s1;
	s10 =	smul.u32 $0xA000, s12  }
0x5: {  	s0 =	rddreg [dreg:$0x0];
	s15 =	sor.u32 $0x30, s1;
	s14 =	smul.u32 $0xA000, s13  }
0x6: {  	s2 =	rddreg [dreg:$0x1];
	s17 =	sor.u32 $0x40, s1;
	s16 =	smul.u32 $0xA000, s15  }
0x7: {  	s3 =	simm.s32 $0x0;
	s20 =	sor.u32 $0x50, s1;
	s19 =	smul.u32 $0xA000, s17  }
0x8: {  	s25 =	srdreg.scid;
	s22 =	sor.u32 $0x60, s1;
	s21 =	smul.u32 $0xA000, s20  }
0x9: {  	[smem:$0x7FF] =	sst s3;
	s4 =	sadd.s32 $0x1C400, s0;
	s23 =	smul.u32 $0xA000, s22  }
0xa: {  	s5 =	sadd.s32 $0x43600, s0;
	s7 =	sadd.s32 $0x91A00, s0;
	s17 =	smul.u32 $0x500, s17  }
0xb: {  	s24 =	sor.u32 $0x70, s1;
	_ =	strace $0x8000004A;
	s20 =	smul.u32 $0x500, s20  }
0xc: {  	s22 =	smul.u32 $0x500, s22;
	p1 =	sgt.u32 s24, $0x7C;
	s18 =	sadd.s32 s6, s0  }
0xd: {  	s6 =	sadd.s32 $0x6A800, s0;
	s0 =	sand.u32 $0x1, s25;
	s25 =	smul.u32 $0xA000, s24  }
0xe: {  	p2 =	slt.u32 s24, $0x7D;
	s9 =	sshrl.u32 s9, $0x2;
	s24 =	smul.u32 $0x500, s24  }
0xf: {  	s8 =	ssub.s32 $0x2, s0;
	s10 =	sshrl.u32 s10, $0x2;
	s9 =	sadd.s32 s9, s2  }
0x10: {  	s26 =	sshrl.u32 s14, $0x2;
	p0 =	sne.s32 s0, $0x0;
	s0 =	smul.u32 $0x500, s1  }
0x11: {  	s28 =	sshrl.u32 s16, $0x2;
	s29 =	sshrl.u32 s19, $0x2;
	s19 =	smul.u32 $0x500, s13  }
0x12: {  	s30 =	sshrl.u32 s21, $0x2;
	s21 =	smul.u32 $0x500, s15;
	s16 =	sshrl.u32 s23, $0x2  }
0x13: {  	s31 =	sadd.s32 s7, s22;
	s11 =	sshrl.u32 s8, $0x1;
	s10 =	sadd.s32 s10, s2  }
0x14: {  	s13 =	sadd.s32 s29, s2;
	s14 =	sadd.s32 s30, s2;
	s15 =	sadd.s32 s16, s2  }
0x15: {  	s23 =	sshrl.u32 s25, $0x2;
	[dreg:$0x3] =	wrdreg s24;
	s8 =	ssub.s32 s8, s11  }
0x16: {  	s11 =	sadd.s32 s26, s2;
	s26 =	smul.u32 $0x500, s12;
	s25 =	sadd.s32 s7, s0  }
0x17: {  	s12 =	sadd.s32 s28, s2;
	s0 =	sadd.s32 s6, s0;
	[dreg:$0x4] =	wrdreg s25  }
0x18: {  	s16 =	sadd.s32 s23, s2;
	s30 =	sadd.s32 s7, s19;
	[dreg:$0x5] =	wrdreg s0  }
0x19: {  	s23 =	sadd.s32 s6, s19;
	s24 =	sadd.s32 s7, s21;
	[dreg:$0x8] =	wrdreg s30  }
0x1a: {  	s19 =	simm.s32 $0x100;
	s8 =	smax.u32 s8, $0x1;
	[dreg:$0x9] =	wrdreg s23  }
0x1b: {  	[dreg:$0xa] =	wrdreg s24;
	s25 =	sadd.s32 s6, s21;
	s30 =	sadd.s32 s6, s20  }
0x1c: {  	s0 =	sadd.s32 s6, s22;
	s21 =	simm.s32 $0x80;
	[dreg:$0xb] =	wrdreg s25  }
0x1d: {  	s22 =	simm.s32 $0x50;
	s28 =	sadd.s32 s7, s26;
	[dreg:$0xf] =	wrdreg s30  }
.Ltmp0:
0x1e: {  	s29 =	sadd.s32 s6, s26;
	[dreg:$0x6] =	wrdreg s28;
	(pc) =	sbr.rel .LBB2_1-.Ltmp0, $4  }
0x1f: {  	s23 =	simm.s32 $0x1;
	s26 =	sadd.s32 s7, s17;
	[dreg:$0x7] =	wrdreg s29  }
0x20: {  	s24 =	simm.s32 $0x0;
	[dreg:$0xc] =	wrdreg s26;
	s28 =	sadd.s32 s6, s17  }
0x21: {  	s29 =	sadd.s32 s7, s20;
	s17 =	sadd.s32 $0x8800, s18;
	[dreg:$0xd] =	wrdreg s28  }
0x22: {  	v0 =	vimm.f32 $0.0e+00;
	s18 =	sadd.s32 $0x12600, s18;
	s20 =	simm.s32 $0x2;
	[dreg:$0xe] =	wrdreg s29  }
.LBB2_10:
0x23: {  	s26 =	sshll.u32 s1, $0x6;
	s28 =	rddreg [dreg:$0x3]  }
0x24: {  	s30 =	sshrl.u32 s16, $0x3;
	s25 =	sadd.s32 s25, s28;
	s26 =	sor.u32 $0x1C02, s26  }
0x25: {  	[hbm:s25], [sflag:s26] =	dma.local [spmem:s30], $0x500  }
0x26: {  	_ =	swait.ge [sflag:s20], $0x500  }
0x27: {  	[sflag:s20] =	ssyncset.done $0x0  }
0x28: {  	[sflag:s20] =	ssyncadd.s32 $0xFFFFFB00  }
.LBB2_11:
0x29: {  	s24 =	sadd.s32 $0x1, s24  }
0x2a: {  	p3 =	sne.s32 s24, s8  }
.Ltmp1:
0x2b: {  	_ = 	snop;
	(pc) =	sbr.rel @!p3 .LBB2_12-.Ltmp1, $1  }
0x2c: {  	_ =	sdelay $0x3  }
.LBB2_1:
0x2d: {  	s25 =	simm.s32 $0x0;
	s26 =	simm.s32 $0x200  }
.LBB2_2:
0x2e: {  	p3 =	sne.s32 s26, $0x9E00;
	[tilespmem:s25+$0x170] =	vst v0  }
0x2f: {  	[tilespmem:s25+$0x100] =	vst v0  }
0x30: {  	[tilespmem:s25+$0x110] =	vst v0  }
.Ltmp2:
0x31: {  	[tilespmem:s25+$0x120] =	vst v0;
	(pc) =	sbr.rel @p3 .LBB2_2-.Ltmp2, $4  }
0x32: {  	[tilespmem:s25+$0x130] =	vst v0  }
0x33: {  	[tilespmem:s25+$0x140] =	vst v0  }
0x34: {  	[tilespmem:s25+$0x150] =	vst v0  }
0x35: {  	[tilespmem:s25+$0x160] =	vst v0;
	s25 =	sshra.s32 s26, $0x2;
	s26 =	sadd.s32 $0x200, s26  }
0x36: {  	[tilespmem:s25+$0x170] =	vst v0  }
0x37: {  	[tilespmem:s25+$0x100] =	vst v0  }
0x38: {  	[tilespmem:s25+$0x110] =	vst v0  }
0x39: {  	[tilespmem:s25+$0x120] =	vst v0  }
0x3a: {  	[tilespmem:s25+$0x130] =	vst v0  }
0x3b: {  	[tilespmem:s25+$0x140] =	vst v0  }
0x3c: {  	[tilespmem:s25+$0x150] =	vst v0  }
0x3d: {  	[tilespmem:s25+$0x160] =	vst v0  }
0x3e: {  	[spmem:s9] =	stream.linear.scatter [tilespmem:s19], [sflag:$0x2], $0x2800, $0x38;
	[tilespmem:$0x16180] =	vst v63  }
0x3f: {  	_ =	swait.ge [sflag:s20], $0x2800  }
0x40: {  	[sflag:s20] =	ssyncset.done $0x0  }
0x41: {  	[sflag:s20] =	ssyncadd.s32 $0xFFFFD800  }
0x42: {  	[spmem:s10] =	stream.linear.scatter [tilespmem:s19], [sflag:$0x2], $0x2800, $0x38;
	[tilespmem:$0x16180] =	vst v63  }
0x43: {  	_ =	swait.ge [sflag:s20], $0x2800  }
0x44: {  	[sflag:s20] =	ssyncset.done $0x0  }
0x45: {  	[sflag:s20] =	ssyncadd.s32 $0xFFFFD800  }
0x46: {  	[spmem:s11] =	stream.linear.scatter [tilespmem:s19], [sflag:$0x2], $0x2800, $0x38;
	[tilespmem:$0x16180] =	vst v63  }
0x47: {  	_ =	swait.ge [sflag:s20], $0x2800  }
0x48: {  	[sflag:s20] =	ssyncset.done $0x0  }
0x49: {  	[sflag:s20] =	ssyncadd.s32 $0xFFFFD800  }
0x4a: {  	[spmem:s12] =	stream.linear.scatter [tilespmem:s19], [sflag:$0x2], $0x2800, $0x38;
	[tilespmem:$0x16180] =	vst v63  }
0x4b: {  	_ =	swait.ge [sflag:s20], $0x2800  }
0x4c: {  	[sflag:s20] =	ssyncset.done $0x0  }
0x4d: {  	[sflag:s20] =	ssyncadd.s32 $0xFFFFD800  }
0x4e: {  	[spmem:s13] =	stream.linear.scatter [tilespmem:s19], [sflag:$0x2], $0x2800, $0x38;
	[tilespmem:$0x16180] =	vst v63  }
0x4f: {  	_ =	swait.ge [sflag:s20], $0x2800  }
0x50: {  	[sflag:s20] =	ssyncset.done $0x0  }
0x51: {  	[sflag:s20] =	ssyncadd.s32 $0xFFFFD800  }
0x52: {  	[spmem:s14] =	stream.linear.scatter [tilespmem:s19], [sflag:$0x2], $0x2800, $0x38;
	[tilespmem:$0x16180] =	vst v63  }
0x53: {  	_ =	swait.ge [sflag:s20], $0x2800  }
0x54: {  	[sflag:s20] =	ssyncset.done $0x0  }
0x55: {  	[sflag:s20] =	ssyncadd.s32 $0xFFFFD800  }
0x56: {  	[spmem:s15] =	stream.linear.scatter [tilespmem:s19], [sflag:$0x2], $0x2800, $0x38;
	[tilespmem:$0x16180] =	vst v63  }
0x57: {  	_ =	swait.ge [sflag:s20], $0x2800  }
0x58: {  	[sflag:s20] =	ssyncset.done $0x0  }
0x59: {  	s25 =	simm.s32 @!p1 $0x100;
	[sflag:s20] =	ssyncadd.s32 $0xFFFFD800  }
0x5a: {  	[spmem:s16] =	stream.linear.scatter @!p1 [tilespmem:s25], [sflag:$0x2], $0x2800, $0x38;
	[tilespmem:$0x16180] =	vst v63  }
0x5b: {  	s25 =	simm.s32 @!p1 $0x2  }
.Ltmp3:
0x5c: {  	_ =	swait.ge @!p1 [sflag:s25], $0x2800;
	(pc) =	sbr.rel @p0 .LBB2_7-.Ltmp3, $4  }
0x5d: {  	[sflag:s25] =	ssyncset.done @!p1 $0x0  }
0x5e: {  	[sflag:s25] =	ssyncadd.s32 @!p1 $0xFFFFD800  }
0x5f: {  	[bflag:$0x0] =	sbarrier.arrive $0xFFFF  }
0x60: {  	s25 =	sadd.s32 $0x0, s18  }
0x61: {  	[tilespmem:s3], [sflag:$0x2] =	stream.linear.gather [hbm4b:s25+s3], $0x50, $0x38;
	[tilespmem:$0x16180] =	vst v63  }
0x62: {  	_ =	swait.ge [sflag:s20], $0x50  }
0x63: {  	[sflag:s20] =	ssyncset.done $0x0  }
0x64: {  	s30 =	sadd.s32 $0x0, s17;
	[sflag:s20] =	ssyncadd.s32 $0xFFFFFFB0  }
0x65: {  	[tilespmem:s21], [sflag:$0x2] =	stream.linear.gather [hbm4b:s30+s3], $0x50, $0x38;
	[tilespmem:$0x16180] =	vst v63  }
0x66: {  	_ =	swait.ge [sflag:s20], $0x50  }
0x67: {  	[sflag:s20] =	ssyncset.done $0x0  }
0x68: {  	[sflag:s20] =	ssyncadd.s32 $0xFFFFFFB0  }
0x69: {  	[tilespmem:s19], [sflag:$0x1] =	stream.indirect.gather [hbm4b:s4+s22], $0x80, s3, s22, $0xb8;
	[tilespmem:$0x16180] =	vst v63  }
0x6a: {  	_ =	swait.ge [sflag:s23], $0x2800  }
0x6b: {  	[sflag:s23] =	ssyncset.done $0x0  }
0x6c: {  	[sflag:s23] =	ssyncadd.s32 $0xFFFFD800  }
0x6d: {  	[spmem:s2] =	stream.indirect.scatter.add.f32 [tilespmem:s19], [sflag:$0x2], $0x80, s21, s22, $0xb8;
	[tilespmem:$0x16180] =	vst v63  }
0x6e: {  	_ =	swait.ge [sflag:s20], $0x2800  }
0x6f: {  	s25 =	simm.s32 $0xA;
	s26 =	simm.s32 $0x14;
	[sflag:s20] =	ssyncset.done $0x0  }
.LBB2_5:
0x70: {  	s28 =	sadd.s32 s25, s18  }
0x71: {  	[sflag:s20] =	ssyncadd.s32 $0xFFFFD800;
	s29 =	smov.u32 s26;
	s30 =	sadd.s32 $0xA, s26  }
0x72: {  	[tilespmem:s3], [sflag:$0x2] =	stream.linear.gather [hbm4b:s28+s3], $0x50, $0x38;
	[tilespmem:$0x16180] =	vst v63  }
0x73: {  	p3 =	seq.s32 s26, $0x9BA;
	_ =	swait.ge [sflag:s20], $0x50  }
0x74: {  	[sflag:s20] =	ssyncset.done $0x0  }
0x75: {  	s26 =	sadd.s32 s25, s17;
	s25 =	smov.u32 s29;
	[sflag:s20] =	ssyncadd.s32 $0xFFFFFFB0  }
0x76: {  	[tilespmem:s21], [sflag:$0x2] =	stream.linear.gather [hbm4b:s26+s3], $0x50, $0x38;
	[tilespmem:$0x16180] =	vst v63  }
0x77: {  	_ =	swait.ge [sflag:s20], $0x50  }
0x78: {  	[sflag:s20] =	ssyncset.done $0x0  }
0x79: {  	[sflag:s20] =	ssyncadd.s32 $0xFFFFFFB0  }
0x7a: {  	[tilespmem:s19], [sflag:$0x1] =	stream.indirect.gather [hbm4b:s4+s22], $0x80, s3, s22, $0xb8;
	[tilespmem:$0x16180] =	vst v63  }
0x7b: {  	_ =	swait.ge [sflag:s23], $0x2800  }
.Ltmp4:
0x7c: {  	[sflag:s23] =	ssyncset.done $0x0;
	(pc) =	sbr.rel @!p3 .LBB2_5-.Ltmp4, $4  }
0x7d: {  	[sflag:s23] =	ssyncadd.s32 $0xFFFFD800  }
0x7e: {  	[spmem:s2] =	stream.indirect.scatter.add.f32 [tilespmem:s19], [sflag:$0x2], $0x80, s21, s22, $0xb8;
	[tilespmem:$0x16180] =	vst v63  }
0x7f: {  	_ =	swait.ge [sflag:s20], $0x2800  }
0x80: {  	s26 =	smov.u32 s30;
	[sflag:s20] =	ssyncset.done $0x0  }
0x81: {  	s26 =	sadd.s32 s25, s18;
	[sflag:s20] =	ssyncadd.s32 $0xFFFFD800  }
0x82: {  	[tilespmem:s3], [sflag:$0x2] =	stream.linear.gather [hbm4b:s26+s3], $0x50, $0x38;
	[tilespmem:$0x16180] =	vst v63  }
0x83: {  	_ =	swait.ge [sflag:s20], $0x50  }
0x84: {  	[sflag:s20] =	ssyncset.done $0x0  }
0x85: {  	s26 =	sadd.s32 s25, s17;
	[sflag:s20] =	ssyncadd.s32 $0xFFFFFFB0  }
0x86: {  	[tilespmem:s21], [sflag:$0x2] =	stream.linear.gather [hbm4b:s26+s3], $0x50, $0x38;
	[tilespmem:$0x16180] =	vst v63  }
0x87: {  	_ =	swait.ge [sflag:s20], $0x50  }
0x88: {  	[sflag:s20] =	ssyncset.done $0x0  }
0x89: {  	[sflag:s20] =	ssyncadd.s32 $0xFFFFFFB0  }
0x8a: {  	[tilespmem:s19], [sflag:$0x1] =	stream.indirect.gather [hbm4b:s4+s22], $0x80, s3, s22, $0xb8;
	[tilespmem:$0x16180] =	vst v63  }
0x8b: {  	_ =	swait.ge [sflag:s23], $0x2800  }
0x8c: {  	[sflag:s23] =	ssyncset.done $0x0  }
0x8d: {  	[sflag:s23] =	ssyncadd.s32 $0xFFFFD800  }
0x8e: {  	[spmem:s2] =	stream.indirect.scatter.add.f32 [tilespmem:s19], [sflag:$0x2], $0x80, s21, s22, $0xb8;
	[tilespmem:$0x16180] =	vst v63  }
0x8f: {  	_ =	swait.ge [sflag:s20], $0x2800  }
0x90: {  	[sflag:s20] =	ssyncset.done $0x0  }
0x91: {  	[sflag:s20] =	ssyncadd.s32 $0xFFFFD800  }
0x92: {  	s28 =	sshll.u32 s1, $0x6;
	[bflag:$0x0] =	sbarrier.arrive $0xFFFF  }
0x93: {  	s29 =	sshrl.u32 s9, $0x3;
	s25 =	sor.u32 $0x1C02, s28;
	s28 =	rddreg [dreg:$0x5]  }
0x94: {  	[hbm:s28], [sflag:s25] =	dma.local [spmem:s29], $0x500  }
0x95: {  	_ =	swait.ge [sflag:s20], $0x500  }
0x96: {  	[sflag:s20] =	ssyncset.done $0x0  }
0x97: {  	s30 =	sshrl.u32 s10, $0x3;
	s29 =	rddreg [dreg:$0x7];
	[sflag:s20] =	ssyncadd.s32 $0xFFFFFB00  }
0x98: {  	[hbm:s29], [sflag:s25] =	dma.local [spmem:s30], $0x500  }
0x99: {  	_ =	swait.ge [sflag:s20], $0x500  }
0x9a: {  	[sflag:s20] =	ssyncset.done $0x0  }
0x9b: {  	s30 =	sshrl.u32 s11, $0x3;
	s29 =	rddreg [dreg:$0x9];
	[sflag:s20] =	ssyncadd.s32 $0xFFFFFB00  }
0x9c: {  	[hbm:s29], [sflag:s25] =	dma.local [spmem:s30], $0x500  }
0x9d: {  	_ =	swait.ge [sflag:s20], $0x500  }
0x9e: {  	[sflag:s20] =	ssyncset.done $0x0  }
0x9f: {  	s30 =	sshrl.u32 s12, $0x3;
	s29 =	rddreg [dreg:$0xb];
	[sflag:s20] =	ssyncadd.s32 $0xFFFFFB00  }
0xa0: {  	[hbm:s29], [sflag:s25] =	dma.local [spmem:s30], $0x500  }
0xa1: {  	_ =	swait.ge [sflag:s20], $0x500  }
0xa2: {  	[sflag:s20] =	ssyncset.done $0x0  }
0xa3: {  	s30 =	sshrl.u32 s13, $0x3;
	s29 =	rddreg [dreg:$0xd];
	[sflag:s20] =	ssyncadd.s32 $0xFFFFFB00  }
0xa4: {  	[hbm:s29], [sflag:s25] =	dma.local [spmem:s30], $0x500  }
0xa5: {  	_ =	swait.ge [sflag:s20], $0x500  }
0xa6: {  	[sflag:s20] =	ssyncset.done $0x0  }
0xa7: {  	s30 =	sshrl.u32 s14, $0x3;
	s29 =	rddreg [dreg:$0xf];
	[sflag:s20] =	ssyncadd.s32 $0xFFFFFB00  }
0xa8: {  	[hbm:s29], [sflag:s25] =	dma.local [spmem:s30], $0x500  }
0xa9: {  	_ =	swait.ge [sflag:s20], $0x500  }
0xaa: {  	[sflag:s20] =	ssyncset.done $0x0  }
0xab: {  	s30 =	sshrl.u32 s15, $0x3;
	[sflag:s20] =	ssyncadd.s32 $0xFFFFFB00  }
0xac: {  	[hbm:s0], [sflag:s25] =	dma.local [spmem:s30], $0x500  }
.Ltmp5:
0xad: {  	_ = 	snop;
	(pc) =	sbr.rel @p2 .LBB2_10-.Ltmp5, $4  }
.Ltmp6:
0xae: {  	_ = 	snop;
	(pc) =	sbr.rel @!p2 .LBB2_11-.Ltmp6, $4  }
0xaf: {  	_ =	swait.ge [sflag:s20], $0x500  }
0xb0: {  	[sflag:s20] =	ssyncset.done $0x0  }
0xb1: {  	s25 =	smov.u32 s6;
	[sflag:s20] =	ssyncadd.s32 $0xFFFFFB00  }
0xb2: {  	_ = 	snop  }
.LBB2_7:
0xb3: {  	[tilespmem:s3], [sflag:$0x2] =	stream.linear.gather [hbm4b:s25+s3], $0x50, $0x38;
	[tilespmem:$0x16180] =	vst v63  }
0xb4: {  	_ =	swait.ge [sflag:s20], $0x50  }
0xb5: {  	[sflag:s20] =	ssyncset.done $0x0  }
0xb6: {  	s30 =	sadd.s32 $0x0, s17;
	[sflag:s20] =	ssyncadd.s32 $0xFFFFFFB0  }
0xb7: {  	[tilespmem:s21], [sflag:$0x2] =	stream.linear.gather [hbm4b:s30+s3], $0x50, $0x38;
	[tilespmem:$0x16180] =	vst v63  }
0xb8: {  	_ =	swait.ge [sflag:s20], $0x50  }
0xb9: {  	[sflag:s20] =	ssyncset.done $0x0  }
0xba: {  	[sflag:s20] =	ssyncadd.s32 $0xFFFFFFB0  }
0xbb: {  	[tilespmem:s19], [sflag:$0x1] =	stream.indirect.gather [hbm4b:s5+s22], $0x80, s3, s22, $0xb8;
	[tilespmem:$0x16180] =	vst v63  }
0xbc: {  	_ =	swait.ge [sflag:s23], $0x2800  }
0xbd: {  	[sflag:s23] =	ssyncset.done $0x0  }
0xbe: {  	[sflag:s23] =	ssyncadd.s32 $0xFFFFD800  }
0xbf: {  	[spmem:s2] =	stream.indirect.scatter.add.f32 [tilespmem:s19], [sflag:$0x2], $0x80, s21, s22, $0xb8;
	[tilespmem:$0x16180] =	vst v63  }
0xc0: {  	_ =	swait.ge [sflag:s20], $0x2800  }
0xc1: {  	s25 =	simm.s32 $0xA;
	s26 =	simm.s32 $0x14;
	[sflag:s20] =	ssyncset.done $0x0  }
.LBB2_8:
0xc2: {  	s28 =	sadd.s32 s25, s18  }
0xc3: {  	[sflag:s20] =	ssyncadd.s32 $0xFFFFD800;
	s29 =	smov.u32 s26;
	s30 =	sadd.s32 $0xA, s26  }
0xc4: {  	[tilespmem:s3], [sflag:$0x2] =	stream.linear.gather [hbm4b:s28+s3], $0x50, $0x38;
	[tilespmem:$0x16180] =	vst v63  }
0xc5: {  	p3 =	seq.s32 s26, $0x9BA;
	_ =	swait.ge [sflag:s20], $0x50  }
0xc6: {  	[sflag:s20] =	ssyncset.done $0x0  }
0xc7: {  	s26 =	sadd.s32 s25, s17;
	s25 =	smov.u32 s29;
	[sflag:s20] =	ssyncadd.s32 $0xFFFFFFB0  }
0xc8: {  	[tilespmem:s21], [sflag:$0x2] =	stream.linear.gather [hbm4b:s26+s3], $0x50, $0x38;
	[tilespmem:$0x16180] =	vst v63  }
0xc9: {  	_ =	swait.ge [sflag:s20], $0x50  }
0xca: {  	[sflag:s20] =	ssyncset.done $0x0  }
0xcb: {  	[sflag:s20] =	ssyncadd.s32 $0xFFFFFFB0  }
0xcc: {  	[tilespmem:s19], [sflag:$0x1] =	stream.indirect.gather [hbm4b:s5+s22], $0x80, s3, s22, $0xb8;
	[tilespmem:$0x16180] =	vst v63  }
0xcd: {  	_ =	swait.ge [sflag:s23], $0x2800  }
.Ltmp7:
0xce: {  	[sflag:s23] =	ssyncset.done $0x0;
	(pc) =	sbr.rel @!p3 .LBB2_8-.Ltmp7, $4  }
0xcf: {  	[sflag:s23] =	ssyncadd.s32 $0xFFFFD800  }
0xd0: {  	[spmem:s2] =	stream.indirect.scatter.add.f32 [tilespmem:s19], [sflag:$0x2], $0x80, s21, s22, $0xb8;
	[tilespmem:$0x16180] =	vst v63  }
0xd1: {  	_ =	swait.ge [sflag:s20], $0x2800  }
0xd2: {  	s26 =	smov.u32 s30;
	[sflag:s20] =	ssyncset.done $0x0  }
0xd3: {  	s26 =	sadd.s32 s25, s18;
	[sflag:s20] =	ssyncadd.s32 $0xFFFFD800  }
0xd4: {  	[tilespmem:s3], [sflag:$0x2] =	stream.linear.gather [hbm4b:s26+s3], $0x50, $0x38;
	[tilespmem:$0x16180] =	vst v63  }
0xd5: {  	_ =	swait.ge [sflag:s20], $0x50  }
0xd6: {  	[sflag:s20] =	ssyncset.done $0x0  }
0xd7: {  	s26 =	sadd.s32 s25, s17;
	[sflag:s20] =	ssyncadd.s32 $0xFFFFFFB0  }
0xd8: {  	[tilespmem:s21], [sflag:$0x2] =	stream.linear.gather [hbm4b:s26+s3], $0x50, $0x38;
	[tilespmem:$0x16180] =	vst v63  }
0xd9: {  	_ =	swait.ge [sflag:s20], $0x50  }
0xda: {  	[sflag:s20] =	ssyncset.done $0x0  }
0xdb: {  	[sflag:s20] =	ssyncadd.s32 $0xFFFFFFB0  }
0xdc: {  	[tilespmem:s19], [sflag:$0x1] =	stream.indirect.gather [hbm4b:s5+s22], $0x80, s3, s22, $0xb8;
	[tilespmem:$0x16180] =	vst v63  }
0xdd: {  	_ =	swait.ge [sflag:s23], $0x2800  }
0xde: {  	[sflag:s23] =	ssyncset.done $0x0  }
0xdf: {  	[sflag:s23] =	ssyncadd.s32 $0xFFFFD800  }
0xe0: {  	[spmem:s2] =	stream.indirect.scatter.add.f32 [tilespmem:s19], [sflag:$0x2], $0x80, s21, s22, $0xb8;
	[tilespmem:$0x16180] =	vst v63  }
0xe1: {  	_ =	swait.ge [sflag:s20], $0x2800  }
0xe2: {  	[sflag:s20] =	ssyncset.done $0x0  }
0xe3: {  	[sflag:s20] =	ssyncadd.s32 $0xFFFFD800  }
0xe4: {  	s28 =	sshll.u32 s1, $0x6;
	[bflag:$0x0] =	sbarrier.arrive $0xFFFF  }
0xe5: {  	s29 =	sshrl.u32 s9, $0x3;
	s25 =	sor.u32 $0x1C02, s28;
	s28 =	rddreg [dreg:$0x4]  }
0xe6: {  	[hbm:s28], [sflag:s25] =	dma.local [spmem:s29], $0x500  }
0xe7: {  	_ =	swait.ge [sflag:s20], $0x500  }
0xe8: {  	[sflag:s20] =	ssyncset.done $0x0  }
0xe9: {  	s30 =	sshrl.u32 s10, $0x3;
	s29 =	rddreg [dreg:$0x6];
	[sflag:s20] =	ssyncadd.s32 $0xFFFFFB00  }
0xea: {  	[hbm:s29], [sflag:s25] =	dma.local [spmem:s30], $0x500  }
0xeb: {  	_ =	swait.ge [sflag:s20], $0x500  }
0xec: {  	[sflag:s20] =	ssyncset.done $0x0  }
0xed: {  	s30 =	sshrl.u32 s11, $0x3;
	s29 =	rddreg [dreg:$0x8];
	[sflag:s20] =	ssyncadd.s32 $0xFFFFFB00  }
0xee: {  	[hbm:s29], [sflag:s25] =	dma.local [spmem:s30], $0x500  }
0xef: {  	_ =	swait.ge [sflag:s20], $0x500  }
0xf0: {  	[sflag:s20] =	ssyncset.done $0x0  }
0xf1: {  	s30 =	sshrl.u32 s12, $0x3;
	s29 =	rddreg [dreg:$0xa];
	[sflag:s20] =	ssyncadd.s32 $0xFFFFFB00  }
0xf2: {  	[hbm:s29], [sflag:s25] =	dma.local [spmem:s30], $0x500  }
0xf3: {  	_ =	swait.ge [sflag:s20], $0x500  }
0xf4: {  	[sflag:s20] =	ssyncset.done $0x0  }
0xf5: {  	s30 =	sshrl.u32 s13, $0x3;
	s29 =	rddreg [dreg:$0xc];
	[sflag:s20] =	ssyncadd.s32 $0xFFFFFB00  }
0xf6: {  	[hbm:s29], [sflag:s25] =	dma.local [spmem:s30], $0x500  }
0xf7: {  	_ =	swait.ge [sflag:s20], $0x500  }
0xf8: {  	[sflag:s20] =	ssyncset.done $0x0  }
0xf9: {  	s30 =	sshrl.u32 s14, $0x3;
	s29 =	rddreg [dreg:$0xe];
	[sflag:s20] =	ssyncadd.s32 $0xFFFFFB00  }
0xfa: {  	[hbm:s29], [sflag:s25] =	dma.local [spmem:s30], $0x500  }
0xfb: {  	_ =	swait.ge [sflag:s20], $0x500  }
0xfc: {  	[sflag:s20] =	ssyncset.done $0x0  }
0xfd: {  	s30 =	sshrl.u32 s15, $0x3;
	[sflag:s20] =	ssyncadd.s32 $0xFFFFFB00  }
0xfe: {  	[hbm:s31], [sflag:s25] =	dma.local [spmem:s30], $0x500  }
.Ltmp8:
0xff: {  	_ = 	snop;
	(pc) =	sbr.rel @p1 .LBB2_11-.Ltmp8, $4  }
.Ltmp9:
0x100: {  	_ = 	snop;
	(pc) =	sbr.rel @!p1 .LBB2_10-.Ltmp9, $4  }
0x101: {  	_ =	swait.ge [sflag:s20], $0x500  }
0x102: {  	[sflag:s20] =	ssyncset.done $0x0  }
0x103: {  	s25 =	smov.u32 s7;
	[sflag:s20] =	ssyncadd.s32 $0xFFFFFB00  }
0x104: {  	_ = 	snop  }
.LBB2_12:
0x105: {  	_ =	sfence.sel $0x180000  }
0x106: {  	[bflag:$0x0] =	sbarrier.arrive $0xFFFF  }
0x107: {  	_ =	strace $0x9000004A  }
0x108: {  	[bflag:$0x2] =	sbarrier.arrive $0xFFFF  }
0x109: {  	p0 =	sne.s32 s1, $0x0;
	s0 =	rddreg [dreg:$0x2]  }
0x10a: {  	s0 =	sadd.s32 @!p0 $0x100000, s0  }
0x10b: {  	[sflag:s0] =	ssyncadd.tile.s32 @!p0 $0x1;
	_ =	shalt  }
.Lfunc_end2:
_tile_overlayer_lowered:
.L_overlay_start_2:
0x10c: {  	(tag) =	ssettag $0x2  }
0x10d: {  	s0 =	rddreg [dreg:$0x0];
	s2 =	stileid.u32  }
0x10e: {  	s1 =	rddreg [dreg:$0x1];
	p0 =	sne.s32 s2, $0x0  }
0x10f: {  	s3 =	rddreg [dreg:$0x2];
	[bflag:$0x3] =	sbarrier.arrive $0xFFFF;
	s2 =	simm.s32 @!p0 $0x1C02  }
0x110: {  	[timem:s3], [sflag:s2] =	dma.local @!p0 [hbm:s0], s1  }
0x111: {  	s0 =	simm.s32 @!p0 $0x2  }
0x112: {  	_ =	swait.ge @!p0 [sflag:s0], s1  }
0x113: {  	s1 =	ssub.s32 @!p0 $0x0, s1;
	[sflag:s0] =	ssyncset.done @!p0 $0x0  }
0x114: {  	[sflag:s0] =	ssyncadd.s32 @!p0 s1  }
0x115: {  	[bflag:$0x3] =	sbarrier.arrive $0xFFFF  }
0x116: {  	_ =	shalt  }

// kernel: kernel.21.cloned.1.call-start
scs
__scs_entry_jumppad:
0x0: {  	(pc) =	sbr.rel $0x88, $3  }
0x1: {  	(tag) =	ssettag $0x0;
	lr =	simm.s32 $0x1  }
0x2: {  	[smem:$0x3F7F] =	sst lr;
	_ =	strace $0xD0000000  }
0x3: {  	_ = 	snop  }
0x4: {  	_ = 	snop  }
0x5: {  	_ = 	snop  }
0x6: {  	_ = 	snop  }
0x7: {  	_ = 	snop  }
__scs_overlays_trampoline_lowered:
0x8: {  	[smem:$0x3F8E] =	sst s0  }
0x9: {  	[smem:$0x3F8F] =	sst s1  }
0xa: {  	[smem:$0x3F90] =	sst s2  }
0xb: {  	[smem:$0x3F91] =	sst s3  }
0xc: {  	[smem:$0x3F92] =	sst s4  }
0xd: {  	[smem:$0x3F93] =	sst s5  }
0xe: {  	[smem:$0x3F94] =	sst s6  }
0xf: {  	[smem:$0x3F95] =	sst s7  }
0x10: {  	[smem:$0x3F96] =	sst s8  }
0x11: {  	[smem:$0x3F97] =	sst s9;
	s0 =	simm.s32 @!p0 $0x0  }
0x12: {  	s1 =	sld [smem:$0x3F7D];
	s0 =	simm.s32 @p0 $0x1  }
0x13: {  	[smem:$0x3F98] =	sst s0;
	s0 =	simm.s32 @!p1 $0x0  }
0x14: {  	s2 =	sld [smem:$0x3F7C];
	s0 =	simm.s32 @p1 $0x1  }
0x15: {  	[smem:$0x3F99] =	sst s0;
	s0 =	simm.s32 @!p2 $0x0  }
0x16: {  	s3 =	sld [smem:$0x3FDB];
	s0 =	simm.s32 @p2 $0x1  }
0x17: {  	s4 =	simm.s32 $0x1BF5;
	[smem:$0x3F9B] =	sst s0  }
0x18: {  	s0 =	sld [smem:$0x3F7E];
	_ =	swait.ge [sflag:s4], $0x0  }
0x19: {  	s7 =	sld [smem:$0x3F7F]  }
0x1a: {  	s8 =	sadd.s32 $0xFFFFE003, lr  }
0x1b: {  	s9 =	sadd.s32 $0xFFFFFEF7, lr;
	s5 =	simm.s32 $0xFFFFFFFF;
	p2 =	slt.u32 s8, $0xFFFFF086  }
0x1c: {  	p1 =	slt.u32 s9, $0xF7A;
	s5 =	simm.s32 @!p2 $0x0  }
0x1d: {  	s5 =	simm.s32 @p1 $0x1;
	p0 =	seq.s32 s7, s2  }
0x1e: {  	s7 =	smul.u32 @!p0 $0xF7A, s2;
	p2 =	seq.s32 @!p0 s5, $0x0  }
0x1f: {  	s9 =	smul.u32 $0xF7A, s1;
	s8 =	simm.s32 @!p0 $0x1BF5;
	p2 =	por !p2, p0  }
0x20: {  	[sflag:s8] =	ssyncset.s32 @!p0 $0xFFFFF086;
	s6 =	sadd.s32 @!p0 s3, s7;
	s7 =	simm.s32 @!p0 $0x108  }
0x21: {  	s3 =	sadd.s32 s3, s9;
	s6 =	sadd.s32 @!p0 $0x88, s6;
	s7 =	simm.s32 @p2 $0x1082  }
0x22: {  	[simem:s7], [sflag:s8] =	dma.local @!p0 [hbm:s6], $0xF7A  }
0x23: {  	s9 =	sor.u32 $0xD0000000, s2;
	s6 =	simm.s32 $0x108;
	_ =	swait.ge @!p0 [sflag:s8], $0x0  }
0x24: {  	s3 =	sadd.s32 $0x88, s3;
	s6 =	simm.s32 @!p1 $0x1082;
	[sflag:s4] =	ssyncset.s32 $0xFFFFF086  }
0x25: {  	[simem:s6], [sflag:s4] =	dma.local [hbm:s3], $0xF7A  }
0x26: {  	[smem:$0x3F7F] =	sst s1;
	(tag) =	ssettag s2;
	_ =	strace s9  }
0x27: {  	s1 =	sld [smem:$0x3F8F]  }
0x28: {  	s2 =	sld [smem:$0x3F90]  }
0x29: {  	s4 =	sld [smem:$0x3F92]  }
0x2a: {  	p0 =	seq.s32 s5, $0x0;
	s5 =	sld [smem:$0x3F93]  }
0x2b: {  	s6 =	sld [smem:$0x3F94]  }
0x2c: {  	s7 =	sld [smem:$0x3F95]  }
0x2d: {  	s3 =	simm.s32 $0x108;
	s8 =	sld [smem:$0x3F96]  }
0x2e: {  	s3 =	simm.s32 @!p0 $0x1082;
	s9 =	sld [smem:$0x3F97]  }
0x2f: {  	lr =	sadd.s32 s0, s3;
	s0 =	sld [smem:$0x3F8E]  }
0x30: {  	s3 =	sld [smem:$0x3F91]  }
0x31: {  	[smem:$0x3F9A] =	sst s10  }
0x32: {  	s10 =	sld [smem:$0x3F98];
	_ =	sdelay $0x3  }
0x33: {  	p0 =	seq.s32 s10, $0x1;
	s10 =	sld [smem:$0x3F9A];
	_ =	sdelay $0x3  }
0x34: {  	[smem:$0x3F9A] =	sst s10  }
0x35: {  	s10 =	sld [smem:$0x3F99];
	_ =	sdelay $0x3  }
0x36: {  	p1 =	seq.s32 s10, $0x1;
	s10 =	sld [smem:$0x3F9A];
	_ =	sdelay $0x3  }
0x37: {  	[smem:$0x3F9A] =	sst s10  }
0x38: {  	s10 =	sld [smem:$0x3F9B]  }
0x39: {  	_ = 	snop;
	(pc) =	sbr.ind lr, $3  }
0x3a: {  	_ = 	snop  }
0x3b: {  	_ = 	snop  }
0x3c: {  	p2 =	seq.s32 s10, $0x1;
	s10 =	sld [smem:$0x3F9A]  }
0x3d: {  	_ =	shalt  }
0x3e: {  	_ =	shalt  }
0x3f: {  	_ =	shalt  }
0x40: {  	_ =	shalt  }
0x41: {  	_ =	shalt  }
0x42: {  	_ =	shalt  }
0x43: {  	_ =	shalt  }
0x44: {  	_ =	shalt  }
0x45: {  	_ =	shalt  }
0x46: {  	_ =	shalt  }
0x47: {  	_ =	shalt  }
0x48: {  	_ =	shalt  }
0x49: {  	_ =	shalt  }
0x4a: {  	_ =	shalt  }
0x4b: {  	_ =	shalt  }
0x4c: {  	_ =	shalt  }
0x4d: {  	_ =	shalt  }
0x4e: {  	_ =	shalt  }
0x4f: {  	_ =	shalt  }
0x50: {  	_ =	shalt  }
0x51: {  	_ =	shalt  }
0x52: {  	_ =	shalt  }
0x53: {  	_ =	shalt  }
0x54: {  	_ =	shalt  }
0x55: {  	_ =	shalt  }
0x56: {  	_ =	shalt  }
0x57: {  	_ =	shalt  }
0x58: {  	_ =	shalt  }
0x59: {  	_ =	shalt  }
0x5a: {  	_ =	shalt  }
0x5b: {  	_ =	shalt  }
0x5c: {  	_ =	shalt  }
0x5d: {  	_ =	shalt  }
0x5e: {  	_ =	shalt  }
0x5f: {  	_ =	shalt  }
0x60: {  	_ =	shalt  }
0x61: {  	_ =	shalt  }
0x62: {  	_ =	shalt  }
0x63: {  	_ =	shalt  }
0x64: {  	_ =	shalt  }
0x65: {  	_ =	shalt  }
0x66: {  	_ =	shalt  }
0x67: {  	_ =	shalt  }
0x68: {  	_ =	shalt  }
0x69: {  	_ =	shalt  }
0x6a: {  	_ =	shalt  }
0x6b: {  	_ =	shalt  }
0x6c: {  	_ =	shalt  }
0x6d: {  	_ =	shalt  }
0x6e: {  	_ =	shalt  }
0x6f: {  	_ =	shalt  }
0x70: {  	_ =	shalt  }
0x71: {  	_ =	shalt  }
0x72: {  	_ =	shalt  }
0x73: {  	_ =	shalt  }
0x74: {  	_ =	shalt  }
0x75: {  	_ =	shalt  }
0x76: {  	_ =	shalt  }
0x77: {  	_ =	shalt  }
0x78: {  	_ =	shalt  }
0x79: {  	_ =	shalt  }
0x7a: {  	_ =	shalt  }
0x7b: {  	_ =	shalt  }
0x7c: {  	_ =	shalt  }
0x7d: {  	_ =	shalt  }
0x7e: {  	_ =	shalt  }
0x7f: {  	_ =	shalt  }
0x80: {  	_ =	shalt  }
0x81: {  	_ =	shalt  }
0x82: {  	_ =	shalt  }
0x83: {  	_ =	shalt  }
0x84: {  	_ =	shalt  }
0x85: {  	_ =	shalt  }
0x86: {  	_ =	shalt  }
0x87: {  	_ =	shalt  }
.Lfunc_end0:
.L_simem_size_0:
called_computation.2_lowered:
.L_overlay_start_0:
0x88: {  	s2 =	sld [smem:$0x3FD9]  }
0x89: {  	s3 =	sld [smem:$0x3FFE];
	_ =	sdelay $0x1  }
0x8a: {  	s1 =	srdreg.scid  }
0x8b: {  	s0 =	sand.u32 $0x1, s1  }
0x8c: {  	s16 =	sshll.u32 s0, $0xA;
	s2 =	sadd.s32 s3, s2  }
0x8d: {  	s2 =	sadd.s32 s2, s16  }
0x8e: {  	[smem:$0x3FA6] =	sst s2  }
0x8f: {  	_ = 	snop  }
0x90: {  	(tm) =	ssettm $0x1  }
0x91: {  	s17 =	sld [smem:$0x3FFB];
	_ =	sdelay $0x3  }
0x92: {  	_ =	strace s17  }
0x93: {  	s2 =	sld [smem:$0x3FFC];
	_ =	sdelay $0x3  }
0x94: {  	_ =	strace s2  }
0x95: {  	s2 =	sld [smem:$0x3FFD];
	_ =	sdelay $0x3  }
0x96: {  	_ =	strace s2  }
0x97: {  	_ =	strace $0x8FFFFFFF  }
0x98: {  	s18 =	sld [smem:$0x3FDB];
	_ =	sdelay $0x1  }
0x99: {  	s19 =	simm.s32 $_scs_section_size  }
0x9a: {  	s4 =	simm.s32 $_size__tile_overlayer_lowered;
	s5 =	simm.s32 $_tile_overlayer_lowered  }
0x9b: {  	s22 =	simm.s32 $0x1BFF;
	s21 =	sshll.u32 s5, $0x1;
	s2 =	sadd.s32 s19, s18  }
0x9c: {  	s6 =	simm.s32 $0x0;
	s20 =	sshll.u32 s4, $0x1;
	s4 =	sadd.s32 s21, s2  }
0x9d: {  	[timem:s6], [sflag:s22] =	dma.local [hbm:s4], s20  }
0x9e: {  	_ =	swait.ge [sflag:s22], s20  }
0x9f: {  	s3 =	ssub.s32 $0x0, s20;
	[sflag:s22] =	ssyncset.done $0x0  }
0xa0: {  	[sflag:s22] =	ssyncadd.s32 s3;
	_ =	sdelay $0x1  }
0xa1: {  	s23 =	simm.s32 $0x1B8B  }
0xa2: {  	_ =	swait.ge [sflag:s23], $0x1  }
0xa3: {  	[sflag:s23] =	ssyncset.done $0x0  }
0xa4: {  	s25 =	simm.s32 $0x1B8E;
	s24 =	sld [smem:$0x3FFE];
	[sflag:s23] =	ssyncadd.s32 $0xFFFFFFFF  }
0xa5: {  	s26 =	simm.s32 $execute0_lowered;
	[smem:$0x3FD2] =	sst s25  }
0xa6: {  	s4 =	sshll.u32 s26, $0x1;
	_ =	strace $0x8000004C;
	[dreg:$0x1] =	wrdreg $0xFFFFFFFF  }
0xa7: {  	s28 =	simm.s32 $_size_execute0_lowered;
	s2 =	sadd.s32 s2, s4;
	[dreg:$0x0] =	wrdreg $0x0  }
0xa8: {  	s4 =	sshll.u32 s28, $0x1;
	[dreg:$0x2] =	wrdreg s2  }
0xa9: {  	[dreg:$0x3] =	wrdreg s4  }
0xaa: {  	[dreg:$0x4] =	wrdreg $0xC0  }
0xab: {  	_ =	task [dreg:s6], $0x5FFFF  }
0xac: {  	[dreg:$0x1] =	wrdreg $0xFFFFFFFF  }
0xad: {  	[dreg:$0x0] =	wrdreg $0x60  }
0xae: {  	[dreg:$0x2] =	wrdreg s24  }
0xaf: {  	[dreg:$0x3] =	wrdreg $0x29000  }
0xb0: {  	[dreg:$0x4] =	wrdreg $0x9  }
0xb1: {  	_ =	task.clear_ibuf [dreg:s6], $0x5FFFF;
	_ =	strace $0x9000004C  }
0xb2: {  	s29 =	simm.s32 $0x9;
	_ =	strace $0x8000004E  }
0xb3: {  	_ =	swait.ge [sflag:s29], $0x1  }
0xb4: {  	[sflag:s29] =	ssyncadd.s32 $0xFFFFFFFF  }
0xb5: {  	_ =	strace $0x9000004E  }
0xb6: {  	_ =	sfence  }
0xb7: {  	s30 =	sld [smem:$0x0];
	_ =	sdelay $0x2  }
0xb8: {  	s31 =	sshll.u32 s1, $0xD;
	s1 =	sshrl.u32 s1, $0x2  }
0xb9: {  	s3 =	sand.u32 $0x4000, s31;
	s1 =	sadd.s32 s1, s30  }
0xba: {  	s0 =	sor.u32 s3, s0;
	s1 =	sshll.u32 s1, $0x11  }
0xbb: {  	s0 =	sor.u32 s1, s0  }
0xbc: {  	s0 =	sadd.s32 $0x8F2B, s0  }
0xbd: {  	[sflag:s0] =	ssyncadd.remote.s32 $0x1  }
0xbe: {  	_ =	sfence.sel $0xFFFF  }
0xbf: {  	[dreg:$0x0] =	wrdreg $0xFFFFFFFF;
	(pc) =	sbr.abs _section_cstart, $3  }
0xc0: {  	[dreg:$0x1] =	wrdreg $0xFFFFFFFF  }
0xc1: {  	_ =	task.clear_ibuf [dreg:s6], $0x2FFFF;
	_ =	strace $0x9FFFFFFF  }
0xc2: {  	(tm) =	ssettm $0x7FFFFFFF  }
0xc3: {  	_ =	shalt  }
tec
execute0_lowered:
.L_overlay_start_1:
0x0: {  	(tag) =	ssettag $0x1  }
0x1: {  	s1 =	stileid.u32  }
0x2: {  	s6 =	smul.u32 $0x9C4, s1  }
0x3: {  	s9 =	smul.u32 $0xA000, s1;
	s12 =	sor.u32 $0x10, s1  }
0x4: {  	s13 =	sor.u32 $0x20, s1;
	s10 =	smul.u32 $0xA000, s12  }
0x5: {  	s0 =	rddreg [dreg:$0x0];
	s15 =	sor.u32 $0x30, s1;
	s14 =	smul.u32 $0xA000, s13  }
0x6: {  	s2 =	rddreg [dreg:$0x1];
	s17 =	sor.u32 $0x40, s1;
	s16 =	smul.u32 $0xA000, s15  }
0x7: {  	s3 =	simm.s32 $0x0;
	s20 =	sor.u32 $0x50, s1;
	s19 =	smul.u32 $0xA000, s17  }
0x8: {  	s25 =	srdreg.scid;
	s22 =	sor.u32 $0x60, s1;
	s21 =	smul.u32 $0xA000, s20  }
0x9: {  	[smem:$0x7FF] =	sst s3;
	s4 =	sadd.s32 $0x1C400, s0;
	s23 =	smul.u32 $0xA000, s22  }
0xa: {  	s5 =	sadd.s32 $0x43600, s0;
	s7 =	sadd.s32 $0x91A00, s0;
	s17 =	smul.u32 $0x500, s17  }
0xb: {  	s24 =	sor.u32 $0x70, s1;
	_ =	strace $0x8000004D;
	s20 =	smul.u32 $0x500, s20  }
0xc: {  	s22 =	smul.u32 $0x500, s22;
	p1 =	sgt.u32 s24, $0x7C;
	s18 =	sadd.s32 s6, s0  }
0xd: {  	s6 =	sadd.s32 $0x6A800, s0;
	s0 =	sand.u32 $0x1, s25;
	s25 =	smul.u32 $0xA000, s24  }
0xe: {  	p2 =	slt.u32 s24, $0x7D;
	s9 =	sshrl.u32 s9, $0x2;
	s24 =	smul.u32 $0x500, s24  }
0xf: {  	s8 =	ssub.s32 $0x2, s0;
	s10 =	sshrl.u32 s10, $0x2;
	s9 =	sadd.s32 s9, s2  }
0x10: {  	s26 =	sshrl.u32 s14, $0x2;
	p0 =	sne.s32 s0, $0x0;
	s0 =	smul.u32 $0x500, s1  }
0x11: {  	s28 =	sshrl.u32 s16, $0x2;
	s29 =	sshrl.u32 s19, $0x2;
	s19 =	smul.u32 $0x500, s13  }
0x12: {  	s30 =	sshrl.u32 s21, $0x2;
	s21 =	smul.u32 $0x500, s15;
	s16 =	sshrl.u32 s23, $0x2  }
0x13: {  	s31 =	sadd.s32 s7, s22;
	s11 =	sshrl.u32 s8, $0x1;
	s10 =	sadd.s32 s10, s2  }
0x14: {  	s13 =	sadd.s32 s29, s2;
	s14 =	sadd.s32 s30, s2;
	s15 =	sadd.s32 s16, s2  }
0x15: {  	s23 =	sshrl.u32 s25, $0x2;
	[dreg:$0x3] =	wrdreg s24;
	s8 =	ssub.s32 s8, s11  }
0x16: {  	s11 =	sadd.s32 s26, s2;
	s26 =	smul.u32 $0x500, s12;
	s25 =	sadd.s32 s7, s0  }
0x17: {  	s12 =	sadd.s32 s28, s2;
	s0 =	sadd.s32 s6, s0;
	[dreg:$0x4] =	wrdreg s25  }
0x18: {  	s16 =	sadd.s32 s23, s2;
	s30 =	sadd.s32 s7, s19;
	[dreg:$0x5] =	wrdreg s0  }
0x19: {  	s23 =	sadd.s32 s6, s19;
	s24 =	sadd.s32 s7, s21;
	[dreg:$0x8] =	wrdreg s30  }
0x1a: {  	s19 =	simm.s32 $0x100;
	s8 =	smax.u32 s8, $0x1;
	[dreg:$0x9] =	wrdreg s23  }
0x1b: {  	[dreg:$0xa] =	wrdreg s24;
	s25 =	sadd.s32 s6, s21;
	s30 =	sadd.s32 s6, s20  }
0x1c: {  	s0 =	sadd.s32 s6, s22;
	s21 =	simm.s32 $0x80;
	[dreg:$0xb] =	wrdreg s25  }
0x1d: {  	s22 =	simm.s32 $0x50;
	s28 =	sadd.s32 s7, s26;
	[dreg:$0xf] =	wrdreg s30  }
.Ltmp0:
0x1e: {  	s29 =	sadd.s32 s6, s26;
	[dreg:$0x6] =	wrdreg s28;
	(pc) =	sbr.rel .LBB2_1-.Ltmp0, $4  }
0x1f: {  	s23 =	simm.s32 $0x1;
	s26 =	sadd.s32 s7, s17;
	[dreg:$0x7] =	wrdreg s29  }
0x20: {  	s24 =	simm.s32 $0x0;
	[dreg:$0xc] =	wrdreg s26;
	s28 =	sadd.s32 s6, s17  }
0x21: {  	s29 =	sadd.s32 s7, s20;
	s17 =	sadd.s32 $0x8800, s18;
	[dreg:$0xd] =	wrdreg s28  }
0x22: {  	v0 =	vimm.f32 $0.0e+00;
	s18 =	sadd.s32 $0x12600, s18;
	s20 =	simm.s32 $0x2;
	[dreg:$0xe] =	wrdreg s29  }
.LBB2_10:
0x23: {  	s26 =	sshll.u32 s1, $0x6;
	s28 =	rddreg [dreg:$0x3]  }
0x24: {  	s30 =	sshrl.u32 s16, $0x3;
	s25 =	sadd.s32 s25, s28;
	s26 =	sor.u32 $0x1C02, s26  }
0x25: {  	[hbm:s25], [sflag:s26] =	dma.local [spmem:s30], $0x500  }
0x26: {  	_ =	swait.ge [sflag:s20], $0x500  }
0x27: {  	[sflag:s20] =	ssyncset.done $0x0  }
0x28: {  	[sflag:s20] =	ssyncadd.s32 $0xFFFFFB00  }
.LBB2_11:
0x29: {  	s24 =	sadd.s32 $0x1, s24  }
0x2a: {  	p3 =	sne.s32 s24, s8  }
.Ltmp1:
0x2b: {  	_ = 	snop;
	(pc) =	sbr.rel @!p3 .LBB2_12-.Ltmp1, $1  }
0x2c: {  	_ =	sdelay $0x3  }
.LBB2_1:
0x2d: {  	s25 =	simm.s32 $0x0;
	s26 =	simm.s32 $0x200  }
.LBB2_2:
0x2e: {  	p3 =	sne.s32 s26, $0x9E00;
	[tilespmem:s25+$0x170] =	vst v0  }
0x2f: {  	[tilespmem:s25+$0x100] =	vst v0  }
0x30: {  	[tilespmem:s25+$0x110] =	vst v0  }
.Ltmp2:
0x31: {  	[tilespmem:s25+$0x120] =	vst v0;
	(pc) =	sbr.rel @p3 .LBB2_2-.Ltmp2, $4  }
0x32: {  	[tilespmem:s25+$0x130] =	vst v0  }
0x33: {  	[tilespmem:s25+$0x140] =	vst v0  }
0x34: {  	[tilespmem:s25+$0x150] =	vst v0  }
0x35: {  	[tilespmem:s25+$0x160] =	vst v0;
	s25 =	sshra.s32 s26, $0x2;
	s26 =	sadd.s32 $0x200, s26  }
0x36: {  	[tilespmem:s25+$0x170] =	vst v0  }
0x37: {  	[tilespmem:s25+$0x100] =	vst v0  }
0x38: {  	[tilespmem:s25+$0x110] =	vst v0  }
0x39: {  	[tilespmem:s25+$0x120] =	vst v0  }
0x3a: {  	[tilespmem:s25+$0x130] =	vst v0  }
0x3b: {  	[tilespmem:s25+$0x140] =	vst v0  }
0x3c: {  	[tilespmem:s25+$0x150] =	vst v0  }
0x3d: {  	[tilespmem:s25+$0x160] =	vst v0  }
0x3e: {  	[spmem:s9] =	stream.linear.scatter [tilespmem:s19], [sflag:$0x2], $0x2800, $0x38;
	[tilespmem:$0x16180] =	vst v63  }
0x3f: {  	_ =	swait.ge [sflag:s20], $0x2800  }
0x40: {  	[sflag:s20] =	ssyncset.done $0x0  }
0x41: {  	[sflag:s20] =	ssyncadd.s32 $0xFFFFD800  }
0x42: {  	[spmem:s10] =	stream.linear.scatter [tilespmem:s19], [sflag:$0x2], $0x2800, $0x38;
	[tilespmem:$0x16180] =	vst v63  }
0x43: {  	_ =	swait.ge [sflag:s20], $0x2800  }
0x44: {  	[sflag:s20] =	ssyncset.done $0x0  }
0x45: {  	[sflag:s20] =	ssyncadd.s32 $0xFFFFD800  }
0x46: {  	[spmem:s11] =	stream.linear.scatter [tilespmem:s19], [sflag:$0x2], $0x2800, $0x38;
	[tilespmem:$0x16180] =	vst v63  }
0x47: {  	_ =	swait.ge [sflag:s20], $0x2800  }
0x48: {  	[sflag:s20] =	ssyncset.done $0x0  }
0x49: {  	[sflag:s20] =	ssyncadd.s32 $0xFFFFD800  }
0x4a: {  	[spmem:s12] =	stream.linear.scatter [tilespmem:s19], [sflag:$0x2], $0x2800, $0x38;
	[tilespmem:$0x16180] =	vst v63  }
0x4b: {  	_ =	swait.ge [sflag:s20], $0x2800  }
0x4c: {  	[sflag:s20] =	ssyncset.done $0x0  }
0x4d: {  	[sflag:s20] =	ssyncadd.s32 $0xFFFFD800  }
0x4e: {  	[spmem:s13] =	stream.linear.scatter [tilespmem:s19], [sflag:$0x2], $0x2800, $0x38;
	[tilespmem:$0x16180] =	vst v63  }
0x4f: {  	_ =	swait.ge [sflag:s20], $0x2800  }
0x50: {  	[sflag:s20] =	ssyncset.done $0x0  }
0x51: {  	[sflag:s20] =	ssyncadd.s32 $0xFFFFD800  }
0x52: {  	[spmem:s14] =	stream.linear.scatter [tilespmem:s19], [sflag:$0x2], $0x2800, $0x38;
	[tilespmem:$0x16180] =	vst v63  }
0x53: {  	_ =	swait.ge [sflag:s20], $0x2800  }
0x54: {  	[sflag:s20] =	ssyncset.done $0x0  }
0x55: {  	[sflag:s20] =	ssyncadd.s32 $0xFFFFD800  }
0x56: {  	[spmem:s15] =	stream.linear.scatter [tilespmem:s19], [sflag:$0x2], $0x2800, $0x38;
	[tilespmem:$0x16180] =	vst v63  }
0x57: {  	_ =	swait.ge [sflag:s20], $0x2800  }
0x58: {  	[sflag:s20] =	ssyncset.done $0x0  }
0x59: {  	s25 =	simm.s32 @!p1 $0x100;
	[sflag:s20] =	ssyncadd.s32 $0xFFFFD800  }
0x5a: {  	[spmem:s16] =	stream.linear.scatter @!p1 [tilespmem:s25], [sflag:$0x2], $0x2800, $0x38;
	[tilespmem:$0x16180] =	vst v63  }
0x5b: {  	s25 =	simm.s32 @!p1 $0x2  }
.Ltmp3:
0x5c: {  	_ =	swait.ge @!p1 [sflag:s25], $0x2800;
	(pc) =	sbr.rel @p0 .LBB2_7-.Ltmp3, $4  }
0x5d: {  	[sflag:s25] =	ssyncset.done @!p1 $0x0  }
0x5e: {  	[sflag:s25] =	ssyncadd.s32 @!p1 $0xFFFFD800  }
0x5f: {  	[bflag:$0x0] =	sbarrier.arrive $0xFFFF  }
0x60: {  	s25 =	sadd.s32 $0x0, s18  }
0x61: {  	[tilespmem:s3], [sflag:$0x2] =	stream.linear.gather [hbm4b:s25+s3], $0x50, $0x38;
	[tilespmem:$0x16180] =	vst v63  }
0x62: {  	_ =	swait.ge [sflag:s20], $0x50  }
0x63: {  	[sflag:s20] =	ssyncset.done $0x0  }
0x64: {  	s30 =	sadd.s32 $0x0, s17;
	[sflag:s20] =	ssyncadd.s32 $0xFFFFFFB0  }
0x65: {  	[tilespmem:s21], [sflag:$0x2] =	stream.linear.gather [hbm4b:s30+s3], $0x50, $0x38;
	[tilespmem:$0x16180] =	vst v63  }
0x66: {  	_ =	swait.ge [sflag:s20], $0x50  }
0x67: {  	[sflag:s20] =	ssyncset.done $0x0  }
0x68: {  	[sflag:s20] =	ssyncadd.s32 $0xFFFFFFB0  }
0x69: {  	[tilespmem:s19], [sflag:$0x1] =	stream.indirect.gather [hbm4b:s4+s22], $0x80, s3, s22, $0xb8;
	[tilespmem:$0x16180] =	vst v63  }
0x6a: {  	_ =	swait.ge [sflag:s23], $0x2800  }
0x6b: {  	[sflag:s23] =	ssyncset.done $0x0  }
0x6c: {  	[sflag:s23] =	ssyncadd.s32 $0xFFFFD800  }
0x6d: {  	[spmem:s2] =	stream.indirect.scatter.add.f32 [tilespmem:s19], [sflag:$0x2], $0x80, s21, s22, $0xb8;
	[tilespmem:$0x16180] =	vst v63  }
0x6e: {  	_ =	swait.ge [sflag:s20], $0x2800  }
0x6f: {  	s25 =	simm.s32 $0xA;
	s26 =	simm.s32 $0x14;
	[sflag:s20] =	ssyncset.done $0x0  }
.LBB2_5:
0x70: {  	s28 =	sadd.s32 s25, s18  }
0x71: {  	[sflag:s20] =	ssyncadd.s32 $0xFFFFD800;
	s29 =	smov.u32 s26;
	s30 =	sadd.s32 $0xA, s26  }
0x72: {  	[tilespmem:s3], [sflag:$0x2] =	stream.linear.gather [hbm4b:s28+s3], $0x50, $0x38;
	[tilespmem:$0x16180] =	vst v63  }
0x73: {  	p3 =	seq.s32 s26, $0x9BA;
	_ =	swait.ge [sflag:s20], $0x50  }
0x74: {  	[sflag:s20] =	ssyncset.done $0x0  }
0x75: {  	s26 =	sadd.s32 s25, s17;
	s25 =	smov.u32 s29;
	[sflag:s20] =	ssyncadd.s32 $0xFFFFFFB0  }
0x76: {  	[tilespmem:s21], [sflag:$0x2] =	stream.linear.gather [hbm4b:s26+s3], $0x50, $0x38;
	[tilespmem:$0x16180] =	vst v63  }
0x77: {  	_ =	swait.ge [sflag:s20], $0x50  }
0x78: {  	[sflag:s20] =	ssyncset.done $0x0  }
0x79: {  	[sflag:s20] =	ssyncadd.s32 $0xFFFFFFB0  }
0x7a: {  	[tilespmem:s19], [sflag:$0x1] =	stream.indirect.gather [hbm4b:s4+s22], $0x80, s3, s22, $0xb8;
	[tilespmem:$0x16180] =	vst v63  }
0x7b: {  	_ =	swait.ge [sflag:s23], $0x2800  }
.Ltmp4:
0x7c: {  	[sflag:s23] =	ssyncset.done $0x0;
	(pc) =	sbr.rel @!p3 .LBB2_5-.Ltmp4, $4  }
0x7d: {  	[sflag:s23] =	ssyncadd.s32 $0xFFFFD800  }
0x7e: {  	[spmem:s2] =	stream.indirect.scatter.add.f32 [tilespmem:s19], [sflag:$0x2], $0x80, s21, s22, $0xb8;
	[tilespmem:$0x16180] =	vst v63  }
0x7f: {  	_ =	swait.ge [sflag:s20], $0x2800  }
0x80: {  	s26 =	smov.u32 s30;
	[sflag:s20] =	ssyncset.done $0x0  }
0x81: {  	s26 =	sadd.s32 s25, s18;
	[sflag:s20] =	ssyncadd.s32 $0xFFFFD800  }
0x82: {  	[tilespmem:s3], [sflag:$0x2] =	stream.linear.gather [hbm4b:s26+s3], $0x50, $0x38;
	[tilespmem:$0x16180] =	vst v63  }
0x83: {  	_ =	swait.ge [sflag:s20], $0x50  }
0x84: {  	[sflag:s20] =	ssyncset.done $0x0  }
0x85: {  	s26 =	sadd.s32 s25, s17;
	[sflag:s20] =	ssyncadd.s32 $0xFFFFFFB0  }
0x86: {  	[tilespmem:s21], [sflag:$0x2] =	stream.linear.gather [hbm4b:s26+s3], $0x50, $0x38;
	[tilespmem:$0x16180] =	vst v63  }
0x87: {  	_ =	swait.ge [sflag:s20], $0x50  }
0x88: {  	[sflag:s20] =	ssyncset.done $0x0  }
0x89: {  	[sflag:s20] =	ssyncadd.s32 $0xFFFFFFB0  }
0x8a: {  	[tilespmem:s19], [sflag:$0x1] =	stream.indirect.gather [hbm4b:s4+s22], $0x80, s3, s22, $0xb8;
	[tilespmem:$0x16180] =	vst v63  }
0x8b: {  	_ =	swait.ge [sflag:s23], $0x2800  }
0x8c: {  	[sflag:s23] =	ssyncset.done $0x0  }
0x8d: {  	[sflag:s23] =	ssyncadd.s32 $0xFFFFD800  }
0x8e: {  	[spmem:s2] =	stream.indirect.scatter.add.f32 [tilespmem:s19], [sflag:$0x2], $0x80, s21, s22, $0xb8;
	[tilespmem:$0x16180] =	vst v63  }
0x8f: {  	_ =	swait.ge [sflag:s20], $0x2800  }
0x90: {  	[sflag:s20] =	ssyncset.done $0x0  }
0x91: {  	[sflag:s20] =	ssyncadd.s32 $0xFFFFD800  }
0x92: {  	s28 =	sshll.u32 s1, $0x6;
	[bflag:$0x0] =	sbarrier.arrive $0xFFFF  }
0x93: {  	s29 =	sshrl.u32 s9, $0x3;
	s25 =	sor.u32 $0x1C02, s28;
	s28 =	rddreg [dreg:$0x5]  }
0x94: {  	[hbm:s28], [sflag:s25] =	dma.local [spmem:s29], $0x500  }
0x95: {  	_ =	swait.ge [sflag:s20], $0x500  }
0x96: {  	[sflag:s20] =	ssyncset.done $0x0  }
0x97: {  	s30 =	sshrl.u32 s10, $0x3;
	s29 =	rddreg [dreg:$0x7];
	[sflag:s20] =	ssyncadd.s32 $0xFFFFFB00  }
0x98: {  	[hbm:s29], [sflag:s25] =	dma.local [spmem:s30], $0x500  }
0x99: {  	_ =	swait.ge [sflag:s20], $0x500  }
0x9a: {  	[sflag:s20] =	ssyncset.done $0x0  }
0x9b: {  	s30 =	sshrl.u32 s11, $0x3;
	s29 =	rddreg [dreg:$0x9];
	[sflag:s20] =	ssyncadd.s32 $0xFFFFFB00  }
0x9c: {  	[hbm:s29], [sflag:s25] =	dma.local [spmem:s30], $0x500  }
0x9d: {  	_ =	swait.ge [sflag:s20], $0x500  }
0x9e: {  	[sflag:s20] =	ssyncset.done $0x0  }
0x9f: {  	s30 =	sshrl.u32 s12, $0x3;
	s29 =	rddreg [dreg:$0xb];
	[sflag:s20] =	ssyncadd.s32 $0xFFFFFB00  }
0xa0: {  	[hbm:s29], [sflag:s25] =	dma.local [spmem:s30], $0x500  }
0xa1: {  	_ =	swait.ge [sflag:s20], $0x500  }
0xa2: {  	[sflag:s20] =	ssyncset.done $0x0  }
0xa3: {  	s30 =	sshrl.u32 s13, $0x3;
	s29 =	rddreg [dreg:$0xd];
	[sflag:s20] =	ssyncadd.s32 $0xFFFFFB00  }
0xa4: {  	[hbm:s29], [sflag:s25] =	dma.local [spmem:s30], $0x500  }
0xa5: {  	_ =	swait.ge [sflag:s20], $0x500  }
0xa6: {  	[sflag:s20] =	ssyncset.done $0x0  }
0xa7: {  	s30 =	sshrl.u32 s14, $0x3;
	s29 =	rddreg [dreg:$0xf];
	[sflag:s20] =	ssyncadd.s32 $0xFFFFFB00  }
0xa8: {  	[hbm:s29], [sflag:s25] =	dma.local [spmem:s30], $0x500  }
0xa9: {  	_ =	swait.ge [sflag:s20], $0x500  }
0xaa: {  	[sflag:s20] =	ssyncset.done $0x0  }
0xab: {  	s30 =	sshrl.u32 s15, $0x3;
	[sflag:s20] =	ssyncadd.s32 $0xFFFFFB00  }
0xac: {  	[hbm:s0], [sflag:s25] =	dma.local [spmem:s30], $0x500  }
.Ltmp5:
0xad: {  	_ = 	snop;
	(pc) =	sbr.rel @p2 .LBB2_10-.Ltmp5, $4  }
.Ltmp6:
0xae: {  	_ = 	snop;
	(pc) =	sbr.rel @!p2 .LBB2_11-.Ltmp6, $4  }
0xaf: {  	_ =	swait.ge [sflag:s20], $0x500  }
0xb0: {  	[sflag:s20] =	ssyncset.done $0x0  }
0xb1: {  	s25 =	smov.u32 s6;
	[sflag:s20] =	ssyncadd.s32 $0xFFFFFB00  }
0xb2: {  	_ = 	snop  }
.LBB2_7:
0xb3: {  	[tilespmem:s3], [sflag:$0x2] =	stream.linear.gather [hbm4b:s25+s3], $0x50, $0x38;
	[tilespmem:$0x16180] =	vst v63  }
0xb4: {  	_ =	swait.ge [sflag:s20], $0x50  }
0xb5: {  	[sflag:s20] =	ssyncset.done $0x0  }
0xb6: {  	s30 =	sadd.s32 $0x0, s17;
	[sflag:s20] =	ssyncadd.s32 $0xFFFFFFB0  }
0xb7: {  	[tilespmem:s21], [sflag:$0x2] =	stream.linear.gather [hbm4b:s30+s3], $0x50, $0x38;
	[tilespmem:$0x16180] =	vst v63  }
0xb8: {  	_ =	swait.ge [sflag:s20], $0x50  }
0xb9: {  	[sflag:s20] =	ssyncset.done $0x0  }
0xba: {  	[sflag:s20] =	ssyncadd.s32 $0xFFFFFFB0  }
0xbb: {  	[tilespmem:s19], [sflag:$0x1] =	stream.indirect.gather [hbm4b:s5+s22], $0x80, s3, s22, $0xb8;
	[tilespmem:$0x16180] =	vst v63  }
0xbc: {  	_ =	swait.ge [sflag:s23], $0x2800  }
0xbd: {  	[sflag:s23] =	ssyncset.done $0x0  }
0xbe: {  	[sflag:s23] =	ssyncadd.s32 $0xFFFFD800  }
0xbf: {  	[spmem:s2] =	stream.indirect.scatter.add.f32 [tilespmem:s19], [sflag:$0x2], $0x80, s21, s22, $0xb8;
	[tilespmem:$0x16180] =	vst v63  }
0xc0: {  	_ =	swait.ge [sflag:s20], $0x2800  }
0xc1: {  	s25 =	simm.s32 $0xA;
	s26 =	simm.s32 $0x14;
	[sflag:s20] =	ssyncset.done $0x0  }
.LBB2_8:
0xc2: {  	s28 =	sadd.s32 s25, s18  }
0xc3: {  	[sflag:s20] =	ssyncadd.s32 $0xFFFFD800;
	s29 =	smov.u32 s26;
	s30 =	sadd.s32 $0xA, s26  }
0xc4: {  	[tilespmem:s3], [sflag:$0x2] =	stream.linear.gather [hbm4b:s28+s3], $0x50, $0x38;
	[tilespmem:$0x16180] =	vst v63  }
0xc5: {  	p3 =	seq.s32 s26, $0x9BA;
	_ =	swait.ge [sflag:s20], $0x50  }
0xc6: {  	[sflag:s20] =	ssyncset.done $0x0  }
0xc7: {  	s26 =	sadd.s32 s25, s17;
	s25 =	smov.u32 s29;
	[sflag:s20] =	ssyncadd.s32 $0xFFFFFFB0  }
0xc8: {  	[tilespmem:s21], [sflag:$0x2] =	stream.linear.gather [hbm4b:s26+s3], $0x50, $0x38;
	[tilespmem:$0x16180] =	vst v63  }
0xc9: {  	_ =	swait.ge [sflag:s20], $0x50  }
0xca: {  	[sflag:s20] =	ssyncset.done $0x0  }
0xcb: {  	[sflag:s20] =	ssyncadd.s32 $0xFFFFFFB0  }
0xcc: {  	[tilespmem:s19], [sflag:$0x1] =	stream.indirect.gather [hbm4b:s5+s22], $0x80, s3, s22, $0xb8;
	[tilespmem:$0x16180] =	vst v63  }
0xcd: {  	_ =	swait.ge [sflag:s23], $0x2800  }
.Ltmp7:
0xce: {  	[sflag:s23] =	ssyncset.done $0x0;
	(pc) =	sbr.rel @!p3 .LBB2_8-.Ltmp7, $4  }
0xcf: {  	[sflag:s23] =	ssyncadd.s32 $0xFFFFD800  }
0xd0: {  	[spmem:s2] =	stream.indirect.scatter.add.f32 [tilespmem:s19], [sflag:$0x2], $0x80, s21, s22, $0xb8;
	[tilespmem:$0x16180] =	vst v63  }
0xd1: {  	_ =	swait.ge [sflag:s20], $0x2800  }
0xd2: {  	s26 =	smov.u32 s30;
	[sflag:s20] =	ssyncset.done $0x0  }
0xd3: {  	s26 =	sadd.s32 s25, s18;
	[sflag:s20] =	ssyncadd.s32 $0xFFFFD800  }
0xd4: {  	[tilespmem:s3], [sflag:$0x2] =	stream.linear.gather [hbm4b:s26+s3], $0x50, $0x38;
	[tilespmem:$0x16180] =	vst v63  }
0xd5: {  	_ =	swait.ge [sflag:s20], $0x50  }
0xd6: {  	[sflag:s20] =	ssyncset.done $0x0  }
0xd7: {  	s26 =	sadd.s32 s25, s17;
	[sflag:s20] =	ssyncadd.s32 $0xFFFFFFB0  }
0xd8: {  	[tilespmem:s21], [sflag:$0x2] =	stream.linear.gather [hbm4b:s26+s3], $0x50, $0x38;
	[tilespmem:$0x16180] =	vst v63  }
0xd9: {  	_ =	swait.ge [sflag:s20], $0x50  }
0xda: {  	[sflag:s20] =	ssyncset.done $0x0  }
0xdb: {  	[sflag:s20] =	ssyncadd.s32 $0xFFFFFFB0  }
0xdc: {  	[tilespmem:s19], [sflag:$0x1] =	stream.indirect.gather [hbm4b:s5+s22], $0x80, s3, s22, $0xb8;
	[tilespmem:$0x16180] =	vst v63  }
0xdd: {  	_ =	swait.ge [sflag:s23], $0x2800  }
0xde: {  	[sflag:s23] =	ssyncset.done $0x0  }
0xdf: {  	[sflag:s23] =	ssyncadd.s32 $0xFFFFD800  }
0xe0: {  	[spmem:s2] =	stream.indirect.scatter.add.f32 [tilespmem:s19], [sflag:$0x2], $0x80, s21, s22, $0xb8;
	[tilespmem:$0x16180] =	vst v63  }
0xe1: {  	_ =	swait.ge [sflag:s20], $0x2800  }
0xe2: {  	[sflag:s20] =	ssyncset.done $0x0  }
0xe3: {  	[sflag:s20] =	ssyncadd.s32 $0xFFFFD800  }
0xe4: {  	s28 =	sshll.u32 s1, $0x6;
	[bflag:$0x0] =	sbarrier.arrive $0xFFFF  }
0xe5: {  	s29 =	sshrl.u32 s9, $0x3;
	s25 =	sor.u32 $0x1C02, s28;
	s28 =	rddreg [dreg:$0x4]  }
0xe6: {  	[hbm:s28], [sflag:s25] =	dma.local [spmem:s29], $0x500  }
0xe7: {  	_ =	swait.ge [sflag:s20], $0x500  }
0xe8: {  	[sflag:s20] =	ssyncset.done $0x0  }
0xe9: {  	s30 =	sshrl.u32 s10, $0x3;
	s29 =	rddreg [dreg:$0x6];
	[sflag:s20] =	ssyncadd.s32 $0xFFFFFB00  }
0xea: {  	[hbm:s29], [sflag:s25] =	dma.local [spmem:s30], $0x500  }
0xeb: {  	_ =	swait.ge [sflag:s20], $0x500  }
0xec: {  	[sflag:s20] =	ssyncset.done $0x0  }
0xed: {  	s30 =	sshrl.u32 s11, $0x3;
	s29 =	rddreg [dreg:$0x8];
	[sflag:s20] =	ssyncadd.s32 $0xFFFFFB00  }
0xee: {  	[hbm:s29], [sflag:s25] =	dma.local [spmem:s30], $0x500  }
0xef: {  	_ =	swait.ge [sflag:s20], $0x500  }
0xf0: {  	[sflag:s20] =	ssyncset.done $0x0  }
0xf1: {  	s30 =	sshrl.u32 s12, $0x3;
	s29 =	rddreg [dreg:$0xa];
	[sflag:s20] =	ssyncadd.s32 $0xFFFFFB00  }
0xf2: {  	[hbm:s29], [sflag:s25] =	dma.local [spmem:s30], $0x500  }
0xf3: {  	_ =	swait.ge [sflag:s20], $0x500  }
0xf4: {  	[sflag:s20] =	ssyncset.done $0x0  }
0xf5: {  	s30 =	sshrl.u32 s13, $0x3;
	s29 =	rddreg [dreg:$0xc];
	[sflag:s20] =	ssyncadd.s32 $0xFFFFFB00  }
0xf6: {  	[hbm:s29], [sflag:s25] =	dma.local [spmem:s30], $0x500  }
0xf7: {  	_ =	swait.ge [sflag:s20], $0x500  }
0xf8: {  	[sflag:s20] =	ssyncset.done $0x0  }
0xf9: {  	s30 =	sshrl.u32 s14, $0x3;
	s29 =	rddreg [dreg:$0xe];
	[sflag:s20] =	ssyncadd.s32 $0xFFFFFB00  }
0xfa: {  	[hbm:s29], [sflag:s25] =	dma.local [spmem:s30], $0x500  }
0xfb: {  	_ =	swait.ge [sflag:s20], $0x500  }
0xfc: {  	[sflag:s20] =	ssyncset.done $0x0  }
0xfd: {  	s30 =	sshrl.u32 s15, $0x3;
	[sflag:s20] =	ssyncadd.s32 $0xFFFFFB00  }
0xfe: {  	[hbm:s31], [sflag:s25] =	dma.local [spmem:s30], $0x500  }
.Ltmp8:
0xff: {  	_ = 	snop;
	(pc) =	sbr.rel @p1 .LBB2_11-.Ltmp8, $4  }
.Ltmp9:
0x100: {  	_ = 	snop;
	(pc) =	sbr.rel @!p1 .LBB2_10-.Ltmp9, $4  }
0x101: {  	_ =	swait.ge [sflag:s20], $0x500  }
0x102: {  	[sflag:s20] =	ssyncset.done $0x0  }
0x103: {  	s25 =	smov.u32 s7;
	[sflag:s20] =	ssyncadd.s32 $0xFFFFFB00  }
0x104: {  	_ = 	snop  }
.LBB2_12:
0x105: {  	_ =	sfence.sel $0x180000  }
0x106: {  	[bflag:$0x0] =	sbarrier.arrive $0xFFFF  }
0x107: {  	_ =	strace $0x9000004D  }
0x108: {  	[bflag:$0x2] =	sbarrier.arrive $0xFFFF  }
0x109: {  	p0 =	sne.s32 s1, $0x0;
	s0 =	rddreg [dreg:$0x2]  }
0x10a: {  	s0 =	sadd.s32 @!p0 $0x100000, s0  }
0x10b: {  	[sflag:s0] =	ssyncadd.tile.s32 @!p0 $0x1;
	_ =	shalt  }
.Lfunc_end2:
_tile_overlayer_lowered:
.L_overlay_start_2:
0x10c: {  	(tag) =	ssettag $0x2  }
0x10d: {  	s0 =	rddreg [dreg:$0x0];
	s2 =	stileid.u32  }
0x10e: {  	s1 =	rddreg [dreg:$0x1];
	p0 =	sne.s32 s2, $0x0  }
0x10f: {  	s3 =	rddreg [dreg:$0x2];
	[bflag:$0x3] =	sbarrier.arrive $0xFFFF;
	s2 =	simm.s32 @!p0 $0x1C02  }
0x110: {  	[timem:s3], [sflag:s2] =	dma.local @!p0 [hbm:s0], s1  }
0x111: {  	s0 =	simm.s32 @!p0 $0x2  }
0x112: {  	_ =	swait.ge @!p0 [sflag:s0], s1  }
0x113: {  	s1 =	ssub.s32 @!p0 $0x0, s1;
	[sflag:s0] =	ssyncset.done @!p0 $0x0  }
0x114: {  	[sflag:s0] =	ssyncadd.s32 @!p0 s1  }
0x115: {  	[bflag:$0x3] =	sbarrier.arrive $0xFFFF  }
0x116: {  	_ =	shalt  }

</sc_bundles>
